<compile_context>
chip_gen: v7x
topology: tpu7x:2x2x1
jax: 0.10.2.dev20260603
libtpu: 0.0.44.dev20260713+nightly
codegen_flags: <defaults>
</compile_context>

<pallas_src>
import functools

import jax
import jax.numpy as jnp
from jax import lax
from jax.experimental import pallas as pl
from jax.experimental.pallas import tpu as pltpu
from jax.experimental.pallas import tpu_sc as plsc

N_NODES = 10000
D = 128
N_EDGES = 320000
CHUNK = 128
N_CHUNKS = N_EDGES // CHUNK
N_SUBCORES = 16
FULL_ROUNDS = N_CHUNKS // N_SUBCORES
TAIL = N_CHUNKS - FULL_ROUNDS * N_SUBCORES
SLAB_ROWS = 1000
N_SLABS = N_NODES // SLAB_ROWS

ROW_BLK = 2000


def _tc_body(uf, itf, wu, bu, wi, bi, wum, bum, wim, bim,
             uemb, gu, iemb, gi):
    dn = (((1,), (1,)), ((), ()))
    u = uf[...]
    t = itf[...]
    uemb[...] = lax.dot_general(u, wu[...], dn, preferred_element_type=jnp.float32) + bu[...]
    gu[...] = lax.dot_general(u, wum[...], dn, preferred_element_type=jnp.float32) + bum[...]
    iemb[...] = lax.dot_general(t, wi[...], dn, preferred_element_type=jnp.float32) + bi[...]
    gi[...] = lax.dot_general(t, wim[...], dn, preferred_element_type=jnp.float32) + bim[...]


def _tc_stage(uf, itf, Wu, bu, Wi, bi, Wum, bum, Wim, bim):
    blk = pl.BlockSpec((ROW_BLK, D), lambda i: (i, 0))
    full = pl.BlockSpec((D, D), lambda i: (0, 0))
    bias = pl.BlockSpec((1, D), lambda i: (0, 0))
    out_sds = jax.ShapeDtypeStruct((N_NODES, D), jnp.float32)
    return pl.pallas_call(
        _tc_body,
        grid=(N_NODES // ROW_BLK,),
        in_specs=[blk, blk, full, bias, full, bias, full, bias, full, bias],
        out_specs=[blk, blk, blk, blk],
        out_shape=[out_sds, out_sds, out_sds, out_sds],
    )(uf, itf, Wu, bu.reshape(1, D), Wi, bi.reshape(1, D),
      Wum, bum.reshape(1, D), Wim, bim.reshape(1, D))


def _run_chunks(s, src_g, src_idx_hbm, dst_idx_hbm,
                accum, idx_s, idx_d, rows, gsem, ssem, isem):
    n = FULL_ROUNDS

    def base(j):
        return (s + j * N_SUBCORES) * CHUNK

    def fire_idx(q, j):
        pltpu.async_copy(src_idx_hbm.at[pl.ds(base(j), CHUNK)], idx_s[q], isem[q])
        pltpu.async_copy(dst_idx_hbm.at[pl.ds(base(j), CHUNK)], idx_d[q], isem[q])

    def wait_idx(q, j):
        pltpu.make_async_copy(src_idx_hbm.at[pl.ds(base(j), CHUNK)], idx_s[q], isem[q]).wait()
        pltpu.make_async_copy(dst_idx_hbm.at[pl.ds(base(j), CHUNK)], idx_d[q], isem[q]).wait()

    def fire_gather(r, q):
        pltpu.async_copy(src_g.at[idx_s[q]], rows[r], gsem[r])

    def wait_gather(r, q):
        pltpu.make_async_copy(src_g.at[idx_s[q]], rows[r], gsem[r]).wait()

    def fire_scatter(r, q):
        pltpu.async_copy(rows[r], accum.at[idx_d[q]], ssem[r], add=True)

    def wait_scatter(r, q):
        pltpu.make_async_copy(rows[r], accum.at[idx_d[q]], ssem[r]).wait()

    def step(j, u):
        q, r = u, u % 2
        if not (isinstance(j, int) and j == 0):
            wait_scatter((r + 1) % 2, (q + 3) % 4)
        if not isinstance(j, int) or j + 2 < n:
            fire_idx((q + 2) % 4, j + 2)
        if not isinstance(j, int) or j + 1 < n:
            wait_idx((q + 1) % 4, j + 1)
            fire_gather((r + 1) % 2, (q + 1) % 4)
        wait_gather(r, q)
        fire_scatter(r, q)

    fire_idx(0, 0)
    fire_idx(1, 1)
    wait_idx(0, 0)
    fire_gather(0, 0)

    for j in range(4):
        step(j, j % 4)

    def quad(m, carry):
        for u in range(4):
            step(4 + 4 * m + u, u)
        return carry

    n_quads = (n - 8) // 4
    lax.fori_loop(0, n_quads, quad, 0)

    for j in range(n - 4, n):
        step(j, j % 4)

    wait_scatter((n - 1) % 2, (n - 1) % 4)


def _run_tail_chunk(s, src_g, src_idx_hbm, dst_idx_hbm,
                    accum, idx_s, idx_d, rows, gsem, ssem, isem):
    b = (s + FULL_ROUNDS * N_SUBCORES) * CHUNK
    pltpu.sync_copy(src_idx_hbm.at[pl.ds(b, CHUNK)], idx_s[0])
    pltpu.sync_copy(dst_idx_hbm.at[pl.ds(b, CHUNK)], idx_d[0])
    pltpu.async_copy(src_g.at[idx_s[0]], rows[0], gsem[0]).wait()
    pltpu.sync_copy(rows[0], accum.at[idx_d[0]], add=True)


def _sc_direction(src_g, init_emb, src_idx_hbm, dst_idx_hbm, out_hbm,
                  accum, idxs_s, idxs_d, rows, gsem, ssem, isem, s):
    slab = pl.ds(s * SLAB_ROWS, SLAB_ROWS)

    @pl.when(s < N_SLABS)
    def _init():
        pltpu.sync_copy(init_emb.at[slab], accum.at[slab])

    plsc.subcore_barrier()

    _run_chunks(s, src_g, src_idx_hbm, dst_idx_hbm,
                accum, idxs_s, idxs_d, rows, gsem, ssem, isem)

    @pl.when(s < TAIL)
    def _tail():
        _run_tail_chunk(s, src_g, src_idx_hbm, dst_idx_hbm,
                        accum, idxs_s, idxs_d, rows, gsem, ssem, isem)

    plsc.subcore_barrier()

    @pl.when(s < N_SLABS)
    def _writeout():
        pltpu.sync_copy(accum.at[slab], out_hbm.at[slab])


def _sc_body(gu, gi, uemb, iemb, uidx, iidx, user_out, item_out,
             accum, is0, is1, is2, is3, id0, id1, id2, id3, rows0, rows1,
             gsem0, gsem1, ssem0, ssem1, isem0, isem1, isem2, isem3):
    c = lax.axis_index("c")
    s = lax.axis_index("s")
    idxs_s, idxs_d = (is0, is1, is2, is3), (id0, id1, id2, id3)
    rows, gsem, ssem = (rows0, rows1), (gsem0, gsem1), (ssem0, ssem1)
    isem = (isem0, isem1, isem2, isem3)

    @pl.when(c == 0)
    def _items():
        _sc_direction(gu, iemb, uidx, iidx, item_out,
                      accum, idxs_s, idxs_d, rows, gsem, ssem, isem, s)

    @pl.when(c == 1)
    def _users():
        _sc_direction(gi, uemb, iidx, uidx, user_out,
                      accum, idxs_s, idxs_d, rows, gsem, ssem, isem, s)


@functools.cache
def _sc_stage():
    return pl.kernel(
        _sc_body,
        out_type=[jax.ShapeDtypeStruct((N_NODES, D), jnp.float32),
                  jax.ShapeDtypeStruct((N_NODES, D), jnp.float32)],
        mesh=plsc.VectorSubcoreMesh(core_axis_name="c", subcore_axis_name="s"),
        scratch_types=(
            [pltpu.VMEM_SHARED((N_NODES, D), jnp.float32)]
            + [pltpu.VMEM((CHUNK,), jnp.int32)] * 8
            + [pltpu.VMEM((CHUNK, D), jnp.float32)] * 2
            + [pltpu.SemaphoreType.DMA] * 8
        ),
    )


def kernel(user_features, item_features, edge_index, Wu, bu, Wi, bi,
           Wum, bum, Wim, bim):
    uemb, gu, iemb, gi = _tc_stage(user_features, item_features,
                                   Wu, bu, Wi, bi, Wum, bum, Wim, bim)
    u_idx = edge_index[0].astype(jnp.int32)
    i_idx = edge_index[1].astype(jnp.int32)
    user_out, item_out = _sc_stage()(gu, gi, uemb, iemb, u_idx, i_idx)
    return (user_out, item_out)

# --- scband reference (transcript-rebuilt; emitter-appended) ---
"""Pipeline reference for scband-hetero-gnnlayer-54176717472255 (READ-ONLY COPY).

The authoritative reference and input builder live on the scoring server;
editing this copy changes nothing except your own understanding.
"""

import jax, jax.numpy as jnp
import numpy as np

NUM_USERS = 10000
NUM_ITEMS = 10000
NUM_EDGES = 320000
D_IN_USER = 128
D_IN_ITEM = 128
D_OUT = 128

def setup_inputs(seed: int = 0) -> dict:
    key = jax.random.key(seed)
    ks = jax.random.split(key, 12)
    user_features = jax.random.normal(ks[0], (NUM_USERS, D_IN_USER), dtype=jnp.float32)
    item_features = jax.random.normal(ks[1], (NUM_ITEMS, D_IN_ITEM), dtype=jnp.float32)
    user_idx = jax.random.randint(ks[2], (1, NUM_EDGES), 0, NUM_USERS, dtype=jnp.int64 if jax.config.jax_enable_x64 else jnp.int32)
    item_idx = jax.random.randint(ks[3], (1, NUM_EDGES), 0, NUM_ITEMS, dtype=jnp.int64 if jax.config.jax_enable_x64 else jnp.int32)
    edge_index = jnp.concatenate([user_idx, item_idx], axis=0)
    def lin_init(k, fan_in, fan_out):
        k1, k2 = jax.random.split(k)
        bound = 1.0 / np.sqrt(fan_in)
        W = jax.random.uniform(k1, (fan_out, fan_in), minval=-bound, maxval=bound, dtype=jnp.float32)
        b = jax.random.uniform(k2, (fan_out,), minval=-bound, maxval=bound, dtype=jnp.float32)
        return W, b
    Wu, bu = lin_init(ks[4], D_IN_USER, D_OUT)
    Wi, bi = lin_init(ks[5], D_IN_ITEM, D_OUT)
    Wum, bum = lin_init(ks[6], D_IN_USER, D_OUT)
    Wim, bim = lin_init(ks[7], D_IN_ITEM, D_OUT)
    return {"user_features": user_features, "item_features": item_features, "edge_index": edge_index,
            "Wu": Wu, "bu": bu, "Wi": Wi, "bi": bi, "Wum": Wum, "bum": bum, "Wim": Wim, "bim": bim}

def reference(user_features, item_features, edge_index, Wu, bu, Wi, bi, Wum, bum, Wim, bim):
    # eval mode, dropout=0.0 -> dropout is identity
    user_emb = user_features @ Wu.T + bu
    item_emb = item_features @ Wi.T + bi
    user_indices = edge_index[0]
    item_indices = edge_index[1]
    # user -> item messages: gather user feats per edge, transform, scatter-add to items
    user_msgs = user_features[user_indices] @ Wum.T + bum
    item_msgs_agg = jnp.zeros((item_features.shape[0], D_OUT), dtype=jnp.float32).at[item_indices].add(user_msgs)
    # item -> user messages: gather item feats per edge, transform, scatter-add to users
    item_msgs = item_features[item_indices] @ Wim.T + bim
    user_msgs_agg = jnp.zeros((user_features.shape[0], D_OUT), dtype=jnp.float32).at[user_indices].add(item_msgs)
    user_emb_new = user_emb + user_msgs_agg
    item_emb_new = item_emb + item_msgs_agg
    return (user_emb_new, item_emb_new)

if __name__ == "__main__":
    import jax
    _d = setup_inputs()
    print(jax.jit(kernel)(*tuple(_d.values())))

</pallas_src>

<mosaic_0001>
#map = affine_map<(d0, d1) -> (0, 0)>
#map1 = affine_map<(d0, d1) -> (0)>
module attributes {stable_mosaic.version = 14 : i64} {
  func.func @_sc_body(%arg0: i32, %arg1: i32, %arg2: memref<10000x128xf32, #tpu.memory_space<hbm>>, %arg3: memref<10000x128xf32, #tpu.memory_space<hbm>>, %arg4: memref<10000x128xf32, #tpu.memory_space<hbm>>, %arg5: memref<10000x128xf32, #tpu.memory_space<hbm>>, %arg6: memref<320000xi32, #tpu.memory_space<hbm>>, %arg7: memref<320000xi32, #tpu.memory_space<hbm>>, %arg8: memref<10000x128xf32, #tpu.memory_space<hbm>>, %arg9: memref<10000x128xf32, #tpu.memory_space<hbm>>, %arg10: memref<10000x128xf32, #tpu.memory_space<vmem_shared>>, %arg11: memref<128xi32, #tpu.memory_space<vmem>>, %arg12: memref<128xi32, #tpu.memory_space<vmem>>, %arg13: memref<128xi32, #tpu.memory_space<vmem>>, %arg14: memref<128xi32, #tpu.memory_space<vmem>>, %arg15: memref<128xi32, #tpu.memory_space<vmem>>, %arg16: memref<128xi32, #tpu.memory_space<vmem>>, %arg17: memref<128xi32, #tpu.memory_space<vmem>>, %arg18: memref<128xi32, #tpu.memory_space<vmem>>, %arg19: memref<128x128xf32, #tpu.memory_space<vmem>>, %arg20: memref<128x128xf32, #tpu.memory_space<vmem>>, %arg21: memref<!tpu.dma_semaphore, #tpu.memory_space<semaphore_mem>>, %arg22: memref<!tpu.dma_semaphore, #tpu.memory_space<semaphore_mem>>, %arg23: memref<!tpu.dma_semaphore, #tpu.memory_space<semaphore_mem>>, %arg24: memref<!tpu.dma_semaphore, #tpu.memory_space<semaphore_mem>>, %arg25: memref<!tpu.dma_semaphore, #tpu.memory_space<semaphore_mem>>, %arg26: memref<!tpu.dma_semaphore, #tpu.memory_space<semaphore_mem>>, %arg27: memref<!tpu.dma_semaphore, #tpu.memory_space<semaphore_mem>>, %arg28: memref<!tpu.dma_semaphore, #tpu.memory_space<semaphore_mem>>) attributes {dimension_semantics = [#tpu.dimension_semantics<core_parallel>, #tpu.dimension_semantics<subcore_parallel>], iteration_bounds = array<i64: 2, 16>, scalar_prefetch = 0 : i64, scratch_operands = 19 : i64, tpu.core_type = #tpu.core_type<sc_vector_subcore>, window_params = [{transform_indices = #map}, {transform_indices = #map}, {transform_indices = #map}, {transform_indices = #map}, {transform_indices = #map1}, {transform_indices = #map1}, {transform_indices = #map}, {transform_indices = #map}]} {
    %eq3A = arith.constant 0 : i32
    %eq3A_0 = arith.cmpi eq, %arg0, %eq3A : i32
    %convert_element_type3A = arith.extui %eq3A_0 : i1 to i32
    %cond3A = arith.constant 0 : i32
    %cond3A_1 = arith.cmpi ne, %convert_element_type3A, %cond3A : i32
    scf.if %cond3A_1 {
      %mul3A = arith.constant 1000 : i32
      %mul3A_7 = arith.muli %arg1, %mul3A : i32
      %lt3A = arith.constant 10 : i32
      %lt3A_8 = arith.cmpi slt, %arg1, %lt3A : i32
      %convert_element_type3A_9 = arith.extui %lt3A_8 : i1 to i32
      %cond3A_10 = arith.constant 0 : i32
      %cond3A_11 = arith.cmpi ne, %convert_element_type3A_9, %cond3A_10 : i32
      scf.if %cond3A_11 {
        "tpu.region"() ({
          %run_scoped3A = tpu.sem_alloc : memref<!tpu.dma_semaphore, #tpu.memory_space<semaphore_mem>>
          %dma_start3A_313 = arith.constant 0 : i32
          %dma_start3A_314 = tpu.memref_slice %arg10[%mul3A_7, %dma_start3A_313] : memref<10000x128xf32, #tpu.memory_space<vmem_shared>> -> memref<1000x128xf32, #tpu.memory_space<vmem_shared>>
          %dma_start3A_315 = arith.constant 0 : i32
          %dma_start3A_316 = tpu.memref_slice %arg5[%mul3A_7, %dma_start3A_315] : memref<10000x128xf32, #tpu.memory_space<hbm>> -> memref<1000x128xf32, #tpu.memory_space<hbm>>
          tpu.enqueue_dma source(%dma_start3A_316 : memref<1000x128xf32, #tpu.memory_space<hbm>>) target(%dma_start3A_314 : memref<1000x128xf32, #tpu.memory_space<vmem_shared>>) target_semaphore(%run_scoped3A : memref<!tpu.dma_semaphore, #tpu.memory_space<semaphore_mem>>)
          %dma_wait3A_317 = arith.constant 0 : i32
          %dma_wait3A_318 = tpu.memref_slice %arg10[%mul3A_7, %dma_wait3A_317] : memref<10000x128xf32, #tpu.memory_space<vmem_shared>> -> memref<1000x128xf32, #tpu.memory_space<vmem_shared>>
          %dma_wait3A_319 = arith.constant 0 : i32
          %dma_wait3A_320 = tpu.memref_slice %arg5[%mul3A_7, %dma_wait3A_319] : memref<10000x128xf32, #tpu.memory_space<hbm>> -> memref<1000x128xf32, #tpu.memory_space<hbm>>
          tpu.wait_dma2 semaphore(%run_scoped3A : memref<!tpu.dma_semaphore, #tpu.memory_space<semaphore_mem>>) src(%dma_wait3A_320 : memref<1000x128xf32, #tpu.memory_space<hbm>>) dst(%dma_wait3A_318 : memref<1000x128xf32, #tpu.memory_space<vmem_shared>>)
          tpu.yield
        }) : () -> ()
      } else {
      }
      %barrier3A = arith.constant 0 : index
      tpu.barrier barrier_id(%barrier3A)
      %add3A = arith.constant 0 : i32
      %add3A_12 = arith.addi %arg1, %add3A : i32
      %mul3A_13 = arith.constant 128 : i32
      %mul3A_14 = arith.muli %add3A_12, %mul3A_13 : i32
      %dma_start3A = tpu.memref_slice %arg6[%mul3A_14] : memref<320000xi32, #tpu.memory_space<hbm>> -> memref<128xi32, #tpu.memory_space<hbm>>
      %dma_start3A_15 = tpu.memref_slice %arg6[%mul3A_14] : memref<320000xi32, #tpu.memory_space<hbm>> -> memref<128xi32, #tpu.memory_space<hbm>>
      tpu.enqueue_dma source(%dma_start3A_15 : memref<128xi32, #tpu.memory_space<hbm>>) target(%arg11 : memref<128xi32, #tpu.memory_space<vmem>>) target_semaphore(%arg25 : memref<!tpu.dma_semaphore, #tpu.memory_space<semaphore_mem>>)
      %add3A_16 = arith.constant 0 : i32
      %add3A_17 = arith.addi %arg1, %add3A_16 : i32
      %mul3A_18 = arith.constant 128 : i32
      %mul3A_19 = arith.muli %add3A_17, %mul3A_18 : i32
      %dma_start3A_20 = tpu.memref_slice %arg7[%mul3A_19] : memref<320000xi32, #tpu.memory_space<hbm>> -> memref<128xi32, #tpu.memory_space<hbm>>
      %dma_start3A_21 = tpu.memref_slice %arg7[%mul3A_19] : memref<320000xi32, #tpu.memory_space<hbm>> -> memref<128xi32, #tpu.memory_space<hbm>>
      tpu.enqueue_dma source(%dma_start3A_21 : memref<128xi32, #tpu.memory_space<hbm>>) target(%arg15 : memref<128xi32, #tpu.memory_space<vmem>>) target_semaphore(%arg25 : memref<!tpu.dma_semaphore, #tpu.memory_space<semaphore_mem>>)
      %add3A_22 = arith.constant 16 : i32
      %add3A_23 = arith.addi %arg1, %add3A_22 : i32
      %mul3A_24 = arith.constant 128 : i32
      %mul3A_25 = arith.muli %add3A_23, %mul3A_24 : i32
      %dma_start3A_26 = tpu.memref_slice %arg6[%mul3A_25] : memref<320000xi32, #tpu.memory_space<hbm>> -> memref<128xi32, #tpu.memory_space<hbm>>
      %dma_start3A_27 = tpu.memref_slice %arg6[%mul3A_25] : memref<320000xi32, #tpu.memory_space<hbm>> -> memref<128xi32, #tpu.memory_space<hbm>>
      tpu.enqueue_dma source(%dma_start3A_27 : memref<128xi32, #tpu.memory_space<hbm>>) target(%arg12 : memref<128xi32, #tpu.memory_space<vmem>>) target_semaphore(%arg26 : memref<!tpu.dma_semaphore, #tpu.memory_space<semaphore_mem>>)
      %add3A_28 = arith.constant 16 : i32
      %add3A_29 = arith.addi %arg1, %add3A_28 : i32
      %mul3A_30 = arith.constant 128 : i32
      %mul3A_31 = arith.muli %add3A_29, %mul3A_30 : i32
      %dma_start3A_32 = tpu.memref_slice %arg7[%mul3A_31] : memref<320000xi32, #tpu.memory_space<hbm>> -> memref<128xi32, #tpu.memory_space<hbm>>
      %dma_start3A_33 = tpu.memref_slice %arg7[%mul3A_31] : memref<320000xi32, #tpu.memory_space<hbm>> -> memref<128xi32, #tpu.memory_space<hbm>>
      tpu.enqueue_dma source(%dma_start3A_33 : memref<128xi32, #tpu.memory_space<hbm>>) target(%arg16 : memref<128xi32, #tpu.memory_space<vmem>>) target_semaphore(%arg26 : memref<!tpu.dma_semaphore, #tpu.memory_space<semaphore_mem>>)
      %add3A_34 = arith.constant 0 : i32
      %add3A_35 = arith.addi %arg1, %add3A_34 : i32
      %mul3A_36 = arith.constant 128 : i32
      %mul3A_37 = arith.muli %add3A_35, %mul3A_36 : i32
      %dma_wait3A = tpu.memref_slice %arg6[%mul3A_37] : memref<320000xi32, #tpu.memory_space<hbm>> -> memref<128xi32, #tpu.memory_space<hbm>>
      %dma_wait3A_38 = tpu.memref_slice %arg6[%mul3A_37] : memref<320000xi32, #tpu.memory_space<hbm>> -> memref<128xi32, #tpu.memory_space<hbm>>
      tpu.wait_dma2 semaphore(%arg25 : memref<!tpu.dma_semaphore, #tpu.memory_space<semaphore_mem>>) src(%dma_wait3A_38 : memref<128xi32, #tpu.memory_space<hbm>>) dst(%arg11 : memref<128xi32, #tpu.memory_space<vmem>>)
      %add3A_39 = arith.constant 0 : i32
      %add3A_40 = arith.addi %arg1, %add3A_39 : i32
      %mul3A_41 = arith.constant 128 : i32
      %mul3A_42 = arith.muli %add3A_40, %mul3A_41 : i32
      %dma_wait3A_43 = tpu.memref_slice %arg7[%mul3A_42] : memref<320000xi32, #tpu.memory_space<hbm>> -> memref<128xi32, #tpu.memory_space<hbm>>
      %dma_wait3A_44 = tpu.memref_slice %arg7[%mul3A_42] : memref<320000xi32, #tpu.memory_space<hbm>> -> memref<128xi32, #tpu.memory_space<hbm>>
      tpu.wait_dma2 semaphore(%arg25 : memref<!tpu.dma_semaphore, #tpu.memory_space<semaphore_mem>>) src(%dma_wait3A_44 : memref<128xi32, #tpu.memory_space<hbm>>) dst(%arg15 : memref<128xi32, #tpu.memory_space<vmem>>)
      %dma_start3A_45 = arith.constant 0 : i32
      %dma_start3A_46 = arith.constant 0 : i32
      %dma_start3A_47 = tpu.memref_slice %arg2[%dma_start3A_45, %dma_start3A_46] : memref<10000x128xf32, #tpu.memory_space<hbm>> -> memref<10000x128xf32, #tpu.memory_space<hbm>>
      tpu.enqueue_indirect_dma source(%dma_start3A_47 : memref<10000x128xf32, #tpu.memory_space<hbm>>) target(%arg19 : memref<128x128xf32, #tpu.memory_space<vmem>>) offsets(%arg11 : memref<128xi32, #tpu.memory_space<vmem>>) semaphore(%arg21 : memref<!tpu.dma_semaphore, #tpu.memory_space<semaphore_mem>>)
      %add3A_48 = arith.constant 32 : i32
      %add3A_49 = arith.addi %arg1, %add3A_48 : i32
      %mul3A_50 = arith.constant 128 : i32
      %mul3A_51 = arith.muli %add3A_49, %mul3A_50 : i32
      %dma_start3A_52 = tpu.memref_slice %arg6[%mul3A_51] : memref<320000xi32, #tpu.memory_space<hbm>> -> memref<128xi32, #tpu.memory_space<hbm>>
      %dma_start3A_53 = tpu.memref_slice %arg6[%mul3A_51] : memref<320000xi32, #tpu.memory_space<hbm>> -> memref<128xi32, #tpu.memory_space<hbm>>
      tpu.enqueue_dma source(%dma_start3A_53 : memref<128xi32, #tpu.memory_space<hbm>>) target(%arg13 : memref<128xi32, #tpu.memory_space<vmem>>) target_semaphore(%arg27 : memref<!tpu.dma_semaphore, #tpu.memory_space<semaphore_mem>>)
      %add3A_54 = arith.constant 32 : i32
      %add3A_55 = arith.addi %arg1, %add3A_54 : i32
      %mul3A_56 = arith.constant 128 : i32
      %mul3A_57 = arith.muli %add3A_55, %mul3A_56 : i32
      %dma_start3A_58 = tpu.memref_slice %arg7[%mul3A_57] : memref<320000xi32, #tpu.memory_space<hbm>> -> memref<128xi32, #tpu.memory_space<hbm>>
      %dma_start3A_59 = tpu.memref_slice %arg7[%mul3A_57] : memref<320000xi32, #tpu.memory_space<hbm>> -> memref<128xi32, #tpu.memory_space<hbm>>
      tpu.enqueue_dma source(%dma_start3A_59 : memref<128xi32, #tpu.memory_space<hbm>>) target(%arg17 : memref<128xi32, #tpu.memory_space<vmem>>) target_semaphore(%arg27 : memref<!tpu.dma_semaphore, #tpu.memory_space<semaphore_mem>>)
      %add3A_60 = arith.constant 16 : i32
      %add3A_61 = arith.addi %arg1, %add3A_60 : i32
      %mul3A_62 = arith.constant 128 : i32
      %mul3A_63 = arith.muli %add3A_61, %mul3A_62 : i32
      %dma_wait3A_64 = tpu.memref_slice %arg6[%mul3A_63] : memref<320000xi32, #tpu.memory_space<hbm>> -> memref<128xi32, #tpu.memory_space<hbm>>
      %dma_wait3A_65 = tpu.memref_slice %arg6[%mul3A_63] : memref<320000xi32, #tpu.memory_space<hbm>> -> memref<128xi32, #tpu.memory_space<hbm>>
      tpu.wait_dma2 semaphore(%arg26 : memref<!tpu.dma_semaphore, #tpu.memory_space<semaphore_mem>>) src(%dma_wait3A_65 : memref<128xi32, #tpu.memory_space<hbm>>) dst(%arg12 : memref<128xi32, #tpu.memory_space<vmem>>)
      %add3A_66 = arith.constant 16 : i32
      %add3A_67 = arith.addi %arg1, %add3A_66 : i32
      %mul3A_68 = arith.constant 128 : i32
      %mul3A_69 = arith.muli %add3A_67, %mul3A_68 : i32
      %dma_wait3A_70 = tpu.memref_slice %arg7[%mul3A_69] : memref<320000xi32, #tpu.memory_space<hbm>> -> memref<128xi32, #tpu.memory_space<hbm>>
      %dma_wait3A_71 = tpu.memref_slice %arg7[%mul3A_69] : memref<320000xi32, #tpu.memory_space<hbm>> -> memref<128xi32, #tpu.memory_space<hbm>>
      tpu.wait_dma2 semaphore(%arg26 : memref<!tpu.dma_semaphore, #tpu.memory_space<semaphore_mem>>) src(%dma_wait3A_71 : memref<128xi32, #tpu.memory_space<hbm>>) dst(%arg16 : memref<128xi32, #tpu.memory_space<vmem>>)
      %dma_start3A_72 = arith.constant 0 : i32
      %dma_start3A_73 = arith.constant 0 : i32
      %dma_start3A_74 = tpu.memref_slice %arg2[%dma_start3A_72, %dma_start3A_73] : memref<10000x128xf32, #tpu.memory_space<hbm>> -> memref<10000x128xf32, #tpu.memory_space<hbm>>
      tpu.enqueue_indirect_dma source(%dma_start3A_74 : memref<10000x128xf32, #tpu.memory_space<hbm>>) target(%arg20 : memref<128x128xf32, #tpu.memory_space<vmem>>) offsets(%arg12 : memref<128xi32, #tpu.memory_space<vmem>>) semaphore(%arg22 : memref<!tpu.dma_semaphore, #tpu.memory_space<semaphore_mem>>)
      %dma_wait3A_75 = arith.constant 0 : i32
      %dma_wait3A_76 = arith.constant 0 : i32
      %dma_wait3A_77 = tpu.memref_slice %arg2[%dma_wait3A_75, %dma_wait3A_76] : memref<10000x128xf32, #tpu.memory_space<hbm>> -> memref<10000x128xf32, #tpu.memory_space<hbm>>
      tpu.wait_indirect_dma semaphore(%arg21 : memref<!tpu.dma_semaphore, #tpu.memory_space<semaphore_mem>>) src(%dma_wait3A_77 : memref<10000x128xf32, #tpu.memory_space<hbm>>) dst(%arg19 : memref<128x128xf32, #tpu.memory_space<vmem>>)
      %dma_start3A_78 = arith.constant 0 : i32
      %dma_start3A_79 = arith.constant 0 : i32
      %dma_start3A_80 = tpu.memref_slice %arg10[%dma_start3A_78, %dma_start3A_79] : memref<10000x128xf32, #tpu.memory_space<vmem_shared>> -> memref<10000x128xf32, #tpu.memory_space<vmem_shared>>
      tpu.enqueue_indirect_dma source(%arg19 : memref<128x128xf32, #tpu.memory_space<vmem>>) target(%dma_start3A_80 : memref<10000x128xf32, #tpu.memory_space<vmem_shared>>) offsets(%arg15 : memref<128xi32, #tpu.memory_space<vmem>>) semaphore(%arg23 : memref<!tpu.dma_semaphore, #tpu.memory_space<semaphore_mem>>) {add = true}
      %dma_wait3A_81 = arith.constant 0 : i32
      %dma_wait3A_82 = arith.constant 0 : i32
      %dma_wait3A_83 = tpu.memref_slice %arg10[%dma_wait3A_81, %dma_wait3A_82] : memref<10000x128xf32, #tpu.memory_space<vmem_shared>> -> memref<10000x128xf32, #tpu.memory_space<vmem_shared>>
      tpu.wait_indirect_dma semaphore(%arg23 : memref<!tpu.dma_semaphore, #tpu.memory_space<semaphore_mem>>) src(%arg19 : memref<128x128xf32, #tpu.memory_space<vmem>>) dst(%dma_wait3A_83 : memref<10000x128xf32, #tpu.memory_space<vmem_shared>>)
      %add3A_84 = arith.constant 48 : i32
      %add3A_85 = arith.addi %arg1, %add3A_84 : i32
      %mul3A_86 = arith.constant 128 : i32
      %mul3A_87 = arith.muli %add3A_85, %mul3A_86 : i32
      %dma_start3A_88 = tpu.memref_slice %arg6[%mul3A_87] : memref<320000xi32, #tpu.memory_space<hbm>> -> memref<128xi32, #tpu.memory_space<hbm>>
      %dma_start3A_89 = tpu.memref_slice %arg6[%mul3A_87] : memref<320000xi32, #tpu.memory_space<hbm>> -> memref<128xi32, #tpu.memory_space<hbm>>
      tpu.enqueue_dma source(%dma_start3A_89 : memref<128xi32, #tpu.memory_space<hbm>>) target(%arg14 : memref<128xi32, #tpu.memory_space<vmem>>) target_semaphore(%arg28 : memref<!tpu.dma_semaphore, #tpu.memory_space<semaphore_mem>>)
      %add3A_90 = arith.constant 48 : i32
      %add3A_91 = arith.addi %arg1, %add3A_90 : i32
      %mul3A_92 = arith.constant 128 : i32
      %mul3A_93 = arith.muli %add3A_91, %mul3A_92 : i32
      %dma_start3A_94 = tpu.memref_slice %arg7[%mul3A_93] : memref<320000xi32, #tpu.memory_space<hbm>> -> memref<128xi32, #tpu.memory_space<hbm>>
      %dma_start3A_95 = tpu.memref_slice %arg7[%mul3A_93] : memref<320000xi32, #tpu.memory_space<hbm>> -> memref<128xi32, #tpu.memory_space<hbm>>
      tpu.enqueue_dma source(%dma_start3A_95 : memref<128xi32, #tpu.memory_space<hbm>>) target(%arg18 : memref<128xi32, #tpu.memory_space<vmem>>) target_semaphore(%arg28 : memref<!tpu.dma_semaphore, #tpu.memory_space<semaphore_mem>>)
      %add3A_96 = arith.constant 32 : i32
      %add3A_97 = arith.addi %arg1, %add3A_96 : i32
      %mul3A_98 = arith.constant 128 : i32
      %mul3A_99 = arith.muli %add3A_97, %mul3A_98 : i32
      %dma_wait3A_100 = tpu.memref_slice %arg6[%mul3A_99] : memref<320000xi32, #tpu.memory_space<hbm>> -> memref<128xi32, #tpu.memory_space<hbm>>
      %dma_wait3A_101 = tpu.memref_slice %arg6[%mul3A_99] : memref<320000xi32, #tpu.memory_space<hbm>> -> memref<128xi32, #tpu.memory_space<hbm>>
      tpu.wait_dma2 semaphore(%arg27 : memref<!tpu.dma_semaphore, #tpu.memory_space<semaphore_mem>>) src(%dma_wait3A_101 : memref<128xi32, #tpu.memory_space<hbm>>) dst(%arg13 : memref<128xi32, #tpu.memory_space<vmem>>)
      %add3A_102 = arith.constant 32 : i32
      %add3A_103 = arith.addi %arg1, %add3A_102 : i32
      %mul3A_104 = arith.constant 128 : i32
      %mul3A_105 = arith.muli %add3A_103, %mul3A_104 : i32
      %dma_wait3A_106 = tpu.memref_slice %arg7[%mul3A_105] : memref<320000xi32, #tpu.memory_space<hbm>> -> memref<128xi32, #tpu.memory_space<hbm>>
      %dma_wait3A_107 = tpu.memref_slice %arg7[%mul3A_105] : memref<320000xi32, #tpu.memory_space<hbm>> -> memref<128xi32, #tpu.memory_space<hbm>>
      tpu.wait_dma2 semaphore(%arg27 : memref<!tpu.dma_semaphore, #tpu.memory_space<semaphore_mem>>) src(%dma_wait3A_107 : memref<128xi32, #tpu.memory_space<hbm>>) dst(%arg17 : memref<128xi32, #tpu.memory_space<vmem>>)
      %dma_start3A_108 = arith.constant 0 : i32
      %dma_start3A_109 = arith.constant 0 : i32
      %dma_start3A_110 = tpu.memref_slice %arg2[%dma_start3A_108, %dma_start3A_109] : memref<10000x128xf32, #tpu.memory_space<hbm>> -> memref<10000x128xf32, #tpu.memory_space<hbm>>
      tpu.enqueue_indirect_dma source(%dma_start3A_110 : memref<10000x128xf32, #tpu.memory_space<hbm>>) target(%arg19 : memref<128x128xf32, #tpu.memory_space<vmem>>) offsets(%arg13 : memref<128xi32, #tpu.memory_space<vmem>>) semaphore(%arg21 : memref<!tpu.dma_semaphore, #tpu.memory_space<semaphore_mem>>)
      %dma_wait3A_111 = arith.constant 0 : i32
      %dma_wait3A_112 = arith.constant 0 : i32
      %dma_wait3A_113 = tpu.memref_slice %arg2[%dma_wait3A_111, %dma_wait3A_112] : memref<10000x128xf32, #tpu.memory_space<hbm>> -> memref<10000x128xf32, #tpu.memory_space<hbm>>
      tpu.wait_indirect_dma semaphore(%arg22 : memref<!tpu.dma_semaphore, #tpu.memory_space<semaphore_mem>>) src(%dma_wait3A_113 : memref<10000x128xf32, #tpu.memory_space<hbm>>) dst(%arg20 : memref<128x128xf32, #tpu.memory_space<vmem>>)
      %dma_start3A_114 = arith.constant 0 : i32
      %dma_start3A_115 = arith.constant 0 : i32
      %dma_start3A_116 = tpu.memref_slice %arg10[%dma_start3A_114, %dma_start3A_115] : memref<10000x128xf32, #tpu.memory_space<vmem_shared>> -> memref<10000x128xf32, #tpu.memory_space<vmem_shared>>
      tpu.enqueue_indirect_dma source(%arg20 : memref<128x128xf32, #tpu.memory_space<vmem>>) target(%dma_start3A_116 : memref<10000x128xf32, #tpu.memory_space<vmem_shared>>) offsets(%arg16 : memref<128xi32, #tpu.memory_space<vmem>>) semaphore(%arg24 : memref<!tpu.dma_semaphore, #tpu.memory_space<semaphore_mem>>) {add = true}
      %dma_wait3A_117 = arith.constant 0 : i32
      %dma_wait3A_118 = arith.constant 0 : i32
      %dma_wait3A_119 = tpu.memref_slice %arg10[%dma_wait3A_117, %dma_wait3A_118] : memref<10000x128xf32, #tpu.memory_space<vmem_shared>> -> memref<10000x128xf32, #tpu.memory_space<vmem_shared>>
      tpu.wait_indirect_dma semaphore(%arg24 : memref<!tpu.dma_semaphore, #tpu.memory_space<semaphore_mem>>) src(%arg20 : memref<128x128xf32, #tpu.memory_space<vmem>>) dst(%dma_wait3A_119 : memref<10000x128xf32, #tpu.memory_space<vmem_shared>>)
      %add3A_120 = arith.constant 64 : i32
      %add3A_121 = arith.addi %arg1, %add3A_120 : i32
      %mul3A_122 = arith.constant 128 : i32
      %mul3A_123 = arith.muli %add3A_121, %mul3A_122 : i32
      %dma_start3A_124 = tpu.memref_slice %arg6[%mul3A_123] : memref<320000xi32, #tpu.memory_space<hbm>> -> memref<128xi32, #tpu.memory_space<hbm>>
      %dma_start3A_125 = tpu.memref_slice %arg6[%mul3A_123] : memref<320000xi32, #tpu.memory_space<hbm>> -> memref<128xi32, #tpu.memory_space<hbm>>
      tpu.enqueue_dma source(%dma_start3A_125 : memref<128xi32, #tpu.memory_space<hbm>>) target(%arg11 : memref<128xi32, #tpu.memory_space<vmem>>) target_semaphore(%arg25 : memref<!tpu.dma_semaphore, #tpu.memory_space<semaphore_mem>>)
      %add3A_126 = arith.constant 64 : i32
      %add3A_127 = arith.addi %arg1, %add3A_126 : i32
      %mul3A_128 = arith.constant 128 : i32
      %mul3A_129 = arith.muli %add3A_127, %mul3A_128 : i32
      %dma_start3A_130 = tpu.memref_slice %arg7[%mul3A_129] : memref<320000xi32, #tpu.memory_space<hbm>> -> memref<128xi32, #tpu.memory_space<hbm>>
      %dma_start3A_131 = tpu.memref_slice %arg7[%mul3A_129] : memref<320000xi32, #tpu.memory_space<hbm>> -> memref<128xi32, #tpu.memory_space<hbm>>
      tpu.enqueue_dma source(%dma_start3A_131 : memref<128xi32, #tpu.memory_space<hbm>>) target(%arg15 : memref<128xi32, #tpu.memory_space<vmem>>) target_semaphore(%arg25 : memref<!tpu.dma_semaphore, #tpu.memory_space<semaphore_mem>>)
      %add3A_132 = arith.constant 48 : i32
      %add3A_133 = arith.addi %arg1, %add3A_132 : i32
      %mul3A_134 = arith.constant 128 : i32
      %mul3A_135 = arith.muli %add3A_133, %mul3A_134 : i32
      %dma_wait3A_136 = tpu.memref_slice %arg6[%mul3A_135] : memref<320000xi32, #tpu.memory_space<hbm>> -> memref<128xi32, #tpu.memory_space<hbm>>
      %dma_wait3A_137 = tpu.memref_slice %arg6[%mul3A_135] : memref<320000xi32, #tpu.memory_space<hbm>> -> memref<128xi32, #tpu.memory_space<hbm>>
      tpu.wait_dma2 semaphore(%arg28 : memref<!tpu.dma_semaphore, #tpu.memory_space<semaphore_mem>>) src(%dma_wait3A_137 : memref<128xi32, #tpu.memory_space<hbm>>) dst(%arg14 : memref<128xi32, #tpu.memory_space<vmem>>)
      %add3A_138 = arith.constant 48 : i32
      %add3A_139 = arith.addi %arg1, %add3A_138 : i32
      %mul3A_140 = arith.constant 128 : i32
      %mul3A_141 = arith.muli %add3A_139, %mul3A_140 : i32
      %dma_wait3A_142 = tpu.memref_slice %arg7[%mul3A_141] : memref<320000xi32, #tpu.memory_space<hbm>> -> memref<128xi32, #tpu.memory_space<hbm>>
      %dma_wait3A_143 = tpu.memref_slice %arg7[%mul3A_141] : memref<320000xi32, #tpu.memory_space<hbm>> -> memref<128xi32, #tpu.memory_space<hbm>>
      tpu.wait_dma2 semaphore(%arg28 : memref<!tpu.dma_semaphore, #tpu.memory_space<semaphore_mem>>) src(%dma_wait3A_143 : memref<128xi32, #tpu.memory_space<hbm>>) dst(%arg18 : memref<128xi32, #tpu.memory_space<vmem>>)
      %dma_start3A_144 = arith.constant 0 : i32
      %dma_start3A_145 = arith.constant 0 : i32
      %dma_start3A_146 = tpu.memref_slice %arg2[%dma_start3A_144, %dma_start3A_145] : memref<10000x128xf32, #tpu.memory_space<hbm>> -> memref<10000x128xf32, #tpu.memory_space<hbm>>
      tpu.enqueue_indirect_dma source(%dma_start3A_146 : memref<10000x128xf32, #tpu.memory_space<hbm>>) target(%arg20 : memref<128x128xf32, #tpu.memory_space<vmem>>) offsets(%arg14 : memref<128xi32, #tpu.memory_space<vmem>>) semaphore(%arg22 : memref<!tpu.dma_semaphore, #tpu.memory_space<semaphore_mem>>)
      %dma_wait3A_147 = arith.constant 0 : i32
      %dma_wait3A_148 = arith.constant 0 : i32
      %dma_wait3A_149 = tpu.memref_slice %arg2[%dma_wait3A_147, %dma_wait3A_148] : memref<10000x128xf32, #tpu.memory_space<hbm>> -> memref<10000x128xf32, #tpu.memory_space<hbm>>
      tpu.wait_indirect_dma semaphore(%arg21 : memref<!tpu.dma_semaphore, #tpu.memory_space<semaphore_mem>>) src(%dma_wait3A_149 : memref<10000x128xf32, #tpu.memory_space<hbm>>) dst(%arg19 : memref<128x128xf32, #tpu.memory_space<vmem>>)
      %dma_start3A_150 = arith.constant 0 : i32
      %dma_start3A_151 = arith.constant 0 : i32
      %dma_start3A_152 = tpu.memref_slice %arg10[%dma_start3A_150, %dma_start3A_151] : memref<10000x128xf32, #tpu.memory_space<vmem_shared>> -> memref<10000x128xf32, #tpu.memory_space<vmem_shared>>
      tpu.enqueue_indirect_dma source(%arg19 : memref<128x128xf32, #tpu.memory_space<vmem>>) target(%dma_start3A_152 : memref<10000x128xf32, #tpu.memory_space<vmem_shared>>) offsets(%arg17 : memref<128xi32, #tpu.memory_space<vmem>>) semaphore(%arg23 : memref<!tpu.dma_semaphore, #tpu.memory_space<semaphore_mem>>) {add = true}
      %dma_wait3A_153 = arith.constant 0 : i32
      %dma_wait3A_154 = arith.constant 0 : i32
      %dma_wait3A_155 = tpu.memref_slice %arg10[%dma_wait3A_153, %dma_wait3A_154] : memref<10000x128xf32, #tpu.memory_space<vmem_shared>> -> memref<10000x128xf32, #tpu.memory_space<vmem_shared>>
      tpu.wait_indirect_dma semaphore(%arg23 : memref<!tpu.dma_semaphore, #tpu.memory_space<semaphore_mem>>) src(%arg19 : memref<128x128xf32, #tpu.memory_space<vmem>>) dst(%dma_wait3A_155 : memref<10000x128xf32, #tpu.memory_space<vmem_shared>>)
      %add3A_156 = arith.constant 80 : i32
      %add3A_157 = arith.addi %arg1, %add3A_156 : i32
      %mul3A_158 = arith.constant 128 : i32
      %mul3A_159 = arith.muli %add3A_157, %mul3A_158 : i32
      %dma_start3A_160 = tpu.memref_slice %arg6[%mul3A_159] : memref<320000xi32, #tpu.memory_space<hbm>> -> memref<128xi32, #tpu.memory_space<hbm>>
      %dma_start3A_161 = tpu.memref_slice %arg6[%mul3A_159] : memref<320000xi32, #tpu.memory_space<hbm>> -> memref<128xi32, #tpu.memory_space<hbm>>
      tpu.enqueue_dma source(%dma_start3A_161 : memref<128xi32, #tpu.memory_space<hbm>>) target(%arg12 : memref<128xi32, #tpu.memory_space<vmem>>) target_semaphore(%arg26 : memref<!tpu.dma_semaphore, #tpu.memory_space<semaphore_mem>>)
      %add3A_162 = arith.constant 80 : i32
      %add3A_163 = arith.addi %arg1, %add3A_162 : i32
      %mul3A_164 = arith.constant 128 : i32
      %mul3A_165 = arith.muli %add3A_163, %mul3A_164 : i32
      %dma_start3A_166 = tpu.memref_slice %arg7[%mul3A_165] : memref<320000xi32, #tpu.memory_space<hbm>> -> memref<128xi32, #tpu.memory_space<hbm>>
      %dma_start3A_167 = tpu.memref_slice %arg7[%mul3A_165] : memref<320000xi32, #tpu.memory_space<hbm>> -> memref<128xi32, #tpu.memory_space<hbm>>
      tpu.enqueue_dma source(%dma_start3A_167 : memref<128xi32, #tpu.memory_space<hbm>>) target(%arg16 : memref<128xi32, #tpu.memory_space<vmem>>) target_semaphore(%arg26 : memref<!tpu.dma_semaphore, #tpu.memory_space<semaphore_mem>>)
      %add3A_168 = arith.constant 64 : i32
      %add3A_169 = arith.addi %arg1, %add3A_168 : i32
      %mul3A_170 = arith.constant 128 : i32
      %mul3A_171 = arith.muli %add3A_169, %mul3A_170 : i32
      %dma_wait3A_172 = tpu.memref_slice %arg6[%mul3A_171] : memref<320000xi32, #tpu.memory_space<hbm>> -> memref<128xi32, #tpu.memory_space<hbm>>
      %dma_wait3A_173 = tpu.memref_slice %arg6[%mul3A_171] : memref<320000xi32, #tpu.memory_space<hbm>> -> memref<128xi32, #tpu.memory_space<hbm>>
      tpu.wait_dma2 semaphore(%arg25 : memref<!tpu.dma_semaphore, #tpu.memory_space<semaphore_mem>>) src(%dma_wait3A_173 : memref<128xi32, #tpu.memory_space<hbm>>) dst(%arg11 : memref<128xi32, #tpu.memory_space<vmem>>)
      %add3A_174 = arith.constant 64 : i32
      %add3A_175 = arith.addi %arg1, %add3A_174 : i32
      %mul3A_176 = arith.constant 128 : i32
      %mul3A_177 = arith.muli %add3A_175, %mul3A_176 : i32
      %dma_wait3A_178 = tpu.memref_slice %arg7[%mul3A_177] : memref<320000xi32, #tpu.memory_space<hbm>> -> memref<128xi32, #tpu.memory_space<hbm>>
      %dma_wait3A_179 = tpu.memref_slice %arg7[%mul3A_177] : memref<320000xi32, #tpu.memory_space<hbm>> -> memref<128xi32, #tpu.memory_space<hbm>>
      tpu.wait_dma2 semaphore(%arg25 : memref<!tpu.dma_semaphore, #tpu.memory_space<semaphore_mem>>) src(%dma_wait3A_179 : memref<128xi32, #tpu.memory_space<hbm>>) dst(%arg15 : memref<128xi32, #tpu.memory_space<vmem>>)
      %dma_start3A_180 = arith.constant 0 : i32
      %dma_start3A_181 = arith.constant 0 : i32
      %dma_start3A_182 = tpu.memref_slice %arg2[%dma_start3A_180, %dma_start3A_181] : memref<10000x128xf32, #tpu.memory_space<hbm>> -> memref<10000x128xf32, #tpu.memory_space<hbm>>
      tpu.enqueue_indirect_dma source(%dma_start3A_182 : memref<10000x128xf32, #tpu.memory_space<hbm>>) target(%arg19 : memref<128x128xf32, #tpu.memory_space<vmem>>) offsets(%arg11 : memref<128xi32, #tpu.memory_space<vmem>>) semaphore(%arg21 : memref<!tpu.dma_semaphore, #tpu.memory_space<semaphore_mem>>)
      %dma_wait3A_183 = arith.constant 0 : i32
      %dma_wait3A_184 = arith.constant 0 : i32
      %dma_wait3A_185 = tpu.memref_slice %arg2[%dma_wait3A_183, %dma_wait3A_184] : memref<10000x128xf32, #tpu.memory_space<hbm>> -> memref<10000x128xf32, #tpu.memory_space<hbm>>
      tpu.wait_indirect_dma semaphore(%arg22 : memref<!tpu.dma_semaphore, #tpu.memory_space<semaphore_mem>>) src(%dma_wait3A_185 : memref<10000x128xf32, #tpu.memory_space<hbm>>) dst(%arg20 : memref<128x128xf32, #tpu.memory_space<vmem>>)
      %dma_start3A_186 = arith.constant 0 : i32
      %dma_start3A_187 = arith.constant 0 : i32
      %dma_start3A_188 = tpu.memref_slice %arg10[%dma_start3A_186, %dma_start3A_187] : memref<10000x128xf32, #tpu.memory_space<vmem_shared>> -> memref<10000x128xf32, #tpu.memory_space<vmem_shared>>
      tpu.enqueue_indirect_dma source(%arg20 : memref<128x128xf32, #tpu.memory_space<vmem>>) target(%dma_start3A_188 : memref<10000x128xf32, #tpu.memory_space<vmem_shared>>) offsets(%arg18 : memref<128xi32, #tpu.memory_space<vmem>>) semaphore(%arg24 : memref<!tpu.dma_semaphore, #tpu.memory_space<semaphore_mem>>) {add = true}
      %scan3A = arith.constant 0 : i32
      %scan3A_189 = arith.constant 0 : i32
      %scan3A_190 = arith.constant 37 : i32
      %scan3A_191 = arith.addi %scan3A_189, %scan3A_190 : i32
      %scan3A_192 = arith.constant 1 : i32
      scf.for %scan3A_313 = %scan3A_189 to %scan3A_191 step %scan3A_192  : i32 {
        %mul3A_314 = arith.constant 4 : i32
        %mul3A_315 = arith.muli %mul3A_314, %scan3A_313 : i32
        %add3A_316 = arith.constant 4 : i32
        %add3A_317 = arith.addi %add3A_316, %mul3A_315 : i32
        %add3A_318 = arith.constant 0 : i32
        %add3A_319 = arith.addi %add3A_317, %add3A_318 : i32
        %dma_wait3A_320 = arith.constant 0 : i32
        %dma_wait3A_321 = arith.constant 0 : i32
        %dma_wait3A_322 = tpu.memref_slice %arg10[%dma_wait3A_320, %dma_wait3A_321] : memref<10000x128xf32, #tpu.memory_space<vmem_shared>> -> memref<10000x128xf32, #tpu.memory_space<vmem_shared>>
        tpu.wait_indirect_dma semaphore(%arg24 : memref<!tpu.dma_semaphore, #tpu.memory_space<semaphore_mem>>) src(%arg20 : memref<128x128xf32, #tpu.memory_space<vmem>>) dst(%dma_wait3A_322 : memref<10000x128xf32, #tpu.memory_space<vmem_shared>>)
        %add3A_323 = arith.constant 2 : i32
        %add3A_324 = arith.addi %add3A_319, %add3A_323 : i32
        %mul3A_325 = arith.constant 16 : i32
        %mul3A_326 = arith.muli %add3A_324, %mul3A_325 : i32
        %add3A_327 = arith.addi %arg1, %mul3A_326 : i32
        %mul3A_328 = arith.constant 128 : i32
        %mul3A_329 = arith.muli %add3A_327, %mul3A_328 : i32
        %dma_start3A_330 = tpu.memref_slice %arg6[%mul3A_329] : memref<320000xi32, #tpu.memory_space<hbm>> -> memref<128xi32, #tpu.memory_space<hbm>>
        %dma_start3A_331 = tpu.memref_slice %arg6[%mul3A_329] : memref<320000xi32, #tpu.memory_space<hbm>> -> memref<128xi32, #tpu.memory_space<hbm>>
        tpu.enqueue_dma source(%dma_start3A_331 : memref<128xi32, #tpu.memory_space<hbm>>) target(%arg13 : memref<128xi32, #tpu.memory_space<vmem>>) target_semaphore(%arg27 : memref<!tpu.dma_semaphore, #tpu.memory_space<semaphore_mem>>)
        %mul3A_332 = arith.constant 16 : i32
        %mul3A_333 = arith.muli %add3A_324, %mul3A_332 : i32
        %add3A_334 = arith.addi %arg1, %mul3A_333 : i32
        %mul3A_335 = arith.constant 128 : i32
        %mul3A_336 = arith.muli %add3A_334, %mul3A_335 : i32
        %dma_start3A_337 = tpu.memref_slice %arg7[%mul3A_336] : memref<320000xi32, #tpu.memory_space<hbm>> -> memref<128xi32, #tpu.memory_space<hbm>>
        %dma_start3A_338 = tpu.memref_slice %arg7[%mul3A_336] : memref<320000xi32, #tpu.memory_space<hbm>> -> memref<128xi32, #tpu.memory_space<hbm>>
        tpu.enqueue_dma source(%dma_start3A_338 : memref<128xi32, #tpu.memory_space<hbm>>) target(%arg17 : memref<128xi32, #tpu.memory_space<vmem>>) target_semaphore(%arg27 : memref<!tpu.dma_semaphore, #tpu.memory_space<semaphore_mem>>)
        %add3A_339 = arith.constant 1 : i32
        %add3A_340 = arith.addi %add3A_319, %add3A_339 : i32
        %mul3A_341 = arith.constant 16 : i32
        %mul3A_342 = arith.muli %add3A_340, %mul3A_341 : i32
        %add3A_343 = arith.addi %arg1, %mul3A_342 : i32
        %mul3A_344 = arith.constant 128 : i32
        %mul3A_345 = arith.muli %add3A_343, %mul3A_344 : i32
        %dma_wait3A_346 = tpu.memref_slice %arg6[%mul3A_345] : memref<320000xi32, #tpu.memory_space<hbm>> -> memref<128xi32, #tpu.memory_space<hbm>>
        %dma_wait3A_347 = tpu.memref_slice %arg6[%mul3A_345] : memref<320000xi32, #tpu.memory_space<hbm>> -> memref<128xi32, #tpu.memory_space<hbm>>
        tpu.wait_dma2 semaphore(%arg26 : memref<!tpu.dma_semaphore, #tpu.memory_space<semaphore_mem>>) src(%dma_wait3A_347 : memref<128xi32, #tpu.memory_space<hbm>>) dst(%arg12 : memref<128xi32, #tpu.memory_space<vmem>>)
        %mul3A_348 = arith.constant 16 : i32
        %mul3A_349 = arith.muli %add3A_340, %mul3A_348 : i32
        %add3A_350 = arith.addi %arg1, %mul3A_349 : i32
        %mul3A_351 = arith.constant 128 : i32
        %mul3A_352 = arith.muli %add3A_350, %mul3A_351 : i32
        %dma_wait3A_353 = tpu.memref_slice %arg7[%mul3A_352] : memref<320000xi32, #tpu.memory_space<hbm>> -> memref<128xi32, #tpu.memory_space<hbm>>
        %dma_wait3A_354 = tpu.memref_slice %arg7[%mul3A_352] : memref<320000xi32, #tpu.memory_space<hbm>> -> memref<128xi32, #tpu.memory_space<hbm>>
        tpu.wait_dma2 semaphore(%arg26 : memref<!tpu.dma_semaphore, #tpu.memory_space<semaphore_mem>>) src(%dma_wait3A_354 : memref<128xi32, #tpu.memory_space<hbm>>) dst(%arg16 : memref<128xi32, #tpu.memory_space<vmem>>)
        %dma_start3A_355 = arith.constant 0 : i32
        %dma_start3A_356 = arith.constant 0 : i32
        %dma_start3A_357 = tpu.memref_slice %arg2[%dma_start3A_355, %dma_start3A_356] : memref<10000x128xf32, #tpu.memory_space<hbm>> -> memref<10000x128xf32, #tpu.memory_space<hbm>>
        tpu.enqueue_indirect_dma source(%dma_start3A_357 : memref<10000x128xf32, #tpu.memory_space<hbm>>) target(%arg20 : memref<128x128xf32, #tpu.memory_space<vmem>>) offsets(%arg12 : memref<128xi32, #tpu.memory_space<vmem>>) semaphore(%arg22 : memref<!tpu.dma_semaphore, #tpu.memory_space<semaphore_mem>>)
        %dma_wait3A_358 = arith.constant 0 : i32
        %dma_wait3A_359 = arith.constant 0 : i32
        %dma_wait3A_360 = tpu.memref_slice %arg2[%dma_wait3A_358, %dma_wait3A_359] : memref<10000x128xf32, #tpu.memory_space<hbm>> -> memref<10000x128xf32, #tpu.memory_space<hbm>>
        tpu.wait_indirect_dma semaphore(%arg21 : memref<!tpu.dma_semaphore, #tpu.memory_space<semaphore_mem>>) src(%dma_wait3A_360 : memref<10000x128xf32, #tpu.memory_space<hbm>>) dst(%arg19 : memref<128x128xf32, #tpu.memory_space<vmem>>)
        %dma_start3A_361 = arith.constant 0 : i32
        %dma_start3A_362 = arith.constant 0 : i32
        %dma_start3A_363 = tpu.memref_slice %arg10[%dma_start3A_361, %dma_start3A_362] : memref<10000x128xf32, #tpu.memory_space<vmem_shared>> -> memref<10000x128xf32, #tpu.memory_space<vmem_shared>>
        tpu.enqueue_indirect_dma source(%arg19 : memref<128x128xf32, #tpu.memory_space<vmem>>) target(%dma_start3A_363 : memref<10000x128xf32, #tpu.memory_space<vmem_shared>>) offsets(%arg15 : memref<128xi32, #tpu.memory_space<vmem>>) semaphore(%arg23 : memref<!tpu.dma_semaphore, #tpu.memory_space<semaphore_mem>>) {add = true}
        %mul3A_364 = arith.constant 4 : i32
        %mul3A_365 = arith.muli %mul3A_364, %scan3A_313 : i32
        %add3A_366 = arith.constant 4 : i32
        %add3A_367 = arith.addi %add3A_366, %mul3A_365 : i32
        %add3A_368 = arith.constant 1 : i32
        %add3A_369 = arith.addi %add3A_367, %add3A_368 : i32
        %dma_wait3A_370 = arith.constant 0 : i32
        %dma_wait3A_371 = arith.constant 0 : i32
        %dma_wait3A_372 = tpu.memref_slice %arg10[%dma_wait3A_370, %dma_wait3A_371] : memref<10000x128xf32, #tpu.memory_space<vmem_shared>> -> memref<10000x128xf32, #tpu.memory_space<vmem_shared>>
        tpu.wait_indirect_dma semaphore(%arg23 : memref<!tpu.dma_semaphore, #tpu.memory_space<semaphore_mem>>) src(%arg19 : memref<128x128xf32, #tpu.memory_space<vmem>>) dst(%dma_wait3A_372 : memref<10000x128xf32, #tpu.memory_space<vmem_shared>>)
        %add3A_373 = arith.constant 2 : i32
        %add3A_374 = arith.addi %add3A_369, %add3A_373 : i32
        %mul3A_375 = arith.constant 16 : i32
        %mul3A_376 = arith.muli %add3A_374, %mul3A_375 : i32
        %add3A_377 = arith.addi %arg1, %mul3A_376 : i32
        %mul3A_378 = arith.constant 128 : i32
        %mul3A_379 = arith.muli %add3A_377, %mul3A_378 : i32
        %dma_start3A_380 = tpu.memref_slice %arg6[%mul3A_379] : memref<320000xi32, #tpu.memory_space<hbm>> -> memref<128xi32, #tpu.memory_space<hbm>>
        %dma_start3A_381 = tpu.memref_slice %arg6[%mul3A_379] : memref<320000xi32, #tpu.memory_space<hbm>> -> memref<128xi32, #tpu.memory_space<hbm>>
        tpu.enqueue_dma source(%dma_start3A_381 : memref<128xi32, #tpu.memory_space<hbm>>) target(%arg14 : memref<128xi32, #tpu.memory_space<vmem>>) target_semaphore(%arg28 : memref<!tpu.dma_semaphore, #tpu.memory_space<semaphore_mem>>)
        %mul3A_382 = arith.constant 16 : i32
        %mul3A_383 = arith.muli %add3A_374, %mul3A_382 : i32
        %add3A_384 = arith.addi %arg1, %mul3A_383 : i32
        %mul3A_385 = arith.constant 128 : i32
        %mul3A_386 = arith.muli %add3A_384, %mul3A_385 : i32
        %dma_start3A_387 = tpu.memref_slice %arg7[%mul3A_386] : memref<320000xi32, #tpu.memory_space<hbm>> -> memref<128xi32, #tpu.memory_space<hbm>>
        %dma_start3A_388 = tpu.memref_slice %arg7[%mul3A_386] : memref<320000xi32, #tpu.memory_space<hbm>> -> memref<128xi32, #tpu.memory_space<hbm>>
        tpu.enqueue_dma source(%dma_start3A_388 : memref<128xi32, #tpu.memory_space<hbm>>) target(%arg18 : memref<128xi32, #tpu.memory_space<vmem>>) target_semaphore(%arg28 : memref<!tpu.dma_semaphore, #tpu.memory_space<semaphore_mem>>)
        %add3A_389 = arith.constant 1 : i32
        %add3A_390 = arith.addi %add3A_369, %add3A_389 : i32
        %mul3A_391 = arith.constant 16 : i32
        %mul3A_392 = arith.muli %add3A_390, %mul3A_391 : i32
        %add3A_393 = arith.addi %arg1, %mul3A_392 : i32
        %mul3A_394 = arith.constant 128 : i32
        %mul3A_395 = arith.muli %add3A_393, %mul3A_394 : i32
        %dma_wait3A_396 = tpu.memref_slice %arg6[%mul3A_395] : memref<320000xi32, #tpu.memory_space<hbm>> -> memref<128xi32, #tpu.memory_space<hbm>>
        %dma_wait3A_397 = tpu.memref_slice %arg6[%mul3A_395] : memref<320000xi32, #tpu.memory_space<hbm>> -> memref<128xi32, #tpu.memory_space<hbm>>
        tpu.wait_dma2 semaphore(%arg27 : memref<!tpu.dma_semaphore, #tpu.memory_space<semaphore_mem>>) src(%dma_wait3A_397 : memref<128xi32, #tpu.memory_space<hbm>>) dst(%arg13 : memref<128xi32, #tpu.memory_space<vmem>>)
        %mul3A_398 = arith.constant 16 : i32
        %mul3A_399 = arith.muli %add3A_390, %mul3A_398 : i32
        %add3A_400 = arith.addi %arg1, %mul3A_399 : i32
        %mul3A_401 = arith.constant 128 : i32
        %mul3A_402 = arith.muli %add3A_400, %mul3A_401 : i32
        %dma_wait3A_403 = tpu.memref_slice %arg7[%mul3A_402] : memref<320000xi32, #tpu.memory_space<hbm>> -> memref<128xi32, #tpu.memory_space<hbm>>
        %dma_wait3A_404 = tpu.memref_slice %arg7[%mul3A_402] : memref<320000xi32, #tpu.memory_space<hbm>> -> memref<128xi32, #tpu.memory_space<hbm>>
        tpu.wait_dma2 semaphore(%arg27 : memref<!tpu.dma_semaphore, #tpu.memory_space<semaphore_mem>>) src(%dma_wait3A_404 : memref<128xi32, #tpu.memory_space<hbm>>) dst(%arg17 : memref<128xi32, #tpu.memory_space<vmem>>)
        %dma_start3A_405 = arith.constant 0 : i32
        %dma_start3A_406 = arith.constant 0 : i32
        %dma_start3A_407 = tpu.memref_slice %arg2[%dma_start3A_405, %dma_start3A_406] : memref<10000x128xf32, #tpu.memory_space<hbm>> -> memref<10000x128xf32, #tpu.memory_space<hbm>>
        tpu.enqueue_indirect_dma source(%dma_start3A_407 : memref<10000x128xf32, #tpu.memory_space<hbm>>) target(%arg19 : memref<128x128xf32, #tpu.memory_space<vmem>>) offsets(%arg13 : memref<128xi32, #tpu.memory_space<vmem>>) semaphore(%arg21 : memref<!tpu.dma_semaphore, #tpu.memory_space<semaphore_mem>>)
        %dma_wait3A_408 = arith.constant 0 : i32
        %dma_wait3A_409 = arith.constant 0 : i32
        %dma_wait3A_410 = tpu.memref_slice %arg2[%dma_wait3A_408, %dma_wait3A_409] : memref<10000x128xf32, #tpu.memory_space<hbm>> -> memref<10000x128xf32, #tpu.memory_space<hbm>>
        tpu.wait_indirect_dma semaphore(%arg22 : memref<!tpu.dma_semaphore, #tpu.memory_space<semaphore_mem>>) src(%dma_wait3A_410 : memref<10000x128xf32, #tpu.memory_space<hbm>>) dst(%arg20 : memref<128x128xf32, #tpu.memory_space<vmem>>)
        %dma_start3A_411 = arith.constant 0 : i32
        %dma_start3A_412 = arith.constant 0 : i32
        %dma_start3A_413 = tpu.memref_slice %arg10[%dma_start3A_411, %dma_start3A_412] : memref<10000x128xf32, #tpu.memory_space<vmem_shared>> -> memref<10000x128xf32, #tpu.memory_space<vmem_shared>>
        tpu.enqueue_indirect_dma source(%arg20 : memref<128x128xf32, #tpu.memory_space<vmem>>) target(%dma_start3A_413 : memref<10000x128xf32, #tpu.memory_space<vmem_shared>>) offsets(%arg16 : memref<128xi32, #tpu.memory_space<vmem>>) semaphore(%arg24 : memref<!tpu.dma_semaphore, #tpu.memory_space<semaphore_mem>>) {add = true}
        %mul3A_414 = arith.constant 4 : i32
        %mul3A_415 = arith.muli %mul3A_414, %scan3A_313 : i32
        %add3A_416 = arith.constant 4 : i32
        %add3A_417 = arith.addi %add3A_416, %mul3A_415 : i32
        %add3A_418 = arith.constant 2 : i32
        %add3A_419 = arith.addi %add3A_417, %add3A_418 : i32
        %dma_wait3A_420 = arith.constant 0 : i32
        %dma_wait3A_421 = arith.constant 0 : i32
        %dma_wait3A_422 = tpu.memref_slice %arg10[%dma_wait3A_420, %dma_wait3A_421] : memref<10000x128xf32, #tpu.memory_space<vmem_shared>> -> memref<10000x128xf32, #tpu.memory_space<vmem_shared>>
        tpu.wait_indirect_dma semaphore(%arg24 : memref<!tpu.dma_semaphore, #tpu.memory_space<semaphore_mem>>) src(%arg20 : memref<128x128xf32, #tpu.memory_space<vmem>>) dst(%dma_wait3A_422 : memref<10000x128xf32, #tpu.memory_space<vmem_shared>>)
        %add3A_423 = arith.constant 2 : i32
        %add3A_424 = arith.addi %add3A_419, %add3A_423 : i32
        %mul3A_425 = arith.constant 16 : i32
        %mul3A_426 = arith.muli %add3A_424, %mul3A_425 : i32
        %add3A_427 = arith.addi %arg1, %mul3A_426 : i32
        %mul3A_428 = arith.constant 128 : i32
        %mul3A_429 = arith.muli %add3A_427, %mul3A_428 : i32
        %dma_start3A_430 = tpu.memref_slice %arg6[%mul3A_429] : memref<320000xi32, #tpu.memory_space<hbm>> -> memref<128xi32, #tpu.memory_space<hbm>>
        %dma_start3A_431 = tpu.memref_slice %arg6[%mul3A_429] : memref<320000xi32, #tpu.memory_space<hbm>> -> memref<128xi32, #tpu.memory_space<hbm>>
        tpu.enqueue_dma source(%dma_start3A_431 : memref<128xi32, #tpu.memory_space<hbm>>) target(%arg11 : memref<128xi32, #tpu.memory_space<vmem>>) target_semaphore(%arg25 : memref<!tpu.dma_semaphore, #tpu.memory_space<semaphore_mem>>)
        %mul3A_432 = arith.constant 16 : i32
        %mul3A_433 = arith.muli %add3A_424, %mul3A_432 : i32
        %add3A_434 = arith.addi %arg1, %mul3A_433 : i32
        %mul3A_435 = arith.constant 128 : i32
        %mul3A_436 = arith.muli %add3A_434, %mul3A_435 : i32
        %dma_start3A_437 = tpu.memref_slice %arg7[%mul3A_436] : memref<320000xi32, #tpu.memory_space<hbm>> -> memref<128xi32, #tpu.memory_space<hbm>>
        %dma_start3A_438 = tpu.memref_slice %arg7[%mul3A_436] : memref<320000xi32, #tpu.memory_space<hbm>> -> memref<128xi32, #tpu.memory_space<hbm>>
        tpu.enqueue_dma source(%dma_start3A_438 : memref<128xi32, #tpu.memory_space<hbm>>) target(%arg15 : memref<128xi32, #tpu.memory_space<vmem>>) target_semaphore(%arg25 : memref<!tpu.dma_semaphore, #tpu.memory_space<semaphore_mem>>)
        %add3A_439 = arith.constant 1 : i32
        %add3A_440 = arith.addi %add3A_419, %add3A_439 : i32
        %mul3A_441 = arith.constant 16 : i32
        %mul3A_442 = arith.muli %add3A_440, %mul3A_441 : i32
        %add3A_443 = arith.addi %arg1, %mul3A_442 : i32
        %mul3A_444 = arith.constant 128 : i32
        %mul3A_445 = arith.muli %add3A_443, %mul3A_444 : i32
        %dma_wait3A_446 = tpu.memref_slice %arg6[%mul3A_445] : memref<320000xi32, #tpu.memory_space<hbm>> -> memref<128xi32, #tpu.memory_space<hbm>>
        %dma_wait3A_447 = tpu.memref_slice %arg6[%mul3A_445] : memref<320000xi32, #tpu.memory_space<hbm>> -> memref<128xi32, #tpu.memory_space<hbm>>
        tpu.wait_dma2 semaphore(%arg28 : memref<!tpu.dma_semaphore, #tpu.memory_space<semaphore_mem>>) src(%dma_wait3A_447 : memref<128xi32, #tpu.memory_space<hbm>>) dst(%arg14 : memref<128xi32, #tpu.memory_space<vmem>>)
        %mul3A_448 = arith.constant 16 : i32
        %mul3A_449 = arith.muli %add3A_440, %mul3A_448 : i32
        %add3A_450 = arith.addi %arg1, %mul3A_449 : i32
        %mul3A_451 = arith.constant 128 : i32
        %mul3A_452 = arith.muli %add3A_450, %mul3A_451 : i32
        %dma_wait3A_453 = tpu.memref_slice %arg7[%mul3A_452] : memref<320000xi32, #tpu.memory_space<hbm>> -> memref<128xi32, #tpu.memory_space<hbm>>
        %dma_wait3A_454 = tpu.memref_slice %arg7[%mul3A_452] : memref<320000xi32, #tpu.memory_space<hbm>> -> memref<128xi32, #tpu.memory_space<hbm>>
        tpu.wait_dma2 semaphore(%arg28 : memref<!tpu.dma_semaphore, #tpu.memory_space<semaphore_mem>>) src(%dma_wait3A_454 : memref<128xi32, #tpu.memory_space<hbm>>) dst(%arg18 : memref<128xi32, #tpu.memory_space<vmem>>)
        %dma_start3A_455 = arith.constant 0 : i32
        %dma_start3A_456 = arith.constant 0 : i32
        %dma_start3A_457 = tpu.memref_slice %arg2[%dma_start3A_455, %dma_start3A_456] : memref<10000x128xf32, #tpu.memory_space<hbm>> -> memref<10000x128xf32, #tpu.memory_space<hbm>>
        tpu.enqueue_indirect_dma source(%dma_start3A_457 : memref<10000x128xf32, #tpu.memory_space<hbm>>) target(%arg20 : memref<128x128xf32, #tpu.memory_space<vmem>>) offsets(%arg14 : memref<128xi32, #tpu.memory_space<vmem>>) semaphore(%arg22 : memref<!tpu.dma_semaphore, #tpu.memory_space<semaphore_mem>>)
        %dma_wait3A_458 = arith.constant 0 : i32
        %dma_wait3A_459 = arith.constant 0 : i32
        %dma_wait3A_460 = tpu.memref_slice %arg2[%dma_wait3A_458, %dma_wait3A_459] : memref<10000x128xf32, #tpu.memory_space<hbm>> -> memref<10000x128xf32, #tpu.memory_space<hbm>>
        tpu.wait_indirect_dma semaphore(%arg21 : memref<!tpu.dma_semaphore, #tpu.memory_space<semaphore_mem>>) src(%dma_wait3A_460 : memref<10000x128xf32, #tpu.memory_space<hbm>>) dst(%arg19 : memref<128x128xf32, #tpu.memory_space<vmem>>)
        %dma_start3A_461 = arith.constant 0 : i32
        %dma_start3A_462 = arith.constant 0 : i32
        %dma_start3A_463 = tpu.memref_slice %arg10[%dma_start3A_461, %dma_start3A_462] : memref<10000x128xf32, #tpu.memory_space<vmem_shared>> -> memref<10000x128xf32, #tpu.memory_space<vmem_shared>>
        tpu.enqueue_indirect_dma source(%arg19 : memref<128x128xf32, #tpu.memory_space<vmem>>) target(%dma_start3A_463 : memref<10000x128xf32, #tpu.memory_space<vmem_shared>>) offsets(%arg17 : memref<128xi32, #tpu.memory_space<vmem>>) semaphore(%arg23 : memref<!tpu.dma_semaphore, #tpu.memory_space<semaphore_mem>>) {add = true}
        %mul3A_464 = arith.constant 4 : i32
        %mul3A_465 = arith.muli %mul3A_464, %scan3A_313 : i32
        %add3A_466 = arith.constant 4 : i32
        %add3A_467 = arith.addi %add3A_466, %mul3A_465 : i32
        %add3A_468 = arith.constant 3 : i32
        %add3A_469 = arith.addi %add3A_467, %add3A_468 : i32
        %dma_wait3A_470 = arith.constant 0 : i32
        %dma_wait3A_471 = arith.constant 0 : i32
        %dma_wait3A_472 = tpu.memref_slice %arg10[%dma_wait3A_470, %dma_wait3A_471] : memref<10000x128xf32, #tpu.memory_space<vmem_shared>> -> memref<10000x128xf32, #tpu.memory_space<vmem_shared>>
        tpu.wait_indirect_dma semaphore(%arg23 : memref<!tpu.dma_semaphore, #tpu.memory_space<semaphore_mem>>) src(%arg19 : memref<128x128xf32, #tpu.memory_space<vmem>>) dst(%dma_wait3A_472 : memref<10000x128xf32, #tpu.memory_space<vmem_shared>>)
        %add3A_473 = arith.constant 2 : i32
        %add3A_474 = arith.addi %add3A_469, %add3A_473 : i32
        %mul3A_475 = arith.constant 16 : i32
        %mul3A_476 = arith.muli %add3A_474, %mul3A_475 : i32
        %add3A_477 = arith.addi %arg1, %mul3A_476 : i32
        %mul3A_478 = arith.constant 128 : i32
        %mul3A_479 = arith.muli %add3A_477, %mul3A_478 : i32
        %dma_start3A_480 = tpu.memref_slice %arg6[%mul3A_479] : memref<320000xi32, #tpu.memory_space<hbm>> -> memref<128xi32, #tpu.memory_space<hbm>>
        %dma_start3A_481 = tpu.memref_slice %arg6[%mul3A_479] : memref<320000xi32, #tpu.memory_space<hbm>> -> memref<128xi32, #tpu.memory_space<hbm>>
        tpu.enqueue_dma source(%dma_start3A_481 : memref<128xi32, #tpu.memory_space<hbm>>) target(%arg12 : memref<128xi32, #tpu.memory_space<vmem>>) target_semaphore(%arg26 : memref<!tpu.dma_semaphore, #tpu.memory_space<semaphore_mem>>)
        %mul3A_482 = arith.constant 16 : i32
        %mul3A_483 = arith.muli %add3A_474, %mul3A_482 : i32
        %add3A_484 = arith.addi %arg1, %mul3A_483 : i32
        %mul3A_485 = arith.constant 128 : i32
        %mul3A_486 = arith.muli %add3A_484, %mul3A_485 : i32
        %dma_start3A_487 = tpu.memref_slice %arg7[%mul3A_486] : memref<320000xi32, #tpu.memory_space<hbm>> -> memref<128xi32, #tpu.memory_space<hbm>>
        %dma_start3A_488 = tpu.memref_slice %arg7[%mul3A_486] : memref<320000xi32, #tpu.memory_space<hbm>> -> memref<128xi32, #tpu.memory_space<hbm>>
        tpu.enqueue_dma source(%dma_start3A_488 : memref<128xi32, #tpu.memory_space<hbm>>) target(%arg16 : memref<128xi32, #tpu.memory_space<vmem>>) target_semaphore(%arg26 : memref<!tpu.dma_semaphore, #tpu.memory_space<semaphore_mem>>)
        %add3A_489 = arith.constant 1 : i32
        %add3A_490 = arith.addi %add3A_469, %add3A_489 : i32
        %mul3A_491 = arith.constant 16 : i32
        %mul3A_492 = arith.muli %add3A_490, %mul3A_491 : i32
        %add3A_493 = arith.addi %arg1, %mul3A_492 : i32
        %mul3A_494 = arith.constant 128 : i32
        %mul3A_495 = arith.muli %add3A_493, %mul3A_494 : i32
        %dma_wait3A_496 = tpu.memref_slice %arg6[%mul3A_495] : memref<320000xi32, #tpu.memory_space<hbm>> -> memref<128xi32, #tpu.memory_space<hbm>>
        %dma_wait3A_497 = tpu.memref_slice %arg6[%mul3A_495] : memref<320000xi32, #tpu.memory_space<hbm>> -> memref<128xi32, #tpu.memory_space<hbm>>
        tpu.wait_dma2 semaphore(%arg25 : memref<!tpu.dma_semaphore, #tpu.memory_space<semaphore_mem>>) src(%dma_wait3A_497 : memref<128xi32, #tpu.memory_space<hbm>>) dst(%arg11 : memref<128xi32, #tpu.memory_space<vmem>>)
        %mul3A_498 = arith.constant 16 : i32
        %mul3A_499 = arith.muli %add3A_490, %mul3A_498 : i32
        %add3A_500 = arith.addi %arg1, %mul3A_499 : i32
        %mul3A_501 = arith.constant 128 : i32
        %mul3A_502 = arith.muli %add3A_500, %mul3A_501 : i32
        %dma_wait3A_503 = tpu.memref_slice %arg7[%mul3A_502] : memref<320000xi32, #tpu.memory_space<hbm>> -> memref<128xi32, #tpu.memory_space<hbm>>
        %dma_wait3A_504 = tpu.memref_slice %arg7[%mul3A_502] : memref<320000xi32, #tpu.memory_space<hbm>> -> memref<128xi32, #tpu.memory_space<hbm>>
        tpu.wait_dma2 semaphore(%arg25 : memref<!tpu.dma_semaphore, #tpu.memory_space<semaphore_mem>>) src(%dma_wait3A_504 : memref<128xi32, #tpu.memory_space<hbm>>) dst(%arg15 : memref<128xi32, #tpu.memory_space<vmem>>)
        %dma_start3A_505 = arith.constant 0 : i32
        %dma_start3A_506 = arith.constant 0 : i32
        %dma_start3A_507 = tpu.memref_slice %arg2[%dma_start3A_505, %dma_start3A_506] : memref<10000x128xf32, #tpu.memory_space<hbm>> -> memref<10000x128xf32, #tpu.memory_space<hbm>>
        tpu.enqueue_indirect_dma source(%dma_start3A_507 : memref<10000x128xf32, #tpu.memory_space<hbm>>) target(%arg19 : memref<128x128xf32, #tpu.memory_space<vmem>>) offsets(%arg11 : memref<128xi32, #tpu.memory_space<vmem>>) semaphore(%arg21 : memref<!tpu.dma_semaphore, #tpu.memory_space<semaphore_mem>>)
        %dma_wait3A_508 = arith.constant 0 : i32
        %dma_wait3A_509 = arith.constant 0 : i32
        %dma_wait3A_510 = tpu.memref_slice %arg2[%dma_wait3A_508, %dma_wait3A_509] : memref<10000x128xf32, #tpu.memory_space<hbm>> -> memref<10000x128xf32, #tpu.memory_space<hbm>>
        tpu.wait_indirect_dma semaphore(%arg22 : memref<!tpu.dma_semaphore, #tpu.memory_space<semaphore_mem>>) src(%dma_wait3A_510 : memref<10000x128xf32, #tpu.memory_space<hbm>>) dst(%arg20 : memref<128x128xf32, #tpu.memory_space<vmem>>)
        %dma_start3A_511 = arith.constant 0 : i32
        %dma_start3A_512 = arith.constant 0 : i32
        %dma_start3A_513 = tpu.memref_slice %arg10[%dma_start3A_511, %dma_start3A_512] : memref<10000x128xf32, #tpu.memory_space<vmem_shared>> -> memref<10000x128xf32, #tpu.memory_space<vmem_shared>>
        tpu.enqueue_indirect_dma source(%arg20 : memref<128x128xf32, #tpu.memory_space<vmem>>) target(%dma_start3A_513 : memref<10000x128xf32, #tpu.memory_space<vmem_shared>>) offsets(%arg18 : memref<128xi32, #tpu.memory_space<vmem>>) semaphore(%arg24 : memref<!tpu.dma_semaphore, #tpu.memory_space<semaphore_mem>>) {add = true}
      }
      %scan3A_193 = arith.constant 37 : i32
      %dma_wait3A_194 = arith.constant 0 : i32
      %dma_wait3A_195 = arith.constant 0 : i32
      %dma_wait3A_196 = tpu.memref_slice %arg10[%dma_wait3A_194, %dma_wait3A_195] : memref<10000x128xf32, #tpu.memory_space<vmem_shared>> -> memref<10000x128xf32, #tpu.memory_space<vmem_shared>>
      tpu.wait_indirect_dma semaphore(%arg24 : memref<!tpu.dma_semaphore, #tpu.memory_space<semaphore_mem>>) src(%arg20 : memref<128x128xf32, #tpu.memory_space<vmem>>) dst(%dma_wait3A_196 : memref<10000x128xf32, #tpu.memory_space<vmem_shared>>)
      %add3A_197 = arith.constant 2464 : i32
      %add3A_198 = arith.addi %arg1, %add3A_197 : i32
      %mul3A_199 = arith.constant 128 : i32
      %mul3A_200 = arith.muli %add3A_198, %mul3A_199 : i32
      %dma_start3A_201 = tpu.memref_slice %arg6[%mul3A_200] : memref<320000xi32, #tpu.memory_space<hbm>> -> memref<128xi32, #tpu.memory_space<hbm>>
      %dma_start3A_202 = tpu.memref_slice %arg6[%mul3A_200] : memref<320000xi32, #tpu.memory_space<hbm>> -> memref<128xi32, #tpu.memory_space<hbm>>
      tpu.enqueue_dma source(%dma_start3A_202 : memref<128xi32, #tpu.memory_space<hbm>>) target(%arg13 : memref<128xi32, #tpu.memory_space<vmem>>) target_semaphore(%arg27 : memref<!tpu.dma_semaphore, #tpu.memory_space<semaphore_mem>>)
      %add3A_203 = arith.constant 2464 : i32
      %add3A_204 = arith.addi %arg1, %add3A_203 : i32
      %mul3A_205 = arith.constant 128 : i32
      %mul3A_206 = arith.muli %add3A_204, %mul3A_205 : i32
      %dma_start3A_207 = tpu.memref_slice %arg7[%mul3A_206] : memref<320000xi32, #tpu.memory_space<hbm>> -> memref<128xi32, #tpu.memory_space<hbm>>
      %dma_start3A_208 = tpu.memref_slice %arg7[%mul3A_206] : memref<320000xi32, #tpu.memory_space<hbm>> -> memref<128xi32, #tpu.memory_space<hbm>>
      tpu.enqueue_dma source(%dma_start3A_208 : memref<128xi32, #tpu.memory_space<hbm>>) target(%arg17 : memref<128xi32, #tpu.memory_space<vmem>>) target_semaphore(%arg27 : memref<!tpu.dma_semaphore, #tpu.memory_space<semaphore_mem>>)
      %add3A_209 = arith.constant 2448 : i32
      %add3A_210 = arith.addi %arg1, %add3A_209 : i32
      %mul3A_211 = arith.constant 128 : i32
      %mul3A_212 = arith.muli %add3A_210, %mul3A_211 : i32
      %dma_wait3A_213 = tpu.memref_slice %arg6[%mul3A_212] : memref<320000xi32, #tpu.memory_space<hbm>> -> memref<128xi32, #tpu.memory_space<hbm>>
      %dma_wait3A_214 = tpu.memref_slice %arg6[%mul3A_212] : memref<320000xi32, #tpu.memory_space<hbm>> -> memref<128xi32, #tpu.memory_space<hbm>>
      tpu.wait_dma2 semaphore(%arg26 : memref<!tpu.dma_semaphore, #tpu.memory_space<semaphore_mem>>) src(%dma_wait3A_214 : memref<128xi32, #tpu.memory_space<hbm>>) dst(%arg12 : memref<128xi32, #tpu.memory_space<vmem>>)
      %add3A_215 = arith.constant 2448 : i32
      %add3A_216 = arith.addi %arg1, %add3A_215 : i32
      %mul3A_217 = arith.constant 128 : i32
      %mul3A_218 = arith.muli %add3A_216, %mul3A_217 : i32
      %dma_wait3A_219 = tpu.memref_slice %arg7[%mul3A_218] : memref<320000xi32, #tpu.memory_space<hbm>> -> memref<128xi32, #tpu.memory_space<hbm>>
      %dma_wait3A_220 = tpu.memref_slice %arg7[%mul3A_218] : memref<320000xi32, #tpu.memory_space<hbm>> -> memref<128xi32, #tpu.memory_space<hbm>>
      tpu.wait_dma2 semaphore(%arg26 : memref<!tpu.dma_semaphore, #tpu.memory_space<semaphore_mem>>) src(%dma_wait3A_220 : memref<128xi32, #tpu.memory_space<hbm>>) dst(%arg16 : memref<128xi32, #tpu.memory_space<vmem>>)
      %dma_start3A_221 = arith.constant 0 : i32
      %dma_start3A_222 = arith.constant 0 : i32
      %dma_start3A_223 = tpu.memref_slice %arg2[%dma_start3A_221, %dma_start3A_222] : memref<10000x128xf32, #tpu.memory_space<hbm>> -> memref<10000x128xf32, #tpu.memory_space<hbm>>
      tpu.enqueue_indirect_dma source(%dma_start3A_223 : memref<10000x128xf32, #tpu.memory_space<hbm>>) target(%arg20 : memref<128x128xf32, #tpu.memory_space<vmem>>) offsets(%arg12 : memref<128xi32, #tpu.memory_space<vmem>>) semaphore(%arg22 : memref<!tpu.dma_semaphore, #tpu.memory_space<semaphore_mem>>)
      %dma_wait3A_224 = arith.constant 0 : i32
      %dma_wait3A_225 = arith.constant 0 : i32
      %dma_wait3A_226 = tpu.memref_slice %arg2[%dma_wait3A_224, %dma_wait3A_225] : memref<10000x128xf32, #tpu.memory_space<hbm>> -> memref<10000x128xf32, #tpu.memory_space<hbm>>
      tpu.wait_indirect_dma semaphore(%arg21 : memref<!tpu.dma_semaphore, #tpu.memory_space<semaphore_mem>>) src(%dma_wait3A_226 : memref<10000x128xf32, #tpu.memory_space<hbm>>) dst(%arg19 : memref<128x128xf32, #tpu.memory_space<vmem>>)
      %dma_start3A_227 = arith.constant 0 : i32
      %dma_start3A_228 = arith.constant 0 : i32
      %dma_start3A_229 = tpu.memref_slice %arg10[%dma_start3A_227, %dma_start3A_228] : memref<10000x128xf32, #tpu.memory_space<vmem_shared>> -> memref<10000x128xf32, #tpu.memory_space<vmem_shared>>
      tpu.enqueue_indirect_dma source(%arg19 : memref<128x128xf32, #tpu.memory_space<vmem>>) target(%dma_start3A_229 : memref<10000x128xf32, #tpu.memory_space<vmem_shared>>) offsets(%arg15 : memref<128xi32, #tpu.memory_space<vmem>>) semaphore(%arg23 : memref<!tpu.dma_semaphore, #tpu.memory_space<semaphore_mem>>) {add = true}
      %dma_wait3A_230 = arith.constant 0 : i32
      %dma_wait3A_231 = arith.constant 0 : i32
      %dma_wait3A_232 = tpu.memref_slice %arg10[%dma_wait3A_230, %dma_wait3A_231] : memref<10000x128xf32, #tpu.memory_space<vmem_shared>> -> memref<10000x128xf32, #tpu.memory_space<vmem_shared>>
      tpu.wait_indirect_dma semaphore(%arg23 : memref<!tpu.dma_semaphore, #tpu.memory_space<semaphore_mem>>) src(%arg19 : memref<128x128xf32, #tpu.memory_space<vmem>>) dst(%dma_wait3A_232 : memref<10000x128xf32, #tpu.memory_space<vmem_shared>>)
      %add3A_233 = arith.constant 2480 : i32
      %add3A_234 = arith.addi %arg1, %add3A_233 : i32
      %mul3A_235 = arith.constant 128 : i32
      %mul3A_236 = arith.muli %add3A_234, %mul3A_235 : i32
      %dma_start3A_237 = tpu.memref_slice %arg6[%mul3A_236] : memref<320000xi32, #tpu.memory_space<hbm>> -> memref<128xi32, #tpu.memory_space<hbm>>
      %dma_start3A_238 = tpu.memref_slice %arg6[%mul3A_236] : memref<320000xi32, #tpu.memory_space<hbm>> -> memref<128xi32, #tpu.memory_space<hbm>>
      tpu.enqueue_dma source(%dma_start3A_238 : memref<128xi32, #tpu.memory_space<hbm>>) target(%arg14 : memref<128xi32, #tpu.memory_space<vmem>>) target_semaphore(%arg28 : memref<!tpu.dma_semaphore, #tpu.memory_space<semaphore_mem>>)
      %add3A_239 = arith.constant 2480 : i32
      %add3A_240 = arith.addi %arg1, %add3A_239 : i32
      %mul3A_241 = arith.constant 128 : i32
      %mul3A_242 = arith.muli %add3A_240, %mul3A_241 : i32
      %dma_start3A_243 = tpu.memref_slice %arg7[%mul3A_242] : memref<320000xi32, #tpu.memory_space<hbm>> -> memref<128xi32, #tpu.memory_space<hbm>>
      %dma_start3A_244 = tpu.memref_slice %arg7[%mul3A_242] : memref<320000xi32, #tpu.memory_space<hbm>> -> memref<128xi32, #tpu.memory_space<hbm>>
      tpu.enqueue_dma source(%dma_start3A_244 : memref<128xi32, #tpu.memory_space<hbm>>) target(%arg18 : memref<128xi32, #tpu.memory_space<vmem>>) target_semaphore(%arg28 : memref<!tpu.dma_semaphore, #tpu.memory_space<semaphore_mem>>)
      %add3A_245 = arith.constant 2464 : i32
      %add3A_246 = arith.addi %arg1, %add3A_245 : i32
      %mul3A_247 = arith.constant 128 : i32
      %mul3A_248 = arith.muli %add3A_246, %mul3A_247 : i32
      %dma_wait3A_249 = tpu.memref_slice %arg6[%mul3A_248] : memref<320000xi32, #tpu.memory_space<hbm>> -> memref<128xi32, #tpu.memory_space<hbm>>
      %dma_wait3A_250 = tpu.memref_slice %arg6[%mul3A_248] : memref<320000xi32, #tpu.memory_space<hbm>> -> memref<128xi32, #tpu.memory_space<hbm>>
      tpu.wait_dma2 semaphore(%arg27 : memref<!tpu.dma_semaphore, #tpu.memory_space<semaphore_mem>>) src(%dma_wait3A_250 : memref<128xi32, #tpu.memory_space<hbm>>) dst(%arg13 : memref<128xi32, #tpu.memory_space<vmem>>)
      %add3A_251 = arith.constant 2464 : i32
      %add3A_252 = arith.addi %arg1, %add3A_251 : i32
      %mul3A_253 = arith.constant 128 : i32
      %mul3A_254 = arith.muli %add3A_252, %mul3A_253 : i32
      %dma_wait3A_255 = tpu.memref_slice %arg7[%mul3A_254] : memref<320000xi32, #tpu.memory_space<hbm>> -> memref<128xi32, #tpu.memory_space<hbm>>
      %dma_wait3A_256 = tpu.memref_slice %arg7[%mul3A_254] : memref<320000xi32, #tpu.memory_space<hbm>> -> memref<128xi32, #tpu.memory_space<hbm>>
      tpu.wait_dma2 semaphore(%arg27 : memref<!tpu.dma_semaphore, #tpu.memory_space<semaphore_mem>>) src(%dma_wait3A_256 : memref<128xi32, #tpu.memory_space<hbm>>) dst(%arg17 : memref<128xi32, #tpu.memory_space<vmem>>)
      %dma_start3A_257 = arith.constant 0 : i32
      %dma_start3A_258 = arith.constant 0 : i32
      %dma_start3A_259 = tpu.memref_slice %arg2[%dma_start3A_257, %dma_start3A_258] : memref<10000x128xf32, #tpu.memory_space<hbm>> -> memref<10000x128xf32, #tpu.memory_space<hbm>>
      tpu.enqueue_indirect_dma source(%dma_start3A_259 : memref<10000x128xf32, #tpu.memory_space<hbm>>) target(%arg19 : memref<128x128xf32, #tpu.memory_space<vmem>>) offsets(%arg13 : memref<128xi32, #tpu.memory_space<vmem>>) semaphore(%arg21 : memref<!tpu.dma_semaphore, #tpu.memory_space<semaphore_mem>>)
      %dma_wait3A_260 = arith.constant 0 : i32
      %dma_wait3A_261 = arith.constant 0 : i32
      %dma_wait3A_262 = tpu.memref_slice %arg2[%dma_wait3A_260, %dma_wait3A_261] : memref<10000x128xf32, #tpu.memory_space<hbm>> -> memref<10000x128xf32, #tpu.memory_space<hbm>>
      tpu.wait_indirect_dma semaphore(%arg22 : memref<!tpu.dma_semaphore, #tpu.memory_space<semaphore_mem>>) src(%dma_wait3A_262 : memref<10000x128xf32, #tpu.memory_space<hbm>>) dst(%arg20 : memref<128x128xf32, #tpu.memory_space<vmem>>)
      %dma_start3A_263 = arith.constant 0 : i32
      %dma_start3A_264 = arith.constant 0 : i32
      %dma_start3A_265 = tpu.memref_slice %arg10[%dma_start3A_263, %dma_start3A_264] : memref<10000x128xf32, #tpu.memory_space<vmem_shared>> -> memref<10000x128xf32, #tpu.memory_space<vmem_shared>>
      tpu.enqueue_indirect_dma source(%arg20 : memref<128x128xf32, #tpu.memory_space<vmem>>) target(%dma_start3A_265 : memref<10000x128xf32, #tpu.memory_space<vmem_shared>>) offsets(%arg16 : memref<128xi32, #tpu.memory_space<vmem>>) semaphore(%arg24 : memref<!tpu.dma_semaphore, #tpu.memory_space<semaphore_mem>>) {add = true}
      %dma_wait3A_266 = arith.constant 0 : i32
      %dma_wait3A_267 = arith.constant 0 : i32
      %dma_wait3A_268 = tpu.memref_slice %arg10[%dma_wait3A_266, %dma_wait3A_267] : memref<10000x128xf32, #tpu.memory_space<vmem_shared>> -> memref<10000x128xf32, #tpu.memory_space<vmem_shared>>
      tpu.wait_indirect_dma semaphore(%arg24 : memref<!tpu.dma_semaphore, #tpu.memory_space<semaphore_mem>>) src(%arg20 : memref<128x128xf32, #tpu.memory_space<vmem>>) dst(%dma_wait3A_268 : memref<10000x128xf32, #tpu.memory_space<vmem_shared>>)
      %add3A_269 = arith.constant 2480 : i32
      %add3A_270 = arith.addi %arg1, %add3A_269 : i32
      %mul3A_271 = arith.constant 128 : i32
      %mul3A_272 = arith.muli %add3A_270, %mul3A_271 : i32
      %dma_wait3A_273 = tpu.memref_slice %arg6[%mul3A_272] : memref<320000xi32, #tpu.memory_space<hbm>> -> memref<128xi32, #tpu.memory_space<hbm>>
      %dma_wait3A_274 = tpu.memref_slice %arg6[%mul3A_272] : memref<320000xi32, #tpu.memory_space<hbm>> -> memref<128xi32, #tpu.memory_space<hbm>>
      tpu.wait_dma2 semaphore(%arg28 : memref<!tpu.dma_semaphore, #tpu.memory_space<semaphore_mem>>) src(%dma_wait3A_274 : memref<128xi32, #tpu.memory_space<hbm>>) dst(%arg14 : memref<128xi32, #tpu.memory_space<vmem>>)
      %add3A_275 = arith.constant 2480 : i32
      %add3A_276 = arith.addi %arg1, %add3A_275 : i32
      %mul3A_277 = arith.constant 128 : i32
      %mul3A_278 = arith.muli %add3A_276, %mul3A_277 : i32
      %dma_wait3A_279 = tpu.memref_slice %arg7[%mul3A_278] : memref<320000xi32, #tpu.memory_space<hbm>> -> memref<128xi32, #tpu.memory_space<hbm>>
      %dma_wait3A_280 = tpu.memref_slice %arg7[%mul3A_278] : memref<320000xi32, #tpu.memory_space<hbm>> -> memref<128xi32, #tpu.memory_space<hbm>>
      tpu.wait_dma2 semaphore(%arg28 : memref<!tpu.dma_semaphore, #tpu.memory_space<semaphore_mem>>) src(%dma_wait3A_280 : memref<128xi32, #tpu.memory_space<hbm>>) dst(%arg18 : memref<128xi32, #tpu.memory_space<vmem>>)
      %dma_start3A_281 = arith.constant 0 : i32
      %dma_start3A_282 = arith.constant 0 : i32
      %dma_start3A_283 = tpu.memref_slice %arg2[%dma_start3A_281, %dma_start3A_282] : memref<10000x128xf32, #tpu.memory_space<hbm>> -> memref<10000x128xf32, #tpu.memory_space<hbm>>
      tpu.enqueue_indirect_dma source(%dma_start3A_283 : memref<10000x128xf32, #tpu.memory_space<hbm>>) target(%arg20 : memref<128x128xf32, #tpu.memory_space<vmem>>) offsets(%arg14 : memref<128xi32, #tpu.memory_space<vmem>>) semaphore(%arg22 : memref<!tpu.dma_semaphore, #tpu.memory_space<semaphore_mem>>)
      %dma_wait3A_284 = arith.constant 0 : i32
      %dma_wait3A_285 = arith.constant 0 : i32
      %dma_wait3A_286 = tpu.memref_slice %arg2[%dma_wait3A_284, %dma_wait3A_285] : memref<10000x128xf32, #tpu.memory_space<hbm>> -> memref<10000x128xf32, #tpu.memory_space<hbm>>
      tpu.wait_indirect_dma semaphore(%arg21 : memref<!tpu.dma_semaphore, #tpu.memory_space<semaphore_mem>>) src(%dma_wait3A_286 : memref<10000x128xf32, #tpu.memory_space<hbm>>) dst(%arg19 : memref<128x128xf32, #tpu.memory_space<vmem>>)
      %dma_start3A_287 = arith.constant 0 : i32
      %dma_start3A_288 = arith.constant 0 : i32
      %dma_start3A_289 = tpu.memref_slice %arg10[%dma_start3A_287, %dma_start3A_288] : memref<10000x128xf32, #tpu.memory_space<vmem_shared>> -> memref<10000x128xf32, #tpu.memory_space<vmem_shared>>
      tpu.enqueue_indirect_dma source(%arg19 : memref<128x128xf32, #tpu.memory_space<vmem>>) target(%dma_start3A_289 : memref<10000x128xf32, #tpu.memory_space<vmem_shared>>) offsets(%arg17 : memref<128xi32, #tpu.memory_space<vmem>>) semaphore(%arg23 : memref<!tpu.dma_semaphore, #tpu.memory_space<semaphore_mem>>) {add = true}
      %dma_wait3A_290 = arith.constant 0 : i32
      %dma_wait3A_291 = arith.constant 0 : i32
      %dma_wait3A_292 = tpu.memref_slice %arg10[%dma_wait3A_290, %dma_wait3A_291] : memref<10000x128xf32, #tpu.memory_space<vmem_shared>> -> memref<10000x128xf32, #tpu.memory_space<vmem_shared>>
      tpu.wait_indirect_dma semaphore(%arg23 : memref<!tpu.dma_semaphore, #tpu.memory_space<semaphore_mem>>) src(%arg19 : memref<128x128xf32, #tpu.memory_space<vmem>>) dst(%dma_wait3A_292 : memref<10000x128xf32, #tpu.memory_space<vmem_shared>>)
      %dma_wait3A_293 = arith.constant 0 : i32
      %dma_wait3A_294 = arith.constant 0 : i32
      %dma_wait3A_295 = tpu.memref_slice %arg2[%dma_wait3A_293, %dma_wait3A_294] : memref<10000x128xf32, #tpu.memory_space<hbm>> -> memref<10000x128xf32, #tpu.memory_space<hbm>>
      tpu.wait_indirect_dma semaphore(%arg22 : memref<!tpu.dma_semaphore, #tpu.memory_space<semaphore_mem>>) src(%dma_wait3A_295 : memref<10000x128xf32, #tpu.memory_space<hbm>>) dst(%arg20 : memref<128x128xf32, #tpu.memory_space<vmem>>)
      %dma_start3A_296 = arith.constant 0 : i32
      %dma_start3A_297 = arith.constant 0 : i32
      %dma_start3A_298 = tpu.memref_slice %arg10[%dma_start3A_296, %dma_start3A_297] : memref<10000x128xf32, #tpu.memory_space<vmem_shared>> -> memref<10000x128xf32, #tpu.memory_space<vmem_shared>>
      tpu.enqueue_indirect_dma source(%arg20 : memref<128x128xf32, #tpu.memory_space<vmem>>) target(%dma_start3A_298 : memref<10000x128xf32, #tpu.memory_space<vmem_shared>>) offsets(%arg18 : memref<128xi32, #tpu.memory_space<vmem>>) semaphore(%arg24 : memref<!tpu.dma_semaphore, #tpu.memory_space<semaphore_mem>>) {add = true}
      %dma_wait3A_299 = arith.constant 0 : i32
      %dma_wait3A_300 = arith.constant 0 : i32
      %dma_wait3A_301 = tpu.memref_slice %arg10[%dma_wait3A_299, %dma_wait3A_300] : memref<10000x128xf32, #tpu.memory_space<vmem_shared>> -> memref<10000x128xf32, #tpu.memory_space<vmem_shared>>
      tpu.wait_indirect_dma semaphore(%arg24 : memref<!tpu.dma_semaphore, #tpu.memory_space<semaphore_mem>>) src(%arg20 : memref<128x128xf32, #tpu.memory_space<vmem>>) dst(%dma_wait3A_301 : memref<10000x128xf32, #tpu.memory_space<vmem_shared>>)
      %lt3A_302 = arith.constant 4 : i32
      %lt3A_303 = arith.cmpi slt, %arg1, %lt3A_302 : i32
      %convert_element_type3A_304 = arith.extui %lt3A_303 : i1 to i32
      %cond3A_305 = arith.constant 0 : i32
      %cond3A_306 = arith.cmpi ne, %convert_element_type3A_304, %cond3A_305 : i32
      scf.if %cond3A_306 {
        %add3A_313 = arith.constant 2496 : i32
        %add3A_314 = arith.addi %arg1, %add3A_313 : i32
        %mul3A_315 = arith.constant 128 : i32
        %mul3A_316 = arith.muli %add3A_314, %mul3A_315 : i32
        "tpu.region"() ({
          %run_scoped3A = tpu.sem_alloc : memref<!tpu.dma_semaphore, #tpu.memory_space<semaphore_mem>>
          %dma_start3A_323 = tpu.memref_slice %arg6[%mul3A_316] : memref<320000xi32, #tpu.memory_space<hbm>> -> memref<128xi32, #tpu.memory_space<hbm>>
          %dma_start3A_324 = tpu.memref_slice %arg6[%mul3A_316] : memref<320000xi32, #tpu.memory_space<hbm>> -> memref<128xi32, #tpu.memory_space<hbm>>
          tpu.enqueue_dma source(%dma_start3A_324 : memref<128xi32, #tpu.memory_space<hbm>>) target(%arg11 : memref<128xi32, #tpu.memory_space<vmem>>) target_semaphore(%run_scoped3A : memref<!tpu.dma_semaphore, #tpu.memory_space<semaphore_mem>>)
          %dma_wait3A_325 = tpu.memref_slice %arg6[%mul3A_316] : memref<320000xi32, #tpu.memory_space<hbm>> -> memref<128xi32, #tpu.memory_space<hbm>>
          %dma_wait3A_326 = tpu.memref_slice %arg6[%mul3A_316] : memref<320000xi32, #tpu.memory_space<hbm>> -> memref<128xi32, #tpu.memory_space<hbm>>
          tpu.wait_dma2 semaphore(%run_scoped3A : memref<!tpu.dma_semaphore, #tpu.memory_space<semaphore_mem>>) src(%dma_wait3A_326 : memref<128xi32, #tpu.memory_space<hbm>>) dst(%arg11 : memref<128xi32, #tpu.memory_space<vmem>>)
          tpu.yield
        }) : () -> ()
        "tpu.region"() ({
          %run_scoped3A = tpu.sem_alloc : memref<!tpu.dma_semaphore, #tpu.memory_space<semaphore_mem>>
          %dma_start3A_323 = tpu.memref_slice %arg7[%mul3A_316] : memref<320000xi32, #tpu.memory_space<hbm>> -> memref<128xi32, #tpu.memory_space<hbm>>
          %dma_start3A_324 = tpu.memref_slice %arg7[%mul3A_316] : memref<320000xi32, #tpu.memory_space<hbm>> -> memref<128xi32, #tpu.memory_space<hbm>>
          tpu.enqueue_dma source(%dma_start3A_324 : memref<128xi32, #tpu.memory_space<hbm>>) target(%arg15 : memref<128xi32, #tpu.memory_space<vmem>>) target_semaphore(%run_scoped3A : memref<!tpu.dma_semaphore, #tpu.memory_space<semaphore_mem>>)
          %dma_wait3A_325 = tpu.memref_slice %arg7[%mul3A_316] : memref<320000xi32, #tpu.memory_space<hbm>> -> memref<128xi32, #tpu.memory_space<hbm>>
          %dma_wait3A_326 = tpu.memref_slice %arg7[%mul3A_316] : memref<320000xi32, #tpu.memory_space<hbm>> -> memref<128xi32, #tpu.memory_space<hbm>>
          tpu.wait_dma2 semaphore(%run_scoped3A : memref<!tpu.dma_semaphore, #tpu.memory_space<semaphore_mem>>) src(%dma_wait3A_326 : memref<128xi32, #tpu.memory_space<hbm>>) dst(%arg15 : memref<128xi32, #tpu.memory_space<vmem>>)
          tpu.yield
        }) : () -> ()
        %dma_start3A_317 = arith.constant 0 : i32
        %dma_start3A_318 = arith.constant 0 : i32
        %dma_start3A_319 = tpu.memref_slice %arg2[%dma_start3A_317, %dma_start3A_318] : memref<10000x128xf32, #tpu.memory_space<hbm>> -> memref<10000x128xf32, #tpu.memory_space<hbm>>
        tpu.enqueue_indirect_dma source(%dma_start3A_319 : memref<10000x128xf32, #tpu.memory_space<hbm>>) target(%arg19 : memref<128x128xf32, #tpu.memory_space<vmem>>) offsets(%arg11 : memref<128xi32, #tpu.memory_space<vmem>>) semaphore(%arg21 : memref<!tpu.dma_semaphore, #tpu.memory_space<semaphore_mem>>)
        %dma_wait3A_320 = arith.constant 0 : i32
        %dma_wait3A_321 = arith.constant 0 : i32
        %dma_wait3A_322 = tpu.memref_slice %arg2[%dma_wait3A_320, %dma_wait3A_321] : memref<10000x128xf32, #tpu.memory_space<hbm>> -> memref<10000x128xf32, #tpu.memory_space<hbm>>
        tpu.wait_indirect_dma semaphore(%arg21 : memref<!tpu.dma_semaphore, #tpu.memory_space<semaphore_mem>>) src(%dma_wait3A_322 : memref<10000x128xf32, #tpu.memory_space<hbm>>) dst(%arg19 : memref<128x128xf32, #tpu.memory_space<vmem>>)
        "tpu.region"() ({
          %run_scoped3A = tpu.sem_alloc : memref<!tpu.dma_semaphore, #tpu.memory_space<semaphore_mem>>
          %dma_start3A_323 = arith.constant 0 : i32
          %dma_start3A_324 = arith.constant 0 : i32
          %dma_start3A_325 = tpu.memref_slice %arg10[%dma_start3A_323, %dma_start3A_324] : memref<10000x128xf32, #tpu.memory_space<vmem_shared>> -> memref<10000x128xf32, #tpu.memory_space<vmem_shared>>
          tpu.enqueue_indirect_dma source(%arg19 : memref<128x128xf32, #tpu.memory_space<vmem>>) target(%dma_start3A_325 : memref<10000x128xf32, #tpu.memory_space<vmem_shared>>) offsets(%arg15 : memref<128xi32, #tpu.memory_space<vmem>>) semaphore(%run_scoped3A : memref<!tpu.dma_semaphore, #tpu.memory_space<semaphore_mem>>) {add = true}
          %dma_wait3A_326 = arith.constant 0 : i32
          %dma_wait3A_327 = arith.constant 0 : i32
          %dma_wait3A_328 = tpu.memref_slice %arg10[%dma_wait3A_326, %dma_wait3A_327] : memref<10000x128xf32, #tpu.memory_space<vmem_shared>> -> memref<10000x128xf32, #tpu.memory_space<vmem_shared>>
          tpu.wait_indirect_dma semaphore(%run_scoped3A : memref<!tpu.dma_semaphore, #tpu.memory_space<semaphore_mem>>) src(%arg19 : memref<128x128xf32, #tpu.memory_space<vmem>>) dst(%dma_wait3A_328 : memref<10000x128xf32, #tpu.memory_space<vmem_shared>>)
          tpu.yield
        }) : () -> ()
      } else {
      }
      %barrier3A_307 = arith.constant 0 : index
      tpu.barrier barrier_id(%barrier3A_307)
      %lt3A_308 = arith.constant 10 : i32
      %lt3A_309 = arith.cmpi slt, %arg1, %lt3A_308 : i32
      %convert_element_type3A_310 = arith.extui %lt3A_309 : i1 to i32
      %cond3A_311 = arith.constant 0 : i32
      %cond3A_312 = arith.cmpi ne, %convert_element_type3A_310, %cond3A_311 : i32
      scf.if %cond3A_312 {
        "tpu.region"() ({
          %run_scoped3A = tpu.sem_alloc : memref<!tpu.dma_semaphore, #tpu.memory_space<semaphore_mem>>
          %dma_start3A_313 = arith.constant 0 : i32
          %dma_start3A_314 = tpu.memref_slice %arg9[%mul3A_7, %dma_start3A_313] : memref<10000x128xf32, #tpu.memory_space<hbm>> -> memref<1000x128xf32, #tpu.memory_space<hbm>>
          %dma_start3A_315 = arith.constant 0 : i32
          %dma_start3A_316 = tpu.memref_slice %arg10[%mul3A_7, %dma_start3A_315] : memref<10000x128xf32, #tpu.memory_space<vmem_shared>> -> memref<1000x128xf32, #tpu.memory_space<vmem_shared>>
          tpu.enqueue_dma source(%dma_start3A_316 : memref<1000x128xf32, #tpu.memory_space<vmem_shared>>) target(%dma_start3A_314 : memref<1000x128xf32, #tpu.memory_space<hbm>>) target_semaphore(%run_scoped3A : memref<!tpu.dma_semaphore, #tpu.memory_space<semaphore_mem>>)
          %dma_wait3A_317 = arith.constant 0 : i32
          %dma_wait3A_318 = tpu.memref_slice %arg9[%mul3A_7, %dma_wait3A_317] : memref<10000x128xf32, #tpu.memory_space<hbm>> -> memref<1000x128xf32, #tpu.memory_space<hbm>>
          %dma_wait3A_319 = arith.constant 0 : i32
          %dma_wait3A_320 = tpu.memref_slice %arg10[%mul3A_7, %dma_wait3A_319] : memref<10000x128xf32, #tpu.memory_space<vmem_shared>> -> memref<1000x128xf32, #tpu.memory_space<vmem_shared>>
          tpu.wait_dma2 semaphore(%run_scoped3A : memref<!tpu.dma_semaphore, #tpu.memory_space<semaphore_mem>>) src(%dma_wait3A_320 : memref<1000x128xf32, #tpu.memory_space<vmem_shared>>) dst(%dma_wait3A_318 : memref<1000x128xf32, #tpu.memory_space<hbm>>)
          tpu.yield
        }) : () -> ()
      } else {
      }
    } else {
    }
    %eq3A_2 = arith.constant 1 : i32
    %eq3A_3 = arith.cmpi eq, %arg0, %eq3A_2 : i32
    %convert_element_type3A_4 = arith.extui %eq3A_3 : i1 to i32
    %cond3A_5 = arith.constant 0 : i32
    %cond3A_6 = arith.cmpi ne, %convert_element_type3A_4, %cond3A_5 : i32
    scf.if %cond3A_6 {
      %mul3A = arith.constant 1000 : i32
      %mul3A_7 = arith.muli %arg1, %mul3A : i32
      %lt3A = arith.constant 10 : i32
      %lt3A_8 = arith.cmpi slt, %arg1, %lt3A : i32
      %convert_element_type3A_9 = arith.extui %lt3A_8 : i1 to i32
      %cond3A_10 = arith.constant 0 : i32
      %cond3A_11 = arith.cmpi ne, %convert_element_type3A_9, %cond3A_10 : i32
      scf.if %cond3A_11 {
        "tpu.region"() ({
          %run_scoped3A = tpu.sem_alloc : memref<!tpu.dma_semaphore, #tpu.memory_space<semaphore_mem>>
          %dma_start3A_313 = arith.constant 0 : i32
          %dma_start3A_314 = tpu.memref_slice %arg10[%mul3A_7, %dma_start3A_313] : memref<10000x128xf32, #tpu.memory_space<vmem_shared>> -> memref<1000x128xf32, #tpu.memory_space<vmem_shared>>
          %dma_start3A_315 = arith.constant 0 : i32
          %dma_start3A_316 = tpu.memref_slice %arg4[%mul3A_7, %dma_start3A_315] : memref<10000x128xf32, #tpu.memory_space<hbm>> -> memref<1000x128xf32, #tpu.memory_space<hbm>>
          tpu.enqueue_dma source(%dma_start3A_316 : memref<1000x128xf32, #tpu.memory_space<hbm>>) target(%dma_start3A_314 : memref<1000x128xf32, #tpu.memory_space<vmem_shared>>) target_semaphore(%run_scoped3A : memref<!tpu.dma_semaphore, #tpu.memory_space<semaphore_mem>>)
          %dma_wait3A_317 = arith.constant 0 : i32
          %dma_wait3A_318 = tpu.memref_slice %arg10[%mul3A_7, %dma_wait3A_317] : memref<10000x128xf32, #tpu.memory_space<vmem_shared>> -> memref<1000x128xf32, #tpu.memory_space<vmem_shared>>
          %dma_wait3A_319 = arith.constant 0 : i32
          %dma_wait3A_320 = tpu.memref_slice %arg4[%mul3A_7, %dma_wait3A_319] : memref<10000x128xf32, #tpu.memory_space<hbm>> -> memref<1000x128xf32, #tpu.memory_space<hbm>>
          tpu.wait_dma2 semaphore(%run_scoped3A : memref<!tpu.dma_semaphore, #tpu.memory_space<semaphore_mem>>) src(%dma_wait3A_320 : memref<1000x128xf32, #tpu.memory_space<hbm>>) dst(%dma_wait3A_318 : memref<1000x128xf32, #tpu.memory_space<vmem_shared>>)
          tpu.yield
        }) : () -> ()
      } else {
      }
      %barrier3A = arith.constant 0 : index
      tpu.barrier barrier_id(%barrier3A)
      %add3A = arith.constant 0 : i32
      %add3A_12 = arith.addi %arg1, %add3A : i32
      %mul3A_13 = arith.constant 128 : i32
      %mul3A_14 = arith.muli %add3A_12, %mul3A_13 : i32
      %dma_start3A = tpu.memref_slice %arg7[%mul3A_14] : memref<320000xi32, #tpu.memory_space<hbm>> -> memref<128xi32, #tpu.memory_space<hbm>>
      %dma_start3A_15 = tpu.memref_slice %arg7[%mul3A_14] : memref<320000xi32, #tpu.memory_space<hbm>> -> memref<128xi32, #tpu.memory_space<hbm>>
      tpu.enqueue_dma source(%dma_start3A_15 : memref<128xi32, #tpu.memory_space<hbm>>) target(%arg11 : memref<128xi32, #tpu.memory_space<vmem>>) target_semaphore(%arg25 : memref<!tpu.dma_semaphore, #tpu.memory_space<semaphore_mem>>)
      %add3A_16 = arith.constant 0 : i32
      %add3A_17 = arith.addi %arg1, %add3A_16 : i32
      %mul3A_18 = arith.constant 128 : i32
      %mul3A_19 = arith.muli %add3A_17, %mul3A_18 : i32
      %dma_start3A_20 = tpu.memref_slice %arg6[%mul3A_19] : memref<320000xi32, #tpu.memory_space<hbm>> -> memref<128xi32, #tpu.memory_space<hbm>>
      %dma_start3A_21 = tpu.memref_slice %arg6[%mul3A_19] : memref<320000xi32, #tpu.memory_space<hbm>> -> memref<128xi32, #tpu.memory_space<hbm>>
      tpu.enqueue_dma source(%dma_start3A_21 : memref<128xi32, #tpu.memory_space<hbm>>) target(%arg15 : memref<128xi32, #tpu.memory_space<vmem>>) target_semaphore(%arg25 : memref<!tpu.dma_semaphore, #tpu.memory_space<semaphore_mem>>)
      %add3A_22 = arith.constant 16 : i32
      %add3A_23 = arith.addi %arg1, %add3A_22 : i32
      %mul3A_24 = arith.constant 128 : i32
      %mul3A_25 = arith.muli %add3A_23, %mul3A_24 : i32
      %dma_start3A_26 = tpu.memref_slice %arg7[%mul3A_25] : memref<320000xi32, #tpu.memory_space<hbm>> -> memref<128xi32, #tpu.memory_space<hbm>>
      %dma_start3A_27 = tpu.memref_slice %arg7[%mul3A_25] : memref<320000xi32, #tpu.memory_space<hbm>> -> memref<128xi32, #tpu.memory_space<hbm>>
      tpu.enqueue_dma source(%dma_start3A_27 : memref<128xi32, #tpu.memory_space<hbm>>) target(%arg12 : memref<128xi32, #tpu.memory_space<vmem>>) target_semaphore(%arg26 : memref<!tpu.dma_semaphore, #tpu.memory_space<semaphore_mem>>)
      %add3A_28 = arith.constant 16 : i32
      %add3A_29 = arith.addi %arg1, %add3A_28 : i32
      %mul3A_30 = arith.constant 128 : i32
      %mul3A_31 = arith.muli %add3A_29, %mul3A_30 : i32
      %dma_start3A_32 = tpu.memref_slice %arg6[%mul3A_31] : memref<320000xi32, #tpu.memory_space<hbm>> -> memref<128xi32, #tpu.memory_space<hbm>>
      %dma_start3A_33 = tpu.memref_slice %arg6[%mul3A_31] : memref<320000xi32, #tpu.memory_space<hbm>> -> memref<128xi32, #tpu.memory_space<hbm>>
      tpu.enqueue_dma source(%dma_start3A_33 : memref<128xi32, #tpu.memory_space<hbm>>) target(%arg16 : memref<128xi32, #tpu.memory_space<vmem>>) target_semaphore(%arg26 : memref<!tpu.dma_semaphore, #tpu.memory_space<semaphore_mem>>)
      %add3A_34 = arith.constant 0 : i32
      %add3A_35 = arith.addi %arg1, %add3A_34 : i32
      %mul3A_36 = arith.constant 128 : i32
      %mul3A_37 = arith.muli %add3A_35, %mul3A_36 : i32
      %dma_wait3A = tpu.memref_slice %arg7[%mul3A_37] : memref<320000xi32, #tpu.memory_space<hbm>> -> memref<128xi32, #tpu.memory_space<hbm>>
      %dma_wait3A_38 = tpu.memref_slice %arg7[%mul3A_37] : memref<320000xi32, #tpu.memory_space<hbm>> -> memref<128xi32, #tpu.memory_space<hbm>>
      tpu.wait_dma2 semaphore(%arg25 : memref<!tpu.dma_semaphore, #tpu.memory_space<semaphore_mem>>) src(%dma_wait3A_38 : memref<128xi32, #tpu.memory_space<hbm>>) dst(%arg11 : memref<128xi32, #tpu.memory_space<vmem>>)
      %add3A_39 = arith.constant 0 : i32
      %add3A_40 = arith.addi %arg1, %add3A_39 : i32
      %mul3A_41 = arith.constant 128 : i32
      %mul3A_42 = arith.muli %add3A_40, %mul3A_41 : i32
      %dma_wait3A_43 = tpu.memref_slice %arg6[%mul3A_42] : memref<320000xi32, #tpu.memory_space<hbm>> -> memref<128xi32, #tpu.memory_space<hbm>>
      %dma_wait3A_44 = tpu.memref_slice %arg6[%mul3A_42] : memref<320000xi32, #tpu.memory_space<hbm>> -> memref<128xi32, #tpu.memory_space<hbm>>
      tpu.wait_dma2 semaphore(%arg25 : memref<!tpu.dma_semaphore, #tpu.memory_space<semaphore_mem>>) src(%dma_wait3A_44 : memref<128xi32, #tpu.memory_space<hbm>>) dst(%arg15 : memref<128xi32, #tpu.memory_space<vmem>>)
      %dma_start3A_45 = arith.constant 0 : i32
      %dma_start3A_46 = arith.constant 0 : i32
      %dma_start3A_47 = tpu.memref_slice %arg3[%dma_start3A_45, %dma_start3A_46] : memref<10000x128xf32, #tpu.memory_space<hbm>> -> memref<10000x128xf32, #tpu.memory_space<hbm>>
      tpu.enqueue_indirect_dma source(%dma_start3A_47 : memref<10000x128xf32, #tpu.memory_space<hbm>>) target(%arg19 : memref<128x128xf32, #tpu.memory_space<vmem>>) offsets(%arg11 : memref<128xi32, #tpu.memory_space<vmem>>) semaphore(%arg21 : memref<!tpu.dma_semaphore, #tpu.memory_space<semaphore_mem>>)
      %add3A_48 = arith.constant 32 : i32
      %add3A_49 = arith.addi %arg1, %add3A_48 : i32
      %mul3A_50 = arith.constant 128 : i32
      %mul3A_51 = arith.muli %add3A_49, %mul3A_50 : i32
      %dma_start3A_52 = tpu.memref_slice %arg7[%mul3A_51] : memref<320000xi32, #tpu.memory_space<hbm>> -> memref<128xi32, #tpu.memory_space<hbm>>
      %dma_start3A_53 = tpu.memref_slice %arg7[%mul3A_51] : memref<320000xi32, #tpu.memory_space<hbm>> -> memref<128xi32, #tpu.memory_space<hbm>>
      tpu.enqueue_dma source(%dma_start3A_53 : memref<128xi32, #tpu.memory_space<hbm>>) target(%arg13 : memref<128xi32, #tpu.memory_space<vmem>>) target_semaphore(%arg27 : memref<!tpu.dma_semaphore, #tpu.memory_space<semaphore_mem>>)
      %add3A_54 = arith.constant 32 : i32
      %add3A_55 = arith.addi %arg1, %add3A_54 : i32
      %mul3A_56 = arith.constant 128 : i32
      %mul3A_57 = arith.muli %add3A_55, %mul3A_56 : i32
      %dma_start3A_58 = tpu.memref_slice %arg6[%mul3A_57] : memref<320000xi32, #tpu.memory_space<hbm>> -> memref<128xi32, #tpu.memory_space<hbm>>
      %dma_start3A_59 = tpu.memref_slice %arg6[%mul3A_57] : memref<320000xi32, #tpu.memory_space<hbm>> -> memref<128xi32, #tpu.memory_space<hbm>>
      tpu.enqueue_dma source(%dma_start3A_59 : memref<128xi32, #tpu.memory_space<hbm>>) target(%arg17 : memref<128xi32, #tpu.memory_space<vmem>>) target_semaphore(%arg27 : memref<!tpu.dma_semaphore, #tpu.memory_space<semaphore_mem>>)
      %add3A_60 = arith.constant 16 : i32
      %add3A_61 = arith.addi %arg1, %add3A_60 : i32
      %mul3A_62 = arith.constant 128 : i32
      %mul3A_63 = arith.muli %add3A_61, %mul3A_62 : i32
      %dma_wait3A_64 = tpu.memref_slice %arg7[%mul3A_63] : memref<320000xi32, #tpu.memory_space<hbm>> -> memref<128xi32, #tpu.memory_space<hbm>>
      %dma_wait3A_65 = tpu.memref_slice %arg7[%mul3A_63] : memref<320000xi32, #tpu.memory_space<hbm>> -> memref<128xi32, #tpu.memory_space<hbm>>
      tpu.wait_dma2 semaphore(%arg26 : memref<!tpu.dma_semaphore, #tpu.memory_space<semaphore_mem>>) src(%dma_wait3A_65 : memref<128xi32, #tpu.memory_space<hbm>>) dst(%arg12 : memref<128xi32, #tpu.memory_space<vmem>>)
      %add3A_66 = arith.constant 16 : i32
      %add3A_67 = arith.addi %arg1, %add3A_66 : i32
      %mul3A_68 = arith.constant 128 : i32
      %mul3A_69 = arith.muli %add3A_67, %mul3A_68 : i32
      %dma_wait3A_70 = tpu.memref_slice %arg6[%mul3A_69] : memref<320000xi32, #tpu.memory_space<hbm>> -> memref<128xi32, #tpu.memory_space<hbm>>
      %dma_wait3A_71 = tpu.memref_slice %arg6[%mul3A_69] : memref<320000xi32, #tpu.memory_space<hbm>> -> memref<128xi32, #tpu.memory_space<hbm>>
      tpu.wait_dma2 semaphore(%arg26 : memref<!tpu.dma_semaphore, #tpu.memory_space<semaphore_mem>>) src(%dma_wait3A_71 : memref<128xi32, #tpu.memory_space<hbm>>) dst(%arg16 : memref<128xi32, #tpu.memory_space<vmem>>)
      %dma_start3A_72 = arith.constant 0 : i32
      %dma_start3A_73 = arith.constant 0 : i32
      %dma_start3A_74 = tpu.memref_slice %arg3[%dma_start3A_72, %dma_start3A_73] : memref<10000x128xf32, #tpu.memory_space<hbm>> -> memref<10000x128xf32, #tpu.memory_space<hbm>>
      tpu.enqueue_indirect_dma source(%dma_start3A_74 : memref<10000x128xf32, #tpu.memory_space<hbm>>) target(%arg20 : memref<128x128xf32, #tpu.memory_space<vmem>>) offsets(%arg12 : memref<128xi32, #tpu.memory_space<vmem>>) semaphore(%arg22 : memref<!tpu.dma_semaphore, #tpu.memory_space<semaphore_mem>>)
      %dma_wait3A_75 = arith.constant 0 : i32
      %dma_wait3A_76 = arith.constant 0 : i32
      %dma_wait3A_77 = tpu.memref_slice %arg3[%dma_wait3A_75, %dma_wait3A_76] : memref<10000x128xf32, #tpu.memory_space<hbm>> -> memref<10000x128xf32, #tpu.memory_space<hbm>>
      tpu.wait_indirect_dma semaphore(%arg21 : memref<!tpu.dma_semaphore, #tpu.memory_space<semaphore_mem>>) src(%dma_wait3A_77 : memref<10000x128xf32, #tpu.memory_space<hbm>>) dst(%arg19 : memref<128x128xf32, #tpu.memory_space<vmem>>)
      %dma_start3A_78 = arith.constant 0 : i32
      %dma_start3A_79 = arith.constant 0 : i32
      %dma_start3A_80 = tpu.memref_slice %arg10[%dma_start3A_78, %dma_start3A_79] : memref<10000x128xf32, #tpu.memory_space<vmem_shared>> -> memref<10000x128xf32, #tpu.memory_space<vmem_shared>>
      tpu.enqueue_indirect_dma source(%arg19 : memref<128x128xf32, #tpu.memory_space<vmem>>) target(%dma_start3A_80 : memref<10000x128xf32, #tpu.memory_space<vmem_shared>>) offsets(%arg15 : memref<128xi32, #tpu.memory_space<vmem>>) semaphore(%arg23 : memref<!tpu.dma_semaphore, #tpu.memory_space<semaphore_mem>>) {add = true}
      %dma_wait3A_81 = arith.constant 0 : i32
      %dma_wait3A_82 = arith.constant 0 : i32
      %dma_wait3A_83 = tpu.memref_slice %arg10[%dma_wait3A_81, %dma_wait3A_82] : memref<10000x128xf32, #tpu.memory_space<vmem_shared>> -> memref<10000x128xf32, #tpu.memory_space<vmem_shared>>
      tpu.wait_indirect_dma semaphore(%arg23 : memref<!tpu.dma_semaphore, #tpu.memory_space<semaphore_mem>>) src(%arg19 : memref<128x128xf32, #tpu.memory_space<vmem>>) dst(%dma_wait3A_83 : memref<10000x128xf32, #tpu.memory_space<vmem_shared>>)
      %add3A_84 = arith.constant 48 : i32
      %add3A_85 = arith.addi %arg1, %add3A_84 : i32
      %mul3A_86 = arith.constant 128 : i32
      %mul3A_87 = arith.muli %add3A_85, %mul3A_86 : i32
      %dma_start3A_88 = tpu.memref_slice %arg7[%mul3A_87] : memref<320000xi32, #tpu.memory_space<hbm>> -> memref<128xi32, #tpu.memory_space<hbm>>
      %dma_start3A_89 = tpu.memref_slice %arg7[%mul3A_87] : memref<320000xi32, #tpu.memory_space<hbm>> -> memref<128xi32, #tpu.memory_space<hbm>>
      tpu.enqueue_dma source(%dma_start3A_89 : memref<128xi32, #tpu.memory_space<hbm>>) target(%arg14 : memref<128xi32, #tpu.memory_space<vmem>>) target_semaphore(%arg28 : memref<!tpu.dma_semaphore, #tpu.memory_space<semaphore_mem>>)
      %add3A_90 = arith.constant 48 : i32
      %add3A_91 = arith.addi %arg1, %add3A_90 : i32
      %mul3A_92 = arith.constant 128 : i32
      %mul3A_93 = arith.muli %add3A_91, %mul3A_92 : i32
      %dma_start3A_94 = tpu.memref_slice %arg6[%mul3A_93] : memref<320000xi32, #tpu.memory_space<hbm>> -> memref<128xi32, #tpu.memory_space<hbm>>
      %dma_start3A_95 = tpu.memref_slice %arg6[%mul3A_93] : memref<320000xi32, #tpu.memory_space<hbm>> -> memref<128xi32, #tpu.memory_space<hbm>>
      tpu.enqueue_dma source(%dma_start3A_95 : memref<128xi32, #tpu.memory_space<hbm>>) target(%arg18 : memref<128xi32, #tpu.memory_space<vmem>>) target_semaphore(%arg28 : memref<!tpu.dma_semaphore, #tpu.memory_space<semaphore_mem>>)
      %add3A_96 = arith.constant 32 : i32
      %add3A_97 = arith.addi %arg1, %add3A_96 : i32
      %mul3A_98 = arith.constant 128 : i32
      %mul3A_99 = arith.muli %add3A_97, %mul3A_98 : i32
      %dma_wait3A_100 = tpu.memref_slice %arg7[%mul3A_99] : memref<320000xi32, #tpu.memory_space<hbm>> -> memref<128xi32, #tpu.memory_space<hbm>>
      %dma_wait3A_101 = tpu.memref_slice %arg7[%mul3A_99] : memref<320000xi32, #tpu.memory_space<hbm>> -> memref<128xi32, #tpu.memory_space<hbm>>
      tpu.wait_dma2 semaphore(%arg27 : memref<!tpu.dma_semaphore, #tpu.memory_space<semaphore_mem>>) src(%dma_wait3A_101 : memref<128xi32, #tpu.memory_space<hbm>>) dst(%arg13 : memref<128xi32, #tpu.memory_space<vmem>>)
      %add3A_102 = arith.constant 32 : i32
      %add3A_103 = arith.addi %arg1, %add3A_102 : i32
      %mul3A_104 = arith.constant 128 : i32
      %mul3A_105 = arith.muli %add3A_103, %mul3A_104 : i32
      %dma_wait3A_106 = tpu.memref_slice %arg6[%mul3A_105] : memref<320000xi32, #tpu.memory_space<hbm>> -> memref<128xi32, #tpu.memory_space<hbm>>
      %dma_wait3A_107 = tpu.memref_slice %arg6[%mul3A_105] : memref<320000xi32, #tpu.memory_space<hbm>> -> memref<128xi32, #tpu.memory_space<hbm>>
      tpu.wait_dma2 semaphore(%arg27 : memref<!tpu.dma_semaphore, #tpu.memory_space<semaphore_mem>>) src(%dma_wait3A_107 : memref<128xi32, #tpu.memory_space<hbm>>) dst(%arg17 : memref<128xi32, #tpu.memory_space<vmem>>)
      %dma_start3A_108 = arith.constant 0 : i32
      %dma_start3A_109 = arith.constant 0 : i32
      %dma_start3A_110 = tpu.memref_slice %arg3[%dma_start3A_108, %dma_start3A_109] : memref<10000x128xf32, #tpu.memory_space<hbm>> -> memref<10000x128xf32, #tpu.memory_space<hbm>>
      tpu.enqueue_indirect_dma source(%dma_start3A_110 : memref<10000x128xf32, #tpu.memory_space<hbm>>) target(%arg19 : memref<128x128xf32, #tpu.memory_space<vmem>>) offsets(%arg13 : memref<128xi32, #tpu.memory_space<vmem>>) semaphore(%arg21 : memref<!tpu.dma_semaphore, #tpu.memory_space<semaphore_mem>>)
      %dma_wait3A_111 = arith.constant 0 : i32
      %dma_wait3A_112 = arith.constant 0 : i32
      %dma_wait3A_113 = tpu.memref_slice %arg3[%dma_wait3A_111, %dma_wait3A_112] : memref<10000x128xf32, #tpu.memory_space<hbm>> -> memref<10000x128xf32, #tpu.memory_space<hbm>>
      tpu.wait_indirect_dma semaphore(%arg22 : memref<!tpu.dma_semaphore, #tpu.memory_space<semaphore_mem>>) src(%dma_wait3A_113 : memref<10000x128xf32, #tpu.memory_space<hbm>>) dst(%arg20 : memref<128x128xf32, #tpu.memory_space<vmem>>)
      %dma_start3A_114 = arith.constant 0 : i32
      %dma_start3A_115 = arith.constant 0 : i32
      %dma_start3A_116 = tpu.memref_slice %arg10[%dma_start3A_114, %dma_start3A_115] : memref<10000x128xf32, #tpu.memory_space<vmem_shared>> -> memref<10000x128xf32, #tpu.memory_space<vmem_shared>>
      tpu.enqueue_indirect_dma source(%arg20 : memref<128x128xf32, #tpu.memory_space<vmem>>) target(%dma_start3A_116 : memref<10000x128xf32, #tpu.memory_space<vmem_shared>>) offsets(%arg16 : memref<128xi32, #tpu.memory_space<vmem>>) semaphore(%arg24 : memref<!tpu.dma_semaphore, #tpu.memory_space<semaphore_mem>>) {add = true}
      %dma_wait3A_117 = arith.constant 0 : i32
      %dma_wait3A_118 = arith.constant 0 : i32
      %dma_wait3A_119 = tpu.memref_slice %arg10[%dma_wait3A_117, %dma_wait3A_118] : memref<10000x128xf32, #tpu.memory_space<vmem_shared>> -> memref<10000x128xf32, #tpu.memory_space<vmem_shared>>
      tpu.wait_indirect_dma semaphore(%arg24 : memref<!tpu.dma_semaphore, #tpu.memory_space<semaphore_mem>>) src(%arg20 : memref<128x128xf32, #tpu.memory_space<vmem>>) dst(%dma_wait3A_119 : memref<10000x128xf32, #tpu.memory_space<vmem_shared>>)
      %add3A_120 = arith.constant 64 : i32
      %add3A_121 = arith.addi %arg1, %add3A_120 : i32
      %mul3A_122 = arith.constant 128 : i32
      %mul3A_123 = arith.muli %add3A_121, %mul3A_122 : i32
      %dma_start3A_124 = tpu.memref_slice %arg7[%mul3A_123] : memref<320000xi32, #tpu.memory_space<hbm>> -> memref<128xi32, #tpu.memory_space<hbm>>
      %dma_start3A_125 = tpu.memref_slice %arg7[%mul3A_123] : memref<320000xi32, #tpu.memory_space<hbm>> -> memref<128xi32, #tpu.memory_space<hbm>>
      tpu.enqueue_dma source(%dma_start3A_125 : memref<128xi32, #tpu.memory_space<hbm>>) target(%arg11 : memref<128xi32, #tpu.memory_space<vmem>>) target_semaphore(%arg25 : memref<!tpu.dma_semaphore, #tpu.memory_space<semaphore_mem>>)
      %add3A_126 = arith.constant 64 : i32
      %add3A_127 = arith.addi %arg1, %add3A_126 : i32
      %mul3A_128 = arith.constant 128 : i32
      %mul3A_129 = arith.muli %add3A_127, %mul3A_128 : i32
      %dma_start3A_130 = tpu.memref_slice %arg6[%mul3A_129] : memref<320000xi32, #tpu.memory_space<hbm>> -> memref<128xi32, #tpu.memory_space<hbm>>
      %dma_start3A_131 = tpu.memref_slice %arg6[%mul3A_129] : memref<320000xi32, #tpu.memory_space<hbm>> -> memref<128xi32, #tpu.memory_space<hbm>>
      tpu.enqueue_dma source(%dma_start3A_131 : memref<128xi32, #tpu.memory_space<hbm>>) target(%arg15 : memref<128xi32, #tpu.memory_space<vmem>>) target_semaphore(%arg25 : memref<!tpu.dma_semaphore, #tpu.memory_space<semaphore_mem>>)
      %add3A_132 = arith.constant 48 : i32
      %add3A_133 = arith.addi %arg1, %add3A_132 : i32
      %mul3A_134 = arith.constant 128 : i32
      %mul3A_135 = arith.muli %add3A_133, %mul3A_134 : i32
      %dma_wait3A_136 = tpu.memref_slice %arg7[%mul3A_135] : memref<320000xi32, #tpu.memory_space<hbm>> -> memref<128xi32, #tpu.memory_space<hbm>>
      %dma_wait3A_137 = tpu.memref_slice %arg7[%mul3A_135] : memref<320000xi32, #tpu.memory_space<hbm>> -> memref<128xi32, #tpu.memory_space<hbm>>
      tpu.wait_dma2 semaphore(%arg28 : memref<!tpu.dma_semaphore, #tpu.memory_space<semaphore_mem>>) src(%dma_wait3A_137 : memref<128xi32, #tpu.memory_space<hbm>>) dst(%arg14 : memref<128xi32, #tpu.memory_space<vmem>>)
      %add3A_138 = arith.constant 48 : i32
      %add3A_139 = arith.addi %arg1, %add3A_138 : i32
      %mul3A_140 = arith.constant 128 : i32
      %mul3A_141 = arith.muli %add3A_139, %mul3A_140 : i32
      %dma_wait3A_142 = tpu.memref_slice %arg6[%mul3A_141] : memref<320000xi32, #tpu.memory_space<hbm>> -> memref<128xi32, #tpu.memory_space<hbm>>
      %dma_wait3A_143 = tpu.memref_slice %arg6[%mul3A_141] : memref<320000xi32, #tpu.memory_space<hbm>> -> memref<128xi32, #tpu.memory_space<hbm>>
      tpu.wait_dma2 semaphore(%arg28 : memref<!tpu.dma_semaphore, #tpu.memory_space<semaphore_mem>>) src(%dma_wait3A_143 : memref<128xi32, #tpu.memory_space<hbm>>) dst(%arg18 : memref<128xi32, #tpu.memory_space<vmem>>)
      %dma_start3A_144 = arith.constant 0 : i32
      %dma_start3A_145 = arith.constant 0 : i32
      %dma_start3A_146 = tpu.memref_slice %arg3[%dma_start3A_144, %dma_start3A_145] : memref<10000x128xf32, #tpu.memory_space<hbm>> -> memref<10000x128xf32, #tpu.memory_space<hbm>>
      tpu.enqueue_indirect_dma source(%dma_start3A_146 : memref<10000x128xf32, #tpu.memory_space<hbm>>) target(%arg20 : memref<128x128xf32, #tpu.memory_space<vmem>>) offsets(%arg14 : memref<128xi32, #tpu.memory_space<vmem>>) semaphore(%arg22 : memref<!tpu.dma_semaphore, #tpu.memory_space<semaphore_mem>>)
      %dma_wait3A_147 = arith.constant 0 : i32
      %dma_wait3A_148 = arith.constant 0 : i32
      %dma_wait3A_149 = tpu.memref_slice %arg3[%dma_wait3A_147, %dma_wait3A_148] : memref<10000x128xf32, #tpu.memory_space<hbm>> -> memref<10000x128xf32, #tpu.memory_space<hbm>>
      tpu.wait_indirect_dma semaphore(%arg21 : memref<!tpu.dma_semaphore, #tpu.memory_space<semaphore_mem>>) src(%dma_wait3A_149 : memref<10000x128xf32, #tpu.memory_space<hbm>>) dst(%arg19 : memref<128x128xf32, #tpu.memory_space<vmem>>)
      %dma_start3A_150 = arith.constant 0 : i32
      %dma_start3A_151 = arith.constant 0 : i32
      %dma_start3A_152 = tpu.memref_slice %arg10[%dma_start3A_150, %dma_start3A_151] : memref<10000x128xf32, #tpu.memory_space<vmem_shared>> -> memref<10000x128xf32, #tpu.memory_space<vmem_shared>>
      tpu.enqueue_indirect_dma source(%arg19 : memref<128x128xf32, #tpu.memory_space<vmem>>) target(%dma_start3A_152 : memref<10000x128xf32, #tpu.memory_space<vmem_shared>>) offsets(%arg17 : memref<128xi32, #tpu.memory_space<vmem>>) semaphore(%arg23 : memref<!tpu.dma_semaphore, #tpu.memory_space<semaphore_mem>>) {add = true}
      %dma_wait3A_153 = arith.constant 0 : i32
      %dma_wait3A_154 = arith.constant 0 : i32
      %dma_wait3A_155 = tpu.memref_slice %arg10[%dma_wait3A_153, %dma_wait3A_154] : memref<10000x128xf32, #tpu.memory_space<vmem_shared>> -> memref<10000x128xf32, #tpu.memory_space<vmem_shared>>
      tpu.wait_indirect_dma semaphore(%arg23 : memref<!tpu.dma_semaphore, #tpu.memory_space<semaphore_mem>>) src(%arg19 : memref<128x128xf32, #tpu.memory_space<vmem>>) dst(%dma_wait3A_155 : memref<10000x128xf32, #tpu.memory_space<vmem_shared>>)
      %add3A_156 = arith.constant 80 : i32
      %add3A_157 = arith.addi %arg1, %add3A_156 : i32
      %mul3A_158 = arith.constant 128 : i32
      %mul3A_159 = arith.muli %add3A_157, %mul3A_158 : i32
      %dma_start3A_160 = tpu.memref_slice %arg7[%mul3A_159] : memref<320000xi32, #tpu.memory_space<hbm>> -> memref<128xi32, #tpu.memory_space<hbm>>
      %dma_start3A_161 = tpu.memref_slice %arg7[%mul3A_159] : memref<320000xi32, #tpu.memory_space<hbm>> -> memref<128xi32, #tpu.memory_space<hbm>>
      tpu.enqueue_dma source(%dma_start3A_161 : memref<128xi32, #tpu.memory_space<hbm>>) target(%arg12 : memref<128xi32, #tpu.memory_space<vmem>>) target_semaphore(%arg26 : memref<!tpu.dma_semaphore, #tpu.memory_space<semaphore_mem>>)
      %add3A_162 = arith.constant 80 : i32
      %add3A_163 = arith.addi %arg1, %add3A_162 : i32
      %mul3A_164 = arith.constant 128 : i32
      %mul3A_165 = arith.muli %add3A_163, %mul3A_164 : i32
      %dma_start3A_166 = tpu.memref_slice %arg6[%mul3A_165] : memref<320000xi32, #tpu.memory_space<hbm>> -> memref<128xi32, #tpu.memory_space<hbm>>
      %dma_start3A_167 = tpu.memref_slice %arg6[%mul3A_165] : memref<320000xi32, #tpu.memory_space<hbm>> -> memref<128xi32, #tpu.memory_space<hbm>>
      tpu.enqueue_dma source(%dma_start3A_167 : memref<128xi32, #tpu.memory_space<hbm>>) target(%arg16 : memref<128xi32, #tpu.memory_space<vmem>>) target_semaphore(%arg26 : memref<!tpu.dma_semaphore, #tpu.memory_space<semaphore_mem>>)
      %add3A_168 = arith.constant 64 : i32
      %add3A_169 = arith.addi %arg1, %add3A_168 : i32
      %mul3A_170 = arith.constant 128 : i32
      %mul3A_171 = arith.muli %add3A_169, %mul3A_170 : i32
      %dma_wait3A_172 = tpu.memref_slice %arg7[%mul3A_171] : memref<320000xi32, #tpu.memory_space<hbm>> -> memref<128xi32, #tpu.memory_space<hbm>>
      %dma_wait3A_173 = tpu.memref_slice %arg7[%mul3A_171] : memref<320000xi32, #tpu.memory_space<hbm>> -> memref<128xi32, #tpu.memory_space<hbm>>
      tpu.wait_dma2 semaphore(%arg25 : memref<!tpu.dma_semaphore, #tpu.memory_space<semaphore_mem>>) src(%dma_wait3A_173 : memref<128xi32, #tpu.memory_space<hbm>>) dst(%arg11 : memref<128xi32, #tpu.memory_space<vmem>>)
      %add3A_174 = arith.constant 64 : i32
      %add3A_175 = arith.addi %arg1, %add3A_174 : i32
      %mul3A_176 = arith.constant 128 : i32
      %mul3A_177 = arith.muli %add3A_175, %mul3A_176 : i32
      %dma_wait3A_178 = tpu.memref_slice %arg6[%mul3A_177] : memref<320000xi32, #tpu.memory_space<hbm>> -> memref<128xi32, #tpu.memory_space<hbm>>
      %dma_wait3A_179 = tpu.memref_slice %arg6[%mul3A_177] : memref<320000xi32, #tpu.memory_space<hbm>> -> memref<128xi32, #tpu.memory_space<hbm>>
      tpu.wait_dma2 semaphore(%arg25 : memref<!tpu.dma_semaphore, #tpu.memory_space<semaphore_mem>>) src(%dma_wait3A_179 : memref<128xi32, #tpu.memory_space<hbm>>) dst(%arg15 : memref<128xi32, #tpu.memory_space<vmem>>)
      %dma_start3A_180 = arith.constant 0 : i32
      %dma_start3A_181 = arith.constant 0 : i32
      %dma_start3A_182 = tpu.memref_slice %arg3[%dma_start3A_180, %dma_start3A_181] : memref<10000x128xf32, #tpu.memory_space<hbm>> -> memref<10000x128xf32, #tpu.memory_space<hbm>>
      tpu.enqueue_indirect_dma source(%dma_start3A_182 : memref<10000x128xf32, #tpu.memory_space<hbm>>) target(%arg19 : memref<128x128xf32, #tpu.memory_space<vmem>>) offsets(%arg11 : memref<128xi32, #tpu.memory_space<vmem>>) semaphore(%arg21 : memref<!tpu.dma_semaphore, #tpu.memory_space<semaphore_mem>>)
      %dma_wait3A_183 = arith.constant 0 : i32
      %dma_wait3A_184 = arith.constant 0 : i32
      %dma_wait3A_185 = tpu.memref_slice %arg3[%dma_wait3A_183, %dma_wait3A_184] : memref<10000x128xf32, #tpu.memory_space<hbm>> -> memref<10000x128xf32, #tpu.memory_space<hbm>>
      tpu.wait_indirect_dma semaphore(%arg22 : memref<!tpu.dma_semaphore, #tpu.memory_space<semaphore_mem>>) src(%dma_wait3A_185 : memref<10000x128xf32, #tpu.memory_space<hbm>>) dst(%arg20 : memref<128x128xf32, #tpu.memory_space<vmem>>)
      %dma_start3A_186 = arith.constant 0 : i32
      %dma_start3A_187 = arith.constant 0 : i32
      %dma_start3A_188 = tpu.memref_slice %arg10[%dma_start3A_186, %dma_start3A_187] : memref<10000x128xf32, #tpu.memory_space<vmem_shared>> -> memref<10000x128xf32, #tpu.memory_space<vmem_shared>>
      tpu.enqueue_indirect_dma source(%arg20 : memref<128x128xf32, #tpu.memory_space<vmem>>) target(%dma_start3A_188 : memref<10000x128xf32, #tpu.memory_space<vmem_shared>>) offsets(%arg18 : memref<128xi32, #tpu.memory_space<vmem>>) semaphore(%arg24 : memref<!tpu.dma_semaphore, #tpu.memory_space<semaphore_mem>>) {add = true}
      %scan3A = arith.constant 0 : i32
      %scan3A_189 = arith.constant 0 : i32
      %scan3A_190 = arith.constant 37 : i32
      %scan3A_191 = arith.addi %scan3A_189, %scan3A_190 : i32
      %scan3A_192 = arith.constant 1 : i32
      scf.for %scan3A_313 = %scan3A_189 to %scan3A_191 step %scan3A_192  : i32 {
        %mul3A_314 = arith.constant 4 : i32
        %mul3A_315 = arith.muli %mul3A_314, %scan3A_313 : i32
        %add3A_316 = arith.constant 4 : i32
        %add3A_317 = arith.addi %add3A_316, %mul3A_315 : i32
        %add3A_318 = arith.constant 0 : i32
        %add3A_319 = arith.addi %add3A_317, %add3A_318 : i32
        %dma_wait3A_320 = arith.constant 0 : i32
        %dma_wait3A_321 = arith.constant 0 : i32
        %dma_wait3A_322 = tpu.memref_slice %arg10[%dma_wait3A_320, %dma_wait3A_321] : memref<10000x128xf32, #tpu.memory_space<vmem_shared>> -> memref<10000x128xf32, #tpu.memory_space<vmem_shared>>
        tpu.wait_indirect_dma semaphore(%arg24 : memref<!tpu.dma_semaphore, #tpu.memory_space<semaphore_mem>>) src(%arg20 : memref<128x128xf32, #tpu.memory_space<vmem>>) dst(%dma_wait3A_322 : memref<10000x128xf32, #tpu.memory_space<vmem_shared>>)
        %add3A_323 = arith.constant 2 : i32
        %add3A_324 = arith.addi %add3A_319, %add3A_323 : i32
        %mul3A_325 = arith.constant 16 : i32
        %mul3A_326 = arith.muli %add3A_324, %mul3A_325 : i32
        %add3A_327 = arith.addi %arg1, %mul3A_326 : i32
        %mul3A_328 = arith.constant 128 : i32
        %mul3A_329 = arith.muli %add3A_327, %mul3A_328 : i32
        %dma_start3A_330 = tpu.memref_slice %arg7[%mul3A_329] : memref<320000xi32, #tpu.memory_space<hbm>> -> memref<128xi32, #tpu.memory_space<hbm>>
        %dma_start3A_331 = tpu.memref_slice %arg7[%mul3A_329] : memref<320000xi32, #tpu.memory_space<hbm>> -> memref<128xi32, #tpu.memory_space<hbm>>
        tpu.enqueue_dma source(%dma_start3A_331 : memref<128xi32, #tpu.memory_space<hbm>>) target(%arg13 : memref<128xi32, #tpu.memory_space<vmem>>) target_semaphore(%arg27 : memref<!tpu.dma_semaphore, #tpu.memory_space<semaphore_mem>>)
        %mul3A_332 = arith.constant 16 : i32
        %mul3A_333 = arith.muli %add3A_324, %mul3A_332 : i32
        %add3A_334 = arith.addi %arg1, %mul3A_333 : i32
        %mul3A_335 = arith.constant 128 : i32
        %mul3A_336 = arith.muli %add3A_334, %mul3A_335 : i32
        %dma_start3A_337 = tpu.memref_slice %arg6[%mul3A_336] : memref<320000xi32, #tpu.memory_space<hbm>> -> memref<128xi32, #tpu.memory_space<hbm>>
        %dma_start3A_338 = tpu.memref_slice %arg6[%mul3A_336] : memref<320000xi32, #tpu.memory_space<hbm>> -> memref<128xi32, #tpu.memory_space<hbm>>
        tpu.enqueue_dma source(%dma_start3A_338 : memref<128xi32, #tpu.memory_space<hbm>>) target(%arg17 : memref<128xi32, #tpu.memory_space<vmem>>) target_semaphore(%arg27 : memref<!tpu.dma_semaphore, #tpu.memory_space<semaphore_mem>>)
        %add3A_339 = arith.constant 1 : i32
        %add3A_340 = arith.addi %add3A_319, %add3A_339 : i32
        %mul3A_341 = arith.constant 16 : i32
        %mul3A_342 = arith.muli %add3A_340, %mul3A_341 : i32
        %add3A_343 = arith.addi %arg1, %mul3A_342 : i32
        %mul3A_344 = arith.constant 128 : i32
        %mul3A_345 = arith.muli %add3A_343, %mul3A_344 : i32
        %dma_wait3A_346 = tpu.memref_slice %arg7[%mul3A_345] : memref<320000xi32, #tpu.memory_space<hbm>> -> memref<128xi32, #tpu.memory_space<hbm>>
        %dma_wait3A_347 = tpu.memref_slice %arg7[%mul3A_345] : memref<320000xi32, #tpu.memory_space<hbm>> -> memref<128xi32, #tpu.memory_space<hbm>>
        tpu.wait_dma2 semaphore(%arg26 : memref<!tpu.dma_semaphore, #tpu.memory_space<semaphore_mem>>) src(%dma_wait3A_347 : memref<128xi32, #tpu.memory_space<hbm>>) dst(%arg12 : memref<128xi32, #tpu.memory_space<vmem>>)
        %mul3A_348 = arith.constant 16 : i32
        %mul3A_349 = arith.muli %add3A_340, %mul3A_348 : i32
        %add3A_350 = arith.addi %arg1, %mul3A_349 : i32
        %mul3A_351 = arith.constant 128 : i32
        %mul3A_352 = arith.muli %add3A_350, %mul3A_351 : i32
        %dma_wait3A_353 = tpu.memref_slice %arg6[%mul3A_352] : memref<320000xi32, #tpu.memory_space<hbm>> -> memref<128xi32, #tpu.memory_space<hbm>>
        %dma_wait3A_354 = tpu.memref_slice %arg6[%mul3A_352] : memref<320000xi32, #tpu.memory_space<hbm>> -> memref<128xi32, #tpu.memory_space<hbm>>
        tpu.wait_dma2 semaphore(%arg26 : memref<!tpu.dma_semaphore, #tpu.memory_space<semaphore_mem>>) src(%dma_wait3A_354 : memref<128xi32, #tpu.memory_space<hbm>>) dst(%arg16 : memref<128xi32, #tpu.memory_space<vmem>>)
        %dma_start3A_355 = arith.constant 0 : i32
        %dma_start3A_356 = arith.constant 0 : i32
        %dma_start3A_357 = tpu.memref_slice %arg3[%dma_start3A_355, %dma_start3A_356] : memref<10000x128xf32, #tpu.memory_space<hbm>> -> memref<10000x128xf32, #tpu.memory_space<hbm>>
        tpu.enqueue_indirect_dma source(%dma_start3A_357 : memref<10000x128xf32, #tpu.memory_space<hbm>>) target(%arg20 : memref<128x128xf32, #tpu.memory_space<vmem>>) offsets(%arg12 : memref<128xi32, #tpu.memory_space<vmem>>) semaphore(%arg22 : memref<!tpu.dma_semaphore, #tpu.memory_space<semaphore_mem>>)
        %dma_wait3A_358 = arith.constant 0 : i32
        %dma_wait3A_359 = arith.constant 0 : i32
        %dma_wait3A_360 = tpu.memref_slice %arg3[%dma_wait3A_358, %dma_wait3A_359] : memref<10000x128xf32, #tpu.memory_space<hbm>> -> memref<10000x128xf32, #tpu.memory_space<hbm>>
        tpu.wait_indirect_dma semaphore(%arg21 : memref<!tpu.dma_semaphore, #tpu.memory_space<semaphore_mem>>) src(%dma_wait3A_360 : memref<10000x128xf32, #tpu.memory_space<hbm>>) dst(%arg19 : memref<128x128xf32, #tpu.memory_space<vmem>>)
        %dma_start3A_361 = arith.constant 0 : i32
        %dma_start3A_362 = arith.constant 0 : i32
        %dma_start3A_363 = tpu.memref_slice %arg10[%dma_start3A_361, %dma_start3A_362] : memref<10000x128xf32, #tpu.memory_space<vmem_shared>> -> memref<10000x128xf32, #tpu.memory_space<vmem_shared>>
        tpu.enqueue_indirect_dma source(%arg19 : memref<128x128xf32, #tpu.memory_space<vmem>>) target(%dma_start3A_363 : memref<10000x128xf32, #tpu.memory_space<vmem_shared>>) offsets(%arg15 : memref<128xi32, #tpu.memory_space<vmem>>) semaphore(%arg23 : memref<!tpu.dma_semaphore, #tpu.memory_space<semaphore_mem>>) {add = true}
        %mul3A_364 = arith.constant 4 : i32
        %mul3A_365 = arith.muli %mul3A_364, %scan3A_313 : i32
        %add3A_366 = arith.constant 4 : i32
        %add3A_367 = arith.addi %add3A_366, %mul3A_365 : i32
        %add3A_368 = arith.constant 1 : i32
        %add3A_369 = arith.addi %add3A_367, %add3A_368 : i32
        %dma_wait3A_370 = arith.constant 0 : i32
        %dma_wait3A_371 = arith.constant 0 : i32
        %dma_wait3A_372 = tpu.memref_slice %arg10[%dma_wait3A_370, %dma_wait3A_371] : memref<10000x128xf32, #tpu.memory_space<vmem_shared>> -> memref<10000x128xf32, #tpu.memory_space<vmem_shared>>
        tpu.wait_indirect_dma semaphore(%arg23 : memref<!tpu.dma_semaphore, #tpu.memory_space<semaphore_mem>>) src(%arg19 : memref<128x128xf32, #tpu.memory_space<vmem>>) dst(%dma_wait3A_372 : memref<10000x128xf32, #tpu.memory_space<vmem_shared>>)
        %add3A_373 = arith.constant 2 : i32
        %add3A_374 = arith.addi %add3A_369, %add3A_373 : i32
        %mul3A_375 = arith.constant 16 : i32
        %mul3A_376 = arith.muli %add3A_374, %mul3A_375 : i32
        %add3A_377 = arith.addi %arg1, %mul3A_376 : i32
        %mul3A_378 = arith.constant 128 : i32
        %mul3A_379 = arith.muli %add3A_377, %mul3A_378 : i32
        %dma_start3A_380 = tpu.memref_slice %arg7[%mul3A_379] : memref<320000xi32, #tpu.memory_space<hbm>> -> memref<128xi32, #tpu.memory_space<hbm>>
        %dma_start3A_381 = tpu.memref_slice %arg7[%mul3A_379] : memref<320000xi32, #tpu.memory_space<hbm>> -> memref<128xi32, #tpu.memory_space<hbm>>
        tpu.enqueue_dma source(%dma_start3A_381 : memref<128xi32, #tpu.memory_space<hbm>>) target(%arg14 : memref<128xi32, #tpu.memory_space<vmem>>) target_semaphore(%arg28 : memref<!tpu.dma_semaphore, #tpu.memory_space<semaphore_mem>>)
        %mul3A_382 = arith.constant 16 : i32
        %mul3A_383 = arith.muli %add3A_374, %mul3A_382 : i32
        %add3A_384 = arith.addi %arg1, %mul3A_383 : i32
        %mul3A_385 = arith.constant 128 : i32
        %mul3A_386 = arith.muli %add3A_384, %mul3A_385 : i32
        %dma_start3A_387 = tpu.memref_slice %arg6[%mul3A_386] : memref<320000xi32, #tpu.memory_space<hbm>> -> memref<128xi32, #tpu.memory_space<hbm>>
        %dma_start3A_388 = tpu.memref_slice %arg6[%mul3A_386] : memref<320000xi32, #tpu.memory_space<hbm>> -> memref<128xi32, #tpu.memory_space<hbm>>
        tpu.enqueue_dma source(%dma_start3A_388 : memref<128xi32, #tpu.memory_space<hbm>>) target(%arg18 : memref<128xi32, #tpu.memory_space<vmem>>) target_semaphore(%arg28 : memref<!tpu.dma_semaphore, #tpu.memory_space<semaphore_mem>>)
        %add3A_389 = arith.constant 1 : i32
        %add3A_390 = arith.addi %add3A_369, %add3A_389 : i32
        %mul3A_391 = arith.constant 16 : i32
        %mul3A_392 = arith.muli %add3A_390, %mul3A_391 : i32
        %add3A_393 = arith.addi %arg1, %mul3A_392 : i32
        %mul3A_394 = arith.constant 128 : i32
        %mul3A_395 = arith.muli %add3A_393, %mul3A_394 : i32
        %dma_wait3A_396 = tpu.memref_slice %arg7[%mul3A_395] : memref<320000xi32, #tpu.memory_space<hbm>> -> memref<128xi32, #tpu.memory_space<hbm>>
        %dma_wait3A_397 = tpu.memref_slice %arg7[%mul3A_395] : memref<320000xi32, #tpu.memory_space<hbm>> -> memref<128xi32, #tpu.memory_space<hbm>>
        tpu.wait_dma2 semaphore(%arg27 : memref<!tpu.dma_semaphore, #tpu.memory_space<semaphore_mem>>) src(%dma_wait3A_397 : memref<128xi32, #tpu.memory_space<hbm>>) dst(%arg13 : memref<128xi32, #tpu.memory_space<vmem>>)
        %mul3A_398 = arith.constant 16 : i32
        %mul3A_399 = arith.muli %add3A_390, %mul3A_398 : i32
        %add3A_400 = arith.addi %arg1, %mul3A_399 : i32
        %mul3A_401 = arith.constant 128 : i32
        %mul3A_402 = arith.muli %add3A_400, %mul3A_401 : i32
        %dma_wait3A_403 = tpu.memref_slice %arg6[%mul3A_402] : memref<320000xi32, #tpu.memory_space<hbm>> -> memref<128xi32, #tpu.memory_space<hbm>>
        %dma_wait3A_404 = tpu.memref_slice %arg6[%mul3A_402] : memref<320000xi32, #tpu.memory_space<hbm>> -> memref<128xi32, #tpu.memory_space<hbm>>
        tpu.wait_dma2 semaphore(%arg27 : memref<!tpu.dma_semaphore, #tpu.memory_space<semaphore_mem>>) src(%dma_wait3A_404 : memref<128xi32, #tpu.memory_space<hbm>>) dst(%arg17 : memref<128xi32, #tpu.memory_space<vmem>>)
        %dma_start3A_405 = arith.constant 0 : i32
        %dma_start3A_406 = arith.constant 0 : i32
        %dma_start3A_407 = tpu.memref_slice %arg3[%dma_start3A_405, %dma_start3A_406] : memref<10000x128xf32, #tpu.memory_space<hbm>> -> memref<10000x128xf32, #tpu.memory_space<hbm>>
        tpu.enqueue_indirect_dma source(%dma_start3A_407 : memref<10000x128xf32, #tpu.memory_space<hbm>>) target(%arg19 : memref<128x128xf32, #tpu.memory_space<vmem>>) offsets(%arg13 : memref<128xi32, #tpu.memory_space<vmem>>) semaphore(%arg21 : memref<!tpu.dma_semaphore, #tpu.memory_space<semaphore_mem>>)
        %dma_wait3A_408 = arith.constant 0 : i32
        %dma_wait3A_409 = arith.constant 0 : i32
        %dma_wait3A_410 = tpu.memref_slice %arg3[%dma_wait3A_408, %dma_wait3A_409] : memref<10000x128xf32, #tpu.memory_space<hbm>> -> memref<10000x128xf32, #tpu.memory_space<hbm>>
        tpu.wait_indirect_dma semaphore(%arg22 : memref<!tpu.dma_semaphore, #tpu.memory_space<semaphore_mem>>) src(%dma_wait3A_410 : memref<10000x128xf32, #tpu.memory_space<hbm>>) dst(%arg20 : memref<128x128xf32, #tpu.memory_space<vmem>>)
        %dma_start3A_411 = arith.constant 0 : i32
        %dma_start3A_412 = arith.constant 0 : i32
        %dma_start3A_413 = tpu.memref_slice %arg10[%dma_start3A_411, %dma_start3A_412] : memref<10000x128xf32, #tpu.memory_space<vmem_shared>> -> memref<10000x128xf32, #tpu.memory_space<vmem_shared>>
        tpu.enqueue_indirect_dma source(%arg20 : memref<128x128xf32, #tpu.memory_space<vmem>>) target(%dma_start3A_413 : memref<10000x128xf32, #tpu.memory_space<vmem_shared>>) offsets(%arg16 : memref<128xi32, #tpu.memory_space<vmem>>) semaphore(%arg24 : memref<!tpu.dma_semaphore, #tpu.memory_space<semaphore_mem>>) {add = true}
        %mul3A_414 = arith.constant 4 : i32
        %mul3A_415 = arith.muli %mul3A_414, %scan3A_313 : i32
        %add3A_416 = arith.constant 4 : i32
        %add3A_417 = arith.addi %add3A_416, %mul3A_415 : i32
        %add3A_418 = arith.constant 2 : i32
        %add3A_419 = arith.addi %add3A_417, %add3A_418 : i32
        %dma_wait3A_420 = arith.constant 0 : i32
        %dma_wait3A_421 = arith.constant 0 : i32
        %dma_wait3A_422 = tpu.memref_slice %arg10[%dma_wait3A_420, %dma_wait3A_421] : memref<10000x128xf32, #tpu.memory_space<vmem_shared>> -> memref<10000x128xf32, #tpu.memory_space<vmem_shared>>
        tpu.wait_indirect_dma semaphore(%arg24 : memref<!tpu.dma_semaphore, #tpu.memory_space<semaphore_mem>>) src(%arg20 : memref<128x128xf32, #tpu.memory_space<vmem>>) dst(%dma_wait3A_422 : memref<10000x128xf32, #tpu.memory_space<vmem_shared>>)
        %add3A_423 = arith.constant 2 : i32
        %add3A_424 = arith.addi %add3A_419, %add3A_423 : i32
        %mul3A_425 = arith.constant 16 : i32
        %mul3A_426 = arith.muli %add3A_424, %mul3A_425 : i32
        %add3A_427 = arith.addi %arg1, %mul3A_426 : i32
        %mul3A_428 = arith.constant 128 : i32
        %mul3A_429 = arith.muli %add3A_427, %mul3A_428 : i32
        %dma_start3A_430 = tpu.memref_slice %arg7[%mul3A_429] : memref<320000xi32, #tpu.memory_space<hbm>> -> memref<128xi32, #tpu.memory_space<hbm>>
        %dma_start3A_431 = tpu.memref_slice %arg7[%mul3A_429] : memref<320000xi32, #tpu.memory_space<hbm>> -> memref<128xi32, #tpu.memory_space<hbm>>
        tpu.enqueue_dma source(%dma_start3A_431 : memref<128xi32, #tpu.memory_space<hbm>>) target(%arg11 : memref<128xi32, #tpu.memory_space<vmem>>) target_semaphore(%arg25 : memref<!tpu.dma_semaphore, #tpu.memory_space<semaphore_mem>>)
        %mul3A_432 = arith.constant 16 : i32
        %mul3A_433 = arith.muli %add3A_424, %mul3A_432 : i32
        %add3A_434 = arith.addi %arg1, %mul3A_433 : i32
        %mul3A_435 = arith.constant 128 : i32
        %mul3A_436 = arith.muli %add3A_434, %mul3A_435 : i32
        %dma_start3A_437 = tpu.memref_slice %arg6[%mul3A_436] : memref<320000xi32, #tpu.memory_space<hbm>> -> memref<128xi32, #tpu.memory_space<hbm>>
        %dma_start3A_438 = tpu.memref_slice %arg6[%mul3A_436] : memref<320000xi32, #tpu.memory_space<hbm>> -> memref<128xi32, #tpu.memory_space<hbm>>
        tpu.enqueue_dma source(%dma_start3A_438 : memref<128xi32, #tpu.memory_space<hbm>>) target(%arg15 : memref<128xi32, #tpu.memory_space<vmem>>) target_semaphore(%arg25 : memref<!tpu.dma_semaphore, #tpu.memory_space<semaphore_mem>>)
        %add3A_439 = arith.constant 1 : i32
        %add3A_440 = arith.addi %add3A_419, %add3A_439 : i32
        %mul3A_441 = arith.constant 16 : i32
        %mul3A_442 = arith.muli %add3A_440, %mul3A_441 : i32
        %add3A_443 = arith.addi %arg1, %mul3A_442 : i32
        %mul3A_444 = arith.constant 128 : i32
        %mul3A_445 = arith.muli %add3A_443, %mul3A_444 : i32
        %dma_wait3A_446 = tpu.memref_slice %arg7[%mul3A_445] : memref<320000xi32, #tpu.memory_space<hbm>> -> memref<128xi32, #tpu.memory_space<hbm>>
        %dma_wait3A_447 = tpu.memref_slice %arg7[%mul3A_445] : memref<320000xi32, #tpu.memory_space<hbm>> -> memref<128xi32, #tpu.memory_space<hbm>>
        tpu.wait_dma2 semaphore(%arg28 : memref<!tpu.dma_semaphore, #tpu.memory_space<semaphore_mem>>) src(%dma_wait3A_447 : memref<128xi32, #tpu.memory_space<hbm>>) dst(%arg14 : memref<128xi32, #tpu.memory_space<vmem>>)
        %mul3A_448 = arith.constant 16 : i32
        %mul3A_449 = arith.muli %add3A_440, %mul3A_448 : i32
        %add3A_450 = arith.addi %arg1, %mul3A_449 : i32
        %mul3A_451 = arith.constant 128 : i32
        %mul3A_452 = arith.muli %add3A_450, %mul3A_451 : i32
        %dma_wait3A_453 = tpu.memref_slice %arg6[%mul3A_452] : memref<320000xi32, #tpu.memory_space<hbm>> -> memref<128xi32, #tpu.memory_space<hbm>>
        %dma_wait3A_454 = tpu.memref_slice %arg6[%mul3A_452] : memref<320000xi32, #tpu.memory_space<hbm>> -> memref<128xi32, #tpu.memory_space<hbm>>
        tpu.wait_dma2 semaphore(%arg28 : memref<!tpu.dma_semaphore, #tpu.memory_space<semaphore_mem>>) src(%dma_wait3A_454 : memref<128xi32, #tpu.memory_space<hbm>>) dst(%arg18 : memref<128xi32, #tpu.memory_space<vmem>>)
        %dma_start3A_455 = arith.constant 0 : i32
        %dma_start3A_456 = arith.constant 0 : i32
        %dma_start3A_457 = tpu.memref_slice %arg3[%dma_start3A_455, %dma_start3A_456] : memref<10000x128xf32, #tpu.memory_space<hbm>> -> memref<10000x128xf32, #tpu.memory_space<hbm>>
        tpu.enqueue_indirect_dma source(%dma_start3A_457 : memref<10000x128xf32, #tpu.memory_space<hbm>>) target(%arg20 : memref<128x128xf32, #tpu.memory_space<vmem>>) offsets(%arg14 : memref<128xi32, #tpu.memory_space<vmem>>) semaphore(%arg22 : memref<!tpu.dma_semaphore, #tpu.memory_space<semaphore_mem>>)
        %dma_wait3A_458 = arith.constant 0 : i32
        %dma_wait3A_459 = arith.constant 0 : i32
        %dma_wait3A_460 = tpu.memref_slice %arg3[%dma_wait3A_458, %dma_wait3A_459] : memref<10000x128xf32, #tpu.memory_space<hbm>> -> memref<10000x128xf32, #tpu.memory_space<hbm>>
        tpu.wait_indirect_dma semaphore(%arg21 : memref<!tpu.dma_semaphore, #tpu.memory_space<semaphore_mem>>) src(%dma_wait3A_460 : memref<10000x128xf32, #tpu.memory_space<hbm>>) dst(%arg19 : memref<128x128xf32, #tpu.memory_space<vmem>>)
        %dma_start3A_461 = arith.constant 0 : i32
        %dma_start3A_462 = arith.constant 0 : i32
        %dma_start3A_463 = tpu.memref_slice %arg10[%dma_start3A_461, %dma_start3A_462] : memref<10000x128xf32, #tpu.memory_space<vmem_shared>> -> memref<10000x128xf32, #tpu.memory_space<vmem_shared>>
        tpu.enqueue_indirect_dma source(%arg19 : memref<128x128xf32, #tpu.memory_space<vmem>>) target(%dma_start3A_463 : memref<10000x128xf32, #tpu.memory_space<vmem_shared>>) offsets(%arg17 : memref<128xi32, #tpu.memory_space<vmem>>) semaphore(%arg23 : memref<!tpu.dma_semaphore, #tpu.memory_space<semaphore_mem>>) {add = true}
        %mul3A_464 = arith.constant 4 : i32
        %mul3A_465 = arith.muli %mul3A_464, %scan3A_313 : i32
        %add3A_466 = arith.constant 4 : i32
        %add3A_467 = arith.addi %add3A_466, %mul3A_465 : i32
        %add3A_468 = arith.constant 3 : i32
        %add3A_469 = arith.addi %add3A_467, %add3A_468 : i32
        %dma_wait3A_470 = arith.constant 0 : i32
        %dma_wait3A_471 = arith.constant 0 : i32
        %dma_wait3A_472 = tpu.memref_slice %arg10[%dma_wait3A_470, %dma_wait3A_471] : memref<10000x128xf32, #tpu.memory_space<vmem_shared>> -> memref<10000x128xf32, #tpu.memory_space<vmem_shared>>
        tpu.wait_indirect_dma semaphore(%arg23 : memref<!tpu.dma_semaphore, #tpu.memory_space<semaphore_mem>>) src(%arg19 : memref<128x128xf32, #tpu.memory_space<vmem>>) dst(%dma_wait3A_472 : memref<10000x128xf32, #tpu.memory_space<vmem_shared>>)
        %add3A_473 = arith.constant 2 : i32
        %add3A_474 = arith.addi %add3A_469, %add3A_473 : i32
        %mul3A_475 = arith.constant 16 : i32
        %mul3A_476 = arith.muli %add3A_474, %mul3A_475 : i32
        %add3A_477 = arith.addi %arg1, %mul3A_476 : i32
        %mul3A_478 = arith.constant 128 : i32
        %mul3A_479 = arith.muli %add3A_477, %mul3A_478 : i32
        %dma_start3A_480 = tpu.memref_slice %arg7[%mul3A_479] : memref<320000xi32, #tpu.memory_space<hbm>> -> memref<128xi32, #tpu.memory_space<hbm>>
        %dma_start3A_481 = tpu.memref_slice %arg7[%mul3A_479] : memref<320000xi32, #tpu.memory_space<hbm>> -> memref<128xi32, #tpu.memory_space<hbm>>
        tpu.enqueue_dma source(%dma_start3A_481 : memref<128xi32, #tpu.memory_space<hbm>>) target(%arg12 : memref<128xi32, #tpu.memory_space<vmem>>) target_semaphore(%arg26 : memref<!tpu.dma_semaphore, #tpu.memory_space<semaphore_mem>>)
        %mul3A_482 = arith.constant 16 : i32
        %mul3A_483 = arith.muli %add3A_474, %mul3A_482 : i32
        %add3A_484 = arith.addi %arg1, %mul3A_483 : i32
        %mul3A_485 = arith.constant 128 : i32
        %mul3A_486 = arith.muli %add3A_484, %mul3A_485 : i32
        %dma_start3A_487 = tpu.memref_slice %arg6[%mul3A_486] : memref<320000xi32, #tpu.memory_space<hbm>> -> memref<128xi32, #tpu.memory_space<hbm>>
        %dma_start3A_488 = tpu.memref_slice %arg6[%mul3A_486] : memref<320000xi32, #tpu.memory_space<hbm>> -> memref<128xi32, #tpu.memory_space<hbm>>
        tpu.enqueue_dma source(%dma_start3A_488 : memref<128xi32, #tpu.memory_space<hbm>>) target(%arg16 : memref<128xi32, #tpu.memory_space<vmem>>) target_semaphore(%arg26 : memref<!tpu.dma_semaphore, #tpu.memory_space<semaphore_mem>>)
        %add3A_489 = arith.constant 1 : i32
        %add3A_490 = arith.addi %add3A_469, %add3A_489 : i32
        %mul3A_491 = arith.constant 16 : i32
        %mul3A_492 = arith.muli %add3A_490, %mul3A_491 : i32
        %add3A_493 = arith.addi %arg1, %mul3A_492 : i32
        %mul3A_494 = arith.constant 128 : i32
        %mul3A_495 = arith.muli %add3A_493, %mul3A_494 : i32
        %dma_wait3A_496 = tpu.memref_slice %arg7[%mul3A_495] : memref<320000xi32, #tpu.memory_space<hbm>> -> memref<128xi32, #tpu.memory_space<hbm>>
        %dma_wait3A_497 = tpu.memref_slice %arg7[%mul3A_495] : memref<320000xi32, #tpu.memory_space<hbm>> -> memref<128xi32, #tpu.memory_space<hbm>>
        tpu.wait_dma2 semaphore(%arg25 : memref<!tpu.dma_semaphore, #tpu.memory_space<semaphore_mem>>) src(%dma_wait3A_497 : memref<128xi32, #tpu.memory_space<hbm>>) dst(%arg11 : memref<128xi32, #tpu.memory_space<vmem>>)
        %mul3A_498 = arith.constant 16 : i32
        %mul3A_499 = arith.muli %add3A_490, %mul3A_498 : i32
        %add3A_500 = arith.addi %arg1, %mul3A_499 : i32
        %mul3A_501 = arith.constant 128 : i32
        %mul3A_502 = arith.muli %add3A_500, %mul3A_501 : i32
        %dma_wait3A_503 = tpu.memref_slice %arg6[%mul3A_502] : memref<320000xi32, #tpu.memory_space<hbm>> -> memref<128xi32, #tpu.memory_space<hbm>>
        %dma_wait3A_504 = tpu.memref_slice %arg6[%mul3A_502] : memref<320000xi32, #tpu.memory_space<hbm>> -> memref<128xi32, #tpu.memory_space<hbm>>
        tpu.wait_dma2 semaphore(%arg25 : memref<!tpu.dma_semaphore, #tpu.memory_space<semaphore_mem>>) src(%dma_wait3A_504 : memref<128xi32, #tpu.memory_space<hbm>>) dst(%arg15 : memref<128xi32, #tpu.memory_space<vmem>>)
        %dma_start3A_505 = arith.constant 0 : i32
        %dma_start3A_506 = arith.constant 0 : i32
        %dma_start3A_507 = tpu.memref_slice %arg3[%dma_start3A_505, %dma_start3A_506] : memref<10000x128xf32, #tpu.memory_space<hbm>> -> memref<10000x128xf32, #tpu.memory_space<hbm>>
        tpu.enqueue_indirect_dma source(%dma_start3A_507 : memref<10000x128xf32, #tpu.memory_space<hbm>>) target(%arg19 : memref<128x128xf32, #tpu.memory_space<vmem>>) offsets(%arg11 : memref<128xi32, #tpu.memory_space<vmem>>) semaphore(%arg21 : memref<!tpu.dma_semaphore, #tpu.memory_space<semaphore_mem>>)
        %dma_wait3A_508 = arith.constant 0 : i32
        %dma_wait3A_509 = arith.constant 0 : i32
        %dma_wait3A_510 = tpu.memref_slice %arg3[%dma_wait3A_508, %dma_wait3A_509] : memref<10000x128xf32, #tpu.memory_space<hbm>> -> memref<10000x128xf32, #tpu.memory_space<hbm>>
        tpu.wait_indirect_dma semaphore(%arg22 : memref<!tpu.dma_semaphore, #tpu.memory_space<semaphore_mem>>) src(%dma_wait3A_510 : memref<10000x128xf32, #tpu.memory_space<hbm>>) dst(%arg20 : memref<128x128xf32, #tpu.memory_space<vmem>>)
        %dma_start3A_511 = arith.constant 0 : i32
        %dma_start3A_512 = arith.constant 0 : i32
        %dma_start3A_513 = tpu.memref_slice %arg10[%dma_start3A_511, %dma_start3A_512] : memref<10000x128xf32, #tpu.memory_space<vmem_shared>> -> memref<10000x128xf32, #tpu.memory_space<vmem_shared>>
        tpu.enqueue_indirect_dma source(%arg20 : memref<128x128xf32, #tpu.memory_space<vmem>>) target(%dma_start3A_513 : memref<10000x128xf32, #tpu.memory_space<vmem_shared>>) offsets(%arg18 : memref<128xi32, #tpu.memory_space<vmem>>) semaphore(%arg24 : memref<!tpu.dma_semaphore, #tpu.memory_space<semaphore_mem>>) {add = true}
      }
      %scan3A_193 = arith.constant 37 : i32
      %dma_wait3A_194 = arith.constant 0 : i32
      %dma_wait3A_195 = arith.constant 0 : i32
      %dma_wait3A_196 = tpu.memref_slice %arg10[%dma_wait3A_194, %dma_wait3A_195] : memref<10000x128xf32, #tpu.memory_space<vmem_shared>> -> memref<10000x128xf32, #tpu.memory_space<vmem_shared>>
      tpu.wait_indirect_dma semaphore(%arg24 : memref<!tpu.dma_semaphore, #tpu.memory_space<semaphore_mem>>) src(%arg20 : memref<128x128xf32, #tpu.memory_space<vmem>>) dst(%dma_wait3A_196 : memref<10000x128xf32, #tpu.memory_space<vmem_shared>>)
      %add3A_197 = arith.constant 2464 : i32
      %add3A_198 = arith.addi %arg1, %add3A_197 : i32
      %mul3A_199 = arith.constant 128 : i32
      %mul3A_200 = arith.muli %add3A_198, %mul3A_199 : i32
      %dma_start3A_201 = tpu.memref_slice %arg7[%mul3A_200] : memref<320000xi32, #tpu.memory_space<hbm>> -> memref<128xi32, #tpu.memory_space<hbm>>
      %dma_start3A_202 = tpu.memref_slice %arg7[%mul3A_200] : memref<320000xi32, #tpu.memory_space<hbm>> -> memref<128xi32, #tpu.memory_space<hbm>>
      tpu.enqueue_dma source(%dma_start3A_202 : memref<128xi32, #tpu.memory_space<hbm>>) target(%arg13 : memref<128xi32, #tpu.memory_space<vmem>>) target_semaphore(%arg27 : memref<!tpu.dma_semaphore, #tpu.memory_space<semaphore_mem>>)
      %add3A_203 = arith.constant 2464 : i32
      %add3A_204 = arith.addi %arg1, %add3A_203 : i32
      %mul3A_205 = arith.constant 128 : i32
      %mul3A_206 = arith.muli %add3A_204, %mul3A_205 : i32
      %dma_start3A_207 = tpu.memref_slice %arg6[%mul3A_206] : memref<320000xi32, #tpu.memory_space<hbm>> -> memref<128xi32, #tpu.memory_space<hbm>>
      %dma_start3A_208 = tpu.memref_slice %arg6[%mul3A_206] : memref<320000xi32, #tpu.memory_space<hbm>> -> memref<128xi32, #tpu.memory_space<hbm>>
      tpu.enqueue_dma source(%dma_start3A_208 : memref<128xi32, #tpu.memory_space<hbm>>) target(%arg17 : memref<128xi32, #tpu.memory_space<vmem>>) target_semaphore(%arg27 : memref<!tpu.dma_semaphore, #tpu.memory_space<semaphore_mem>>)
      %add3A_209 = arith.constant 2448 : i32
      %add3A_210 = arith.addi %arg1, %add3A_209 : i32
      %mul3A_211 = arith.constant 128 : i32
      %mul3A_212 = arith.muli %add3A_210, %mul3A_211 : i32
      %dma_wait3A_213 = tpu.memref_slice %arg7[%mul3A_212] : memref<320000xi32, #tpu.memory_space<hbm>> -> memref<128xi32, #tpu.memory_space<hbm>>
      %dma_wait3A_214 = tpu.memref_slice %arg7[%mul3A_212] : memref<320000xi32, #tpu.memory_space<hbm>> -> memref<128xi32, #tpu.memory_space<hbm>>
      tpu.wait_dma2 semaphore(%arg26 : memref<!tpu.dma_semaphore, #tpu.memory_space<semaphore_mem>>) src(%dma_wait3A_214 : memref<128xi32, #tpu.memory_space<hbm>>) dst(%arg12 : memref<128xi32, #tpu.memory_space<vmem>>)
      %add3A_215 = arith.constant 2448 : i32
      %add3A_216 = arith.addi %arg1, %add3A_215 : i32
      %mul3A_217 = arith.constant 128 : i32
      %mul3A_218 = arith.muli %add3A_216, %mul3A_217 : i32
      %dma_wait3A_219 = tpu.memref_slice %arg6[%mul3A_218] : memref<320000xi32, #tpu.memory_space<hbm>> -> memref<128xi32, #tpu.memory_space<hbm>>
      %dma_wait3A_220 = tpu.memref_slice %arg6[%mul3A_218] : memref<320000xi32, #tpu.memory_space<hbm>> -> memref<128xi32, #tpu.memory_space<hbm>>
      tpu.wait_dma2 semaphore(%arg26 : memref<!tpu.dma_semaphore, #tpu.memory_space<semaphore_mem>>) src(%dma_wait3A_220 : memref<128xi32, #tpu.memory_space<hbm>>) dst(%arg16 : memref<128xi32, #tpu.memory_space<vmem>>)
      %dma_start3A_221 = arith.constant 0 : i32
      %dma_start3A_222 = arith.constant 0 : i32
      %dma_start3A_223 = tpu.memref_slice %arg3[%dma_start3A_221, %dma_start3A_222] : memref<10000x128xf32, #tpu.memory_space<hbm>> -> memref<10000x128xf32, #tpu.memory_space<hbm>>
      tpu.enqueue_indirect_dma source(%dma_start3A_223 : memref<10000x128xf32, #tpu.memory_space<hbm>>) target(%arg20 : memref<128x128xf32, #tpu.memory_space<vmem>>) offsets(%arg12 : memref<128xi32, #tpu.memory_space<vmem>>) semaphore(%arg22 : memref<!tpu.dma_semaphore, #tpu.memory_space<semaphore_mem>>)
      %dma_wait3A_224 = arith.constant 0 : i32
      %dma_wait3A_225 = arith.constant 0 : i32
      %dma_wait3A_226 = tpu.memref_slice %arg3[%dma_wait3A_224, %dma_wait3A_225] : memref<10000x128xf32, #tpu.memory_space<hbm>> -> memref<10000x128xf32, #tpu.memory_space<hbm>>
      tpu.wait_indirect_dma semaphore(%arg21 : memref<!tpu.dma_semaphore, #tpu.memory_space<semaphore_mem>>) src(%dma_wait3A_226 : memref<10000x128xf32, #tpu.memory_space<hbm>>) dst(%arg19 : memref<128x128xf32, #tpu.memory_space<vmem>>)
      %dma_start3A_227 = arith.constant 0 : i32
      %dma_start3A_228 = arith.constant 0 : i32
      %dma_start3A_229 = tpu.memref_slice %arg10[%dma_start3A_227, %dma_start3A_228] : memref<10000x128xf32, #tpu.memory_space<vmem_shared>> -> memref<10000x128xf32, #tpu.memory_space<vmem_shared>>
      tpu.enqueue_indirect_dma source(%arg19 : memref<128x128xf32, #tpu.memory_space<vmem>>) target(%dma_start3A_229 : memref<10000x128xf32, #tpu.memory_space<vmem_shared>>) offsets(%arg15 : memref<128xi32, #tpu.memory_space<vmem>>) semaphore(%arg23 : memref<!tpu.dma_semaphore, #tpu.memory_space<semaphore_mem>>) {add = true}
      %dma_wait3A_230 = arith.constant 0 : i32
      %dma_wait3A_231 = arith.constant 0 : i32
      %dma_wait3A_232 = tpu.memref_slice %arg10[%dma_wait3A_230, %dma_wait3A_231] : memref<10000x128xf32, #tpu.memory_space<vmem_shared>> -> memref<10000x128xf32, #tpu.memory_space<vmem_shared>>
      tpu.wait_indirect_dma semaphore(%arg23 : memref<!tpu.dma_semaphore, #tpu.memory_space<semaphore_mem>>) src(%arg19 : memref<128x128xf32, #tpu.memory_space<vmem>>) dst(%dma_wait3A_232 : memref<10000x128xf32, #tpu.memory_space<vmem_shared>>)
      %add3A_233 = arith.constant 2480 : i32
      %add3A_234 = arith.addi %arg1, %add3A_233 : i32
      %mul3A_235 = arith.constant 128 : i32
      %mul3A_236 = arith.muli %add3A_234, %mul3A_235 : i32
      %dma_start3A_237 = tpu.memref_slice %arg7[%mul3A_236] : memref<320000xi32, #tpu.memory_space<hbm>> -> memref<128xi32, #tpu.memory_space<hbm>>
      %dma_start3A_238 = tpu.memref_slice %arg7[%mul3A_236] : memref<320000xi32, #tpu.memory_space<hbm>> -> memref<128xi32, #tpu.memory_space<hbm>>
      tpu.enqueue_dma source(%dma_start3A_238 : memref<128xi32, #tpu.memory_space<hbm>>) target(%arg14 : memref<128xi32, #tpu.memory_space<vmem>>) target_semaphore(%arg28 : memref<!tpu.dma_semaphore, #tpu.memory_space<semaphore_mem>>)
      %add3A_239 = arith.constant 2480 : i32
      %add3A_240 = arith.addi %arg1, %add3A_239 : i32
      %mul3A_241 = arith.constant 128 : i32
      %mul3A_242 = arith.muli %add3A_240, %mul3A_241 : i32
      %dma_start3A_243 = tpu.memref_slice %arg6[%mul3A_242] : memref<320000xi32, #tpu.memory_space<hbm>> -> memref<128xi32, #tpu.memory_space<hbm>>
      %dma_start3A_244 = tpu.memref_slice %arg6[%mul3A_242] : memref<320000xi32, #tpu.memory_space<hbm>> -> memref<128xi32, #tpu.memory_space<hbm>>
      tpu.enqueue_dma source(%dma_start3A_244 : memref<128xi32, #tpu.memory_space<hbm>>) target(%arg18 : memref<128xi32, #tpu.memory_space<vmem>>) target_semaphore(%arg28 : memref<!tpu.dma_semaphore, #tpu.memory_space<semaphore_mem>>)
      %add3A_245 = arith.constant 2464 : i32
      %add3A_246 = arith.addi %arg1, %add3A_245 : i32
      %mul3A_247 = arith.constant 128 : i32
      %mul3A_248 = arith.muli %add3A_246, %mul3A_247 : i32
      %dma_wait3A_249 = tpu.memref_slice %arg7[%mul3A_248] : memref<320000xi32, #tpu.memory_space<hbm>> -> memref<128xi32, #tpu.memory_space<hbm>>
      %dma_wait3A_250 = tpu.memref_slice %arg7[%mul3A_248] : memref<320000xi32, #tpu.memory_space<hbm>> -> memref<128xi32, #tpu.memory_space<hbm>>
      tpu.wait_dma2 semaphore(%arg27 : memref<!tpu.dma_semaphore, #tpu.memory_space<semaphore_mem>>) src(%dma_wait3A_250 : memref<128xi32, #tpu.memory_space<hbm>>) dst(%arg13 : memref<128xi32, #tpu.memory_space<vmem>>)
      %add3A_251 = arith.constant 2464 : i32
      %add3A_252 = arith.addi %arg1, %add3A_251 : i32
      %mul3A_253 = arith.constant 128 : i32
      %mul3A_254 = arith.muli %add3A_252, %mul3A_253 : i32
      %dma_wait3A_255 = tpu.memref_slice %arg6[%mul3A_254] : memref<320000xi32, #tpu.memory_space<hbm>> -> memref<128xi32, #tpu.memory_space<hbm>>
      %dma_wait3A_256 = tpu.memref_slice %arg6[%mul3A_254] : memref<320000xi32, #tpu.memory_space<hbm>> -> memref<128xi32, #tpu.memory_space<hbm>>
      tpu.wait_dma2 semaphore(%arg27 : memref<!tpu.dma_semaphore, #tpu.memory_space<semaphore_mem>>) src(%dma_wait3A_256 : memref<128xi32, #tpu.memory_space<hbm>>) dst(%arg17 : memref<128xi32, #tpu.memory_space<vmem>>)
      %dma_start3A_257 = arith.constant 0 : i32
      %dma_start3A_258 = arith.constant 0 : i32
      %dma_start3A_259 = tpu.memref_slice %arg3[%dma_start3A_257, %dma_start3A_258] : memref<10000x128xf32, #tpu.memory_space<hbm>> -> memref<10000x128xf32, #tpu.memory_space<hbm>>
      tpu.enqueue_indirect_dma source(%dma_start3A_259 : memref<10000x128xf32, #tpu.memory_space<hbm>>) target(%arg19 : memref<128x128xf32, #tpu.memory_space<vmem>>) offsets(%arg13 : memref<128xi32, #tpu.memory_space<vmem>>) semaphore(%arg21 : memref<!tpu.dma_semaphore, #tpu.memory_space<semaphore_mem>>)
      %dma_wait3A_260 = arith.constant 0 : i32
      %dma_wait3A_261 = arith.constant 0 : i32
      %dma_wait3A_262 = tpu.memref_slice %arg3[%dma_wait3A_260, %dma_wait3A_261] : memref<10000x128xf32, #tpu.memory_space<hbm>> -> memref<10000x128xf32, #tpu.memory_space<hbm>>
      tpu.wait_indirect_dma semaphore(%arg22 : memref<!tpu.dma_semaphore, #tpu.memory_space<semaphore_mem>>) src(%dma_wait3A_262 : memref<10000x128xf32, #tpu.memory_space<hbm>>) dst(%arg20 : memref<128x128xf32, #tpu.memory_space<vmem>>)
      %dma_start3A_263 = arith.constant 0 : i32
      %dma_start3A_264 = arith.constant 0 : i32
      %dma_start3A_265 = tpu.memref_slice %arg10[%dma_start3A_263, %dma_start3A_264] : memref<10000x128xf32, #tpu.memory_space<vmem_shared>> -> memref<10000x128xf32, #tpu.memory_space<vmem_shared>>
      tpu.enqueue_indirect_dma source(%arg20 : memref<128x128xf32, #tpu.memory_space<vmem>>) target(%dma_start3A_265 : memref<10000x128xf32, #tpu.memory_space<vmem_shared>>) offsets(%arg16 : memref<128xi32, #tpu.memory_space<vmem>>) semaphore(%arg24 : memref<!tpu.dma_semaphore, #tpu.memory_space<semaphore_mem>>) {add = true}
      %dma_wait3A_266 = arith.constant 0 : i32
      %dma_wait3A_267 = arith.constant 0 : i32
      %dma_wait3A_268 = tpu.memref_slice %arg10[%dma_wait3A_266, %dma_wait3A_267] : memref<10000x128xf32, #tpu.memory_space<vmem_shared>> -> memref<10000x128xf32, #tpu.memory_space<vmem_shared>>
      tpu.wait_indirect_dma semaphore(%arg24 : memref<!tpu.dma_semaphore, #tpu.memory_space<semaphore_mem>>) src(%arg20 : memref<128x128xf32, #tpu.memory_space<vmem>>) dst(%dma_wait3A_268 : memref<10000x128xf32, #tpu.memory_space<vmem_shared>>)
      %add3A_269 = arith.constant 2480 : i32
      %add3A_270 = arith.addi %arg1, %add3A_269 : i32
      %mul3A_271 = arith.constant 128 : i32
      %mul3A_272 = arith.muli %add3A_270, %mul3A_271 : i32
      %dma_wait3A_273 = tpu.memref_slice %arg7[%mul3A_272] : memref<320000xi32, #tpu.memory_space<hbm>> -> memref<128xi32, #tpu.memory_space<hbm>>
      %dma_wait3A_274 = tpu.memref_slice %arg7[%mul3A_272] : memref<320000xi32, #tpu.memory_space<hbm>> -> memref<128xi32, #tpu.memory_space<hbm>>
      tpu.wait_dma2 semaphore(%arg28 : memref<!tpu.dma_semaphore, #tpu.memory_space<semaphore_mem>>) src(%dma_wait3A_274 : memref<128xi32, #tpu.memory_space<hbm>>) dst(%arg14 : memref<128xi32, #tpu.memory_space<vmem>>)
      %add3A_275 = arith.constant 2480 : i32
      %add3A_276 = arith.addi %arg1, %add3A_275 : i32
      %mul3A_277 = arith.constant 128 : i32
      %mul3A_278 = arith.muli %add3A_276, %mul3A_277 : i32
      %dma_wait3A_279 = tpu.memref_slice %arg6[%mul3A_278] : memref<320000xi32, #tpu.memory_space<hbm>> -> memref<128xi32, #tpu.memory_space<hbm>>
      %dma_wait3A_280 = tpu.memref_slice %arg6[%mul3A_278] : memref<320000xi32, #tpu.memory_space<hbm>> -> memref<128xi32, #tpu.memory_space<hbm>>
      tpu.wait_dma2 semaphore(%arg28 : memref<!tpu.dma_semaphore, #tpu.memory_space<semaphore_mem>>) src(%dma_wait3A_280 : memref<128xi32, #tpu.memory_space<hbm>>) dst(%arg18 : memref<128xi32, #tpu.memory_space<vmem>>)
      %dma_start3A_281 = arith.constant 0 : i32
      %dma_start3A_282 = arith.constant 0 : i32
      %dma_start3A_283 = tpu.memref_slice %arg3[%dma_start3A_281, %dma_start3A_282] : memref<10000x128xf32, #tpu.memory_space<hbm>> -> memref<10000x128xf32, #tpu.memory_space<hbm>>
      tpu.enqueue_indirect_dma source(%dma_start3A_283 : memref<10000x128xf32, #tpu.memory_space<hbm>>) target(%arg20 : memref<128x128xf32, #tpu.memory_space<vmem>>) offsets(%arg14 : memref<128xi32, #tpu.memory_space<vmem>>) semaphore(%arg22 : memref<!tpu.dma_semaphore, #tpu.memory_space<semaphore_mem>>)
      %dma_wait3A_284 = arith.constant 0 : i32
      %dma_wait3A_285 = arith.constant 0 : i32
      %dma_wait3A_286 = tpu.memref_slice %arg3[%dma_wait3A_284, %dma_wait3A_285] : memref<10000x128xf32, #tpu.memory_space<hbm>> -> memref<10000x128xf32, #tpu.memory_space<hbm>>
      tpu.wait_indirect_dma semaphore(%arg21 : memref<!tpu.dma_semaphore, #tpu.memory_space<semaphore_mem>>) src(%dma_wait3A_286 : memref<10000x128xf32, #tpu.memory_space<hbm>>) dst(%arg19 : memref<128x128xf32, #tpu.memory_space<vmem>>)
      %dma_start3A_287 = arith.constant 0 : i32
      %dma_start3A_288 = arith.constant 0 : i32
      %dma_start3A_289 = tpu.memref_slice %arg10[%dma_start3A_287, %dma_start3A_288] : memref<10000x128xf32, #tpu.memory_space<vmem_shared>> -> memref<10000x128xf32, #tpu.memory_space<vmem_shared>>
      tpu.enqueue_indirect_dma source(%arg19 : memref<128x128xf32, #tpu.memory_space<vmem>>) target(%dma_start3A_289 : memref<10000x128xf32, #tpu.memory_space<vmem_shared>>) offsets(%arg17 : memref<128xi32, #tpu.memory_space<vmem>>) semaphore(%arg23 : memref<!tpu.dma_semaphore, #tpu.memory_space<semaphore_mem>>) {add = true}
      %dma_wait3A_290 = arith.constant 0 : i32
      %dma_wait3A_291 = arith.constant 0 : i32
      %dma_wait3A_292 = tpu.memref_slice %arg10[%dma_wait3A_290, %dma_wait3A_291] : memref<10000x128xf32, #tpu.memory_space<vmem_shared>> -> memref<10000x128xf32, #tpu.memory_space<vmem_shared>>
      tpu.wait_indirect_dma semaphore(%arg23 : memref<!tpu.dma_semaphore, #tpu.memory_space<semaphore_mem>>) src(%arg19 : memref<128x128xf32, #tpu.memory_space<vmem>>) dst(%dma_wait3A_292 : memref<10000x128xf32, #tpu.memory_space<vmem_shared>>)
      %dma_wait3A_293 = arith.constant 0 : i32
      %dma_wait3A_294 = arith.constant 0 : i32
      %dma_wait3A_295 = tpu.memref_slice %arg3[%dma_wait3A_293, %dma_wait3A_294] : memref<10000x128xf32, #tpu.memory_space<hbm>> -> memref<10000x128xf32, #tpu.memory_space<hbm>>
      tpu.wait_indirect_dma semaphore(%arg22 : memref<!tpu.dma_semaphore, #tpu.memory_space<semaphore_mem>>) src(%dma_wait3A_295 : memref<10000x128xf32, #tpu.memory_space<hbm>>) dst(%arg20 : memref<128x128xf32, #tpu.memory_space<vmem>>)
      %dma_start3A_296 = arith.constant 0 : i32
      %dma_start3A_297 = arith.constant 0 : i32
      %dma_start3A_298 = tpu.memref_slice %arg10[%dma_start3A_296, %dma_start3A_297] : memref<10000x128xf32, #tpu.memory_space<vmem_shared>> -> memref<10000x128xf32, #tpu.memory_space<vmem_shared>>
      tpu.enqueue_indirect_dma source(%arg20 : memref<128x128xf32, #tpu.memory_space<vmem>>) target(%dma_start3A_298 : memref<10000x128xf32, #tpu.memory_space<vmem_shared>>) offsets(%arg18 : memref<128xi32, #tpu.memory_space<vmem>>) semaphore(%arg24 : memref<!tpu.dma_semaphore, #tpu.memory_space<semaphore_mem>>) {add = true}
      %dma_wait3A_299 = arith.constant 0 : i32
      %dma_wait3A_300 = arith.constant 0 : i32
      %dma_wait3A_301 = tpu.memref_slice %arg10[%dma_wait3A_299, %dma_wait3A_300] : memref<10000x128xf32, #tpu.memory_space<vmem_shared>> -> memref<10000x128xf32, #tpu.memory_space<vmem_shared>>
      tpu.wait_indirect_dma semaphore(%arg24 : memref<!tpu.dma_semaphore, #tpu.memory_space<semaphore_mem>>) src(%arg20 : memref<128x128xf32, #tpu.memory_space<vmem>>) dst(%dma_wait3A_301 : memref<10000x128xf32, #tpu.memory_space<vmem_shared>>)
      %lt3A_302 = arith.constant 4 : i32
      %lt3A_303 = arith.cmpi slt, %arg1, %lt3A_302 : i32
      %convert_element_type3A_304 = arith.extui %lt3A_303 : i1 to i32
      %cond3A_305 = arith.constant 0 : i32
      %cond3A_306 = arith.cmpi ne, %convert_element_type3A_304, %cond3A_305 : i32
      scf.if %cond3A_306 {
        %add3A_313 = arith.constant 2496 : i32
        %add3A_314 = arith.addi %arg1, %add3A_313 : i32
        %mul3A_315 = arith.constant 128 : i32
        %mul3A_316 = arith.muli %add3A_314, %mul3A_315 : i32
        "tpu.region"() ({
          %run_scoped3A = tpu.sem_alloc : memref<!tpu.dma_semaphore, #tpu.memory_space<semaphore_mem>>
          %dma_start3A_323 = tpu.memref_slice %arg7[%mul3A_316] : memref<320000xi32, #tpu.memory_space<hbm>> -> memref<128xi32, #tpu.memory_space<hbm>>
          %dma_start3A_324 = tpu.memref_slice %arg7[%mul3A_316] : memref<320000xi32, #tpu.memory_space<hbm>> -> memref<128xi32, #tpu.memory_space<hbm>>
          tpu.enqueue_dma source(%dma_start3A_324 : memref<128xi32, #tpu.memory_space<hbm>>) target(%arg11 : memref<128xi32, #tpu.memory_space<vmem>>) target_semaphore(%run_scoped3A : memref<!tpu.dma_semaphore, #tpu.memory_space<semaphore_mem>>)
          %dma_wait3A_325 = tpu.memref_slice %arg7[%mul3A_316] : memref<320000xi32, #tpu.memory_space<hbm>> -> memref<128xi32, #tpu.memory_space<hbm>>
          %dma_wait3A_326 = tpu.memref_slice %arg7[%mul3A_316] : memref<320000xi32, #tpu.memory_space<hbm>> -> memref<128xi32, #tpu.memory_space<hbm>>
          tpu.wait_dma2 semaphore(%run_scoped3A : memref<!tpu.dma_semaphore, #tpu.memory_space<semaphore_mem>>) src(%dma_wait3A_326 : memref<128xi32, #tpu.memory_space<hbm>>) dst(%arg11 : memref<128xi32, #tpu.memory_space<vmem>>)
          tpu.yield
        }) : () -> ()
        "tpu.region"() ({
          %run_scoped3A = tpu.sem_alloc : memref<!tpu.dma_semaphore, #tpu.memory_space<semaphore_mem>>
          %dma_start3A_323 = tpu.memref_slice %arg6[%mul3A_316] : memref<320000xi32, #tpu.memory_space<hbm>> -> memref<128xi32, #tpu.memory_space<hbm>>
          %dma_start3A_324 = tpu.memref_slice %arg6[%mul3A_316] : memref<320000xi32, #tpu.memory_space<hbm>> -> memref<128xi32, #tpu.memory_space<hbm>>
          tpu.enqueue_dma source(%dma_start3A_324 : memref<128xi32, #tpu.memory_space<hbm>>) target(%arg15 : memref<128xi32, #tpu.memory_space<vmem>>) target_semaphore(%run_scoped3A : memref<!tpu.dma_semaphore, #tpu.memory_space<semaphore_mem>>)
          %dma_wait3A_325 = tpu.memref_slice %arg6[%mul3A_316] : memref<320000xi32, #tpu.memory_space<hbm>> -> memref<128xi32, #tpu.memory_space<hbm>>
          %dma_wait3A_326 = tpu.memref_slice %arg6[%mul3A_316] : memref<320000xi32, #tpu.memory_space<hbm>> -> memref<128xi32, #tpu.memory_space<hbm>>
          tpu.wait_dma2 semaphore(%run_scoped3A : memref<!tpu.dma_semaphore, #tpu.memory_space<semaphore_mem>>) src(%dma_wait3A_326 : memref<128xi32, #tpu.memory_space<hbm>>) dst(%arg15 : memref<128xi32, #tpu.memory_space<vmem>>)
          tpu.yield
        }) : () -> ()
        %dma_start3A_317 = arith.constant 0 : i32
        %dma_start3A_318 = arith.constant 0 : i32
        %dma_start3A_319 = tpu.memref_slice %arg3[%dma_start3A_317, %dma_start3A_318] : memref<10000x128xf32, #tpu.memory_space<hbm>> -> memref<10000x128xf32, #tpu.memory_space<hbm>>
        tpu.enqueue_indirect_dma source(%dma_start3A_319 : memref<10000x128xf32, #tpu.memory_space<hbm>>) target(%arg19 : memref<128x128xf32, #tpu.memory_space<vmem>>) offsets(%arg11 : memref<128xi32, #tpu.memory_space<vmem>>) semaphore(%arg21 : memref<!tpu.dma_semaphore, #tpu.memory_space<semaphore_mem>>)
        %dma_wait3A_320 = arith.constant 0 : i32
        %dma_wait3A_321 = arith.constant 0 : i32
        %dma_wait3A_322 = tpu.memref_slice %arg3[%dma_wait3A_320, %dma_wait3A_321] : memref<10000x128xf32, #tpu.memory_space<hbm>> -> memref<10000x128xf32, #tpu.memory_space<hbm>>
        tpu.wait_indirect_dma semaphore(%arg21 : memref<!tpu.dma_semaphore, #tpu.memory_space<semaphore_mem>>) src(%dma_wait3A_322 : memref<10000x128xf32, #tpu.memory_space<hbm>>) dst(%arg19 : memref<128x128xf32, #tpu.memory_space<vmem>>)
        "tpu.region"() ({
          %run_scoped3A = tpu.sem_alloc : memref<!tpu.dma_semaphore, #tpu.memory_space<semaphore_mem>>
          %dma_start3A_323 = arith.constant 0 : i32
          %dma_start3A_324 = arith.constant 0 : i32
          %dma_start3A_325 = tpu.memref_slice %arg10[%dma_start3A_323, %dma_start3A_324] : memref<10000x128xf32, #tpu.memory_space<vmem_shared>> -> memref<10000x128xf32, #tpu.memory_space<vmem_shared>>
          tpu.enqueue_indirect_dma source(%arg19 : memref<128x128xf32, #tpu.memory_space<vmem>>) target(%dma_start3A_325 : memref<10000x128xf32, #tpu.memory_space<vmem_shared>>) offsets(%arg15 : memref<128xi32, #tpu.memory_space<vmem>>) semaphore(%run_scoped3A : memref<!tpu.dma_semaphore, #tpu.memory_space<semaphore_mem>>) {add = true}
          %dma_wait3A_326 = arith.constant 0 : i32
          %dma_wait3A_327 = arith.constant 0 : i32
          %dma_wait3A_328 = tpu.memref_slice %arg10[%dma_wait3A_326, %dma_wait3A_327] : memref<10000x128xf32, #tpu.memory_space<vmem_shared>> -> memref<10000x128xf32, #tpu.memory_space<vmem_shared>>
          tpu.wait_indirect_dma semaphore(%run_scoped3A : memref<!tpu.dma_semaphore, #tpu.memory_space<semaphore_mem>>) src(%arg19 : memref<128x128xf32, #tpu.memory_space<vmem>>) dst(%dma_wait3A_328 : memref<10000x128xf32, #tpu.memory_space<vmem_shared>>)
          tpu.yield
        }) : () -> ()
      } else {
      }
      %barrier3A_307 = arith.constant 0 : index
      tpu.barrier barrier_id(%barrier3A_307)
      %lt3A_308 = arith.constant 10 : i32
      %lt3A_309 = arith.cmpi slt, %arg1, %lt3A_308 : i32
      %convert_element_type3A_310 = arith.extui %lt3A_309 : i1 to i32
      %cond3A_311 = arith.constant 0 : i32
      %cond3A_312 = arith.cmpi ne, %convert_element_type3A_310, %cond3A_311 : i32
      scf.if %cond3A_312 {
        "tpu.region"() ({
          %run_scoped3A = tpu.sem_alloc : memref<!tpu.dma_semaphore, #tpu.memory_space<semaphore_mem>>
          %dma_start3A_313 = arith.constant 0 : i32
          %dma_start3A_314 = tpu.memref_slice %arg8[%mul3A_7, %dma_start3A_313] : memref<10000x128xf32, #tpu.memory_space<hbm>> -> memref<1000x128xf32, #tpu.memory_space<hbm>>
          %dma_start3A_315 = arith.constant 0 : i32
          %dma_start3A_316 = tpu.memref_slice %arg10[%mul3A_7, %dma_start3A_315] : memref<10000x128xf32, #tpu.memory_space<vmem_shared>> -> memref<1000x128xf32, #tpu.memory_space<vmem_shared>>
          tpu.enqueue_dma source(%dma_start3A_316 : memref<1000x128xf32, #tpu.memory_space<vmem_shared>>) target(%dma_start3A_314 : memref<1000x128xf32, #tpu.memory_space<hbm>>) target_semaphore(%run_scoped3A : memref<!tpu.dma_semaphore, #tpu.memory_space<semaphore_mem>>)
          %dma_wait3A_317 = arith.constant 0 : i32
          %dma_wait3A_318 = tpu.memref_slice %arg8[%mul3A_7, %dma_wait3A_317] : memref<10000x128xf32, #tpu.memory_space<hbm>> -> memref<1000x128xf32, #tpu.memory_space<hbm>>
          %dma_wait3A_319 = arith.constant 0 : i32
          %dma_wait3A_320 = tpu.memref_slice %arg10[%mul3A_7, %dma_wait3A_319] : memref<10000x128xf32, #tpu.memory_space<vmem_shared>> -> memref<1000x128xf32, #tpu.memory_space<vmem_shared>>
          tpu.wait_dma2 semaphore(%run_scoped3A : memref<!tpu.dma_semaphore, #tpu.memory_space<semaphore_mem>>) src(%dma_wait3A_320 : memref<1000x128xf32, #tpu.memory_space<vmem_shared>>) dst(%dma_wait3A_318 : memref<1000x128xf32, #tpu.memory_space<hbm>>)
          tpu.yield
        }) : () -> ()
      } else {
      }
    } else {
    }
    return
  }
}

module attributes {stable_mosaic.version = 14 : i64} {
  func.func @_tc_body(%arg0: i32, %arg1: memref<2000x128xf32, #tpu.memory_space<vmem>>, %arg2: memref<2000x128xf32, #tpu.memory_space<vmem>>, %arg3: memref<128x128xf32, #tpu.memory_space<vmem>>, %arg4: memref<1x128xf32, #tpu.memory_space<vmem>>, %arg5: memref<128x128xf32, #tpu.memory_space<vmem>>, %arg6: memref<1x128xf32, #tpu.memory_space<vmem>>, %arg7: memref<128x128xf32, #tpu.memory_space<vmem>>, %arg8: memref<1x128xf32, #tpu.memory_space<vmem>>, %arg9: memref<128x128xf32, #tpu.memory_space<vmem>>, %arg10: memref<1x128xf32, #tpu.memory_space<vmem>>, %arg11: memref<2000x128xf32, #tpu.memory_space<vmem>>, %arg12: memref<2000x128xf32, #tpu.memory_space<vmem>>, %arg13: memref<2000x128xf32, #tpu.memory_space<vmem>>, %arg14: memref<2000x128xf32, #tpu.memory_space<vmem>>) attributes {dimension_semantics = [#tpu.dimension_semantics<arbitrary>], iteration_bounds = array<i64: 5>, scalar_prefetch = 0 : i64, scratch_operands = 0 : i64, tpu.core_type = #tpu.core_type<tc>, window_params = [{transform_indices = @transform_0, window_bounds = array<i64: 2000, 128>}, {transform_indices = @transform_1, window_bounds = array<i64: 2000, 128>}, {pipeline_mode = #tpu.pipeline_mode<synchronous>, transform_indices = @transform_2, window_bounds = array<i64: 128, 128>}, {pipeline_mode = #tpu.pipeline_mode<synchronous>, transform_indices = @transform_3, window_bounds = array<i64: 1, 128>}, {pipeline_mode = #tpu.pipeline_mode<synchronous>, transform_indices = @transform_4, window_bounds = array<i64: 128, 128>}, {pipeline_mode = #tpu.pipeline_mode<synchronous>, transform_indices = @transform_5, window_bounds = array<i64: 1, 128>}, {pipeline_mode = #tpu.pipeline_mode<synchronous>, transform_indices = @transform_6, window_bounds = array<i64: 128, 128>}, {pipeline_mode = #tpu.pipeline_mode<synchronous>, transform_indices = @transform_7, window_bounds = array<i64: 1, 128>}, {pipeline_mode = #tpu.pipeline_mode<synchronous>, transform_indices = @transform_8, window_bounds = array<i64: 128, 128>}, {pipeline_mode = #tpu.pipeline_mode<synchronous>, transform_indices = @transform_9, window_bounds = array<i64: 1, 128>}, {transform_indices = @transform_10, window_bounds = array<i64: 2000, 128>}, {transform_indices = @transform_11, window_bounds = array<i64: 2000, 128>}, {transform_indices = @transform_12, window_bounds = array<i64: 2000, 128>}, {transform_indices = @transform_13, window_bounds = array<i64: 2000, 128>}]} {
    %get3A = arith.constant 0 : index
    %get3A_0 = arith.constant 0 : index
    %get3A_1 = vector.load %arg1[%get3A, %get3A_0] : memref<2000x128xf32, #tpu.memory_space<vmem>>, vector<2000x128xf32>
    %get3A_2 = arith.constant 0 : index
    %get3A_3 = arith.constant 0 : index
    %get3A_4 = vector.load %arg2[%get3A_2, %get3A_3] : memref<2000x128xf32, #tpu.memory_space<vmem>>, vector<2000x128xf32>
    %get3A_5 = arith.constant 0 : index
    %get3A_6 = arith.constant 0 : index
    %get3A_7 = vector.load %arg3[%get3A_5, %get3A_6] : memref<128x128xf32, #tpu.memory_space<vmem>>, vector<128x128xf32>
    %dot_general3A = arith.constant dense<0.000000e+00> : vector<2000x128xf32>
    %dot_general3A_8 = tpu.matmul %get3A_1, %get3A_7, %dot_general3A {dimension_numbers = #tpu.dot_dimension_numbers<[1], [1], [0], [0], [0, 0, 1, 0], [], []>, transpose_lhs_hint = false} : vector<2000x128xf32>, vector<128x128xf32>, vector<2000x128xf32> -> vector<2000x128xf32>
    %get3A_9 = arith.constant 0 : index
    %get3A_10 = arith.constant 0 : index
    %get3A_11 = vector.load %arg4[%get3A_9, %get3A_10] : memref<1x128xf32, #tpu.memory_space<vmem>>, vector<1x128xf32>
    %add3A = vector.broadcast %get3A_11 : vector<1x128xf32> to vector<2000x128xf32>
    %add3A_12 = arith.addf %dot_general3A_8, %add3A : vector<2000x128xf32>
    %swap3A = arith.constant 0 : index
    %swap3A_13 = arith.constant 0 : index
    %swap3A_14 = vector.load %arg11[%swap3A, %swap3A_13] : memref<2000x128xf32, #tpu.memory_space<vmem>>, vector<2000x128xf32>
    tpu.vector_store %arg11[%swap3A, %swap3A_13], %add3A_12 {strides = array<i32>} : memref<2000x128xf32, #tpu.memory_space<vmem>>, vector<2000x128xf32>,
    %get3A_15 = arith.constant 0 : index
    %get3A_16 = arith.constant 0 : index
    %get3A_17 = vector.load %arg7[%get3A_15, %get3A_16] : memref<128x128xf32, #tpu.memory_space<vmem>>, vector<128x128xf32>
    %dot_general3A_18 = arith.constant dense<0.000000e+00> : vector<2000x128xf32>
    %dot_general3A_19 = tpu.matmul %get3A_1, %get3A_17, %dot_general3A_18 {dimension_numbers = #tpu.dot_dimension_numbers<[1], [1], [0], [0], [0, 0, 1, 0], [], []>, transpose_lhs_hint = false} : vector<2000x128xf32>, vector<128x128xf32>, vector<2000x128xf32> -> vector<2000x128xf32>
    %get3A_20 = arith.constant 0 : index
    %get3A_21 = arith.constant 0 : index
    %get3A_22 = vector.load %arg8[%get3A_20, %get3A_21] : memref<1x128xf32, #tpu.memory_space<vmem>>, vector<1x128xf32>
    %add3A_23 = vector.broadcast %get3A_22 : vector<1x128xf32> to vector<2000x128xf32>
    %add3A_24 = arith.addf %dot_general3A_19, %add3A_23 : vector<2000x128xf32>
    %swap3A_25 = arith.constant 0 : index
    %swap3A_26 = arith.constant 0 : index
    %swap3A_27 = vector.load %arg12[%swap3A_25, %swap3A_26] : memref<2000x128xf32, #tpu.memory_space<vmem>>, vector<2000x128xf32>
    tpu.vector_store %arg12[%swap3A_25, %swap3A_26], %add3A_24 {strides = array<i32>} : memref<2000x128xf32, #tpu.memory_space<vmem>>, vector<2000x128xf32>,
    %get3A_28 = arith.constant 0 : index
    %get3A_29 = arith.constant 0 : index
    %get3A_30 = vector.load %arg5[%get3A_28, %get3A_29] : memref<128x128xf32, #tpu.memory_space<vmem>>, vector<128x128xf32>
    %dot_general3A_31 = arith.constant dense<0.000000e+00> : vector<2000x128xf32>
    %dot_general3A_32 = tpu.matmul %get3A_4, %get3A_30, %dot_general3A_31 {dimension_numbers = #tpu.dot_dimension_numbers<[1], [1], [0], [0], [0, 0, 1, 0], [], []>, transpose_lhs_hint = false} : vector<2000x128xf32>, vector<128x128xf32>, vector<2000x128xf32> -> vector<2000x128xf32>
    %get3A_33 = arith.constant 0 : index
    %get3A_34 = arith.constant 0 : index
    %get3A_35 = vector.load %arg6[%get3A_33, %get3A_34] : memref<1x128xf32, #tpu.memory_space<vmem>>, vector<1x128xf32>
    %add3A_36 = vector.broadcast %get3A_35 : vector<1x128xf32> to vector<2000x128xf32>
    %add3A_37 = arith.addf %dot_general3A_32, %add3A_36 : vector<2000x128xf32>
    %swap3A_38 = arith.constant 0 : index
    %swap3A_39 = arith.constant 0 : index
    %swap3A_40 = vector.load %arg13[%swap3A_38, %swap3A_39] : memref<2000x128xf32, #tpu.memory_space<vmem>>, vector<2000x128xf32>
    tpu.vector_store %arg13[%swap3A_38, %swap3A_39], %add3A_37 {strides = array<i32>} : memref<2000x128xf32, #tpu.memory_space<vmem>>, vector<2000x128xf32>,
    %get3A_41 = arith.constant 0 : index
    %get3A_42 = arith.constant 0 : index
    %get3A_43 = vector.load %arg9[%get3A_41, %get3A_42] : memref<128x128xf32, #tpu.memory_space<vmem>>, vector<128x128xf32>
    %dot_general3A_44 = arith.constant dense<0.000000e+00> : vector<2000x128xf32>
    %dot_general3A_45 = tpu.matmul %get3A_4, %get3A_43, %dot_general3A_44 {dimension_numbers = #tpu.dot_dimension_numbers<[1], [1], [0], [0], [0, 0, 1, 0], [], []>, transpose_lhs_hint = false} : vector<2000x128xf32>, vector<128x128xf32>, vector<2000x128xf32> -> vector<2000x128xf32>
    %get3A_46 = arith.constant 0 : index
    %get3A_47 = arith.constant 0 : index
    %get3A_48 = vector.load %arg10[%get3A_46, %get3A_47] : memref<1x128xf32, #tpu.memory_space<vmem>>, vector<1x128xf32>
    %add3A_49 = vector.broadcast %get3A_48 : vector<1x128xf32> to vector<2000x128xf32>
    %add3A_50 = arith.addf %dot_general3A_45, %add3A_49 : vector<2000x128xf32>
    %swap3A_51 = arith.constant 0 : index
    %swap3A_52 = arith.constant 0 : index
    %swap3A_53 = vector.load %arg14[%swap3A_51, %swap3A_52] : memref<2000x128xf32, #tpu.memory_space<vmem>>, vector<2000x128xf32>
    tpu.vector_store %arg14[%swap3A_51, %swap3A_52], %add3A_50 {strides = array<i32>} : memref<2000x128xf32, #tpu.memory_space<vmem>>, vector<2000x128xf32>,
    return
  }
  func.func @transform_0(%arg0: i32) -> (i32, i32) {
    %c0_i32 = arith.constant 0 : i32
    %c0_i32_0 = arith.constant 0 : i32
    return %arg0, %c0_i32 : i32, i32
  }
  func.func @transform_1(%arg0: i32) -> (i32, i32) {
    %c0_i32 = arith.constant 0 : i32
    %c0_i32_0 = arith.constant 0 : i32
    return %arg0, %c0_i32 : i32, i32
  }
  func.func @transform_2(%arg0: i32) -> (i32, i32) {
    %c0_i32 = arith.constant 0 : i32
    %c0_i32_0 = arith.constant 0 : i32
    %c0_i32_1 = arith.constant 0 : i32
    return %c0_i32, %c0_i32_0 : i32, i32
  }
  func.func @transform_3(%arg0: i32) -> (i32, i32) {
    %c0_i32 = arith.constant 0 : i32
    %c0_i32_0 = arith.constant 0 : i32
    %c0_i32_1 = arith.constant 0 : i32
    return %c0_i32, %c0_i32_0 : i32, i32
  }
  func.func @transform_4(%arg0: i32) -> (i32, i32) {
    %c0_i32 = arith.constant 0 : i32
    %c0_i32_0 = arith.constant 0 : i32
    %c0_i32_1 = arith.constant 0 : i32
    return %c0_i32, %c0_i32_0 : i32, i32
  }
  func.func @transform_5(%arg0: i32) -> (i32, i32) {
    %c0_i32 = arith.constant 0 : i32
    %c0_i32_0 = arith.constant 0 : i32
    %c0_i32_1 = arith.constant 0 : i32
    return %c0_i32, %c0_i32_0 : i32, i32
  }
  func.func @transform_6(%arg0: i32) -> (i32, i32) {
    %c0_i32 = arith.constant 0 : i32
    %c0_i32_0 = arith.constant 0 : i32
    %c0_i32_1 = arith.constant 0 : i32
    return %c0_i32, %c0_i32_0 : i32, i32
  }
  func.func @transform_7(%arg0: i32) -> (i32, i32) {
    %c0_i32 = arith.constant 0 : i32
    %c0_i32_0 = arith.constant 0 : i32
    %c0_i32_1 = arith.constant 0 : i32
    return %c0_i32, %c0_i32_0 : i32, i32
  }
  func.func @transform_8(%arg0: i32) -> (i32, i32) {
    %c0_i32 = arith.constant 0 : i32
    %c0_i32_0 = arith.constant 0 : i32
    %c0_i32_1 = arith.constant 0 : i32
    return %c0_i32, %c0_i32_0 : i32, i32
  }
  func.func @transform_9(%arg0: i32) -> (i32, i32) {
    %c0_i32 = arith.constant 0 : i32
    %c0_i32_0 = arith.constant 0 : i32
    %c0_i32_1 = arith.constant 0 : i32
    return %c0_i32, %c0_i32_0 : i32, i32
  }
  func.func @transform_10(%arg0: i32) -> (i32, i32) {
    %c0_i32 = arith.constant 0 : i32
    %c0_i32_0 = arith.constant 0 : i32
    return %arg0, %c0_i32 : i32, i32
  }
  func.func @transform_11(%arg0: i32) -> (i32, i32) {
    %c0_i32 = arith.constant 0 : i32
    %c0_i32_0 = arith.constant 0 : i32
    return %arg0, %c0_i32 : i32, i32
  }
  func.func @transform_12(%arg0: i32) -> (i32, i32) {
    %c0_i32 = arith.constant 0 : i32
    %c0_i32_0 = arith.constant 0 : i32
    return %arg0, %c0_i32 : i32, i32
  }
  func.func @transform_13(%arg0: i32) -> (i32, i32) {
    %c0_i32 = arith.constant 0 : i32
    %c0_i32_0 = arith.constant 0 : i32
    return %arg0, %c0_i32 : i32, i32
  }
}

</mosaic_0001>

<sc_bundles>
// kernel: kernel.4.cloned.1.call-start
scs
__scs_entry_jumppad:
0x0: {  	(pc) =	sbr.rel $0x88, $3  }
0x1: {  	(tag) =	ssettag $0x0;
	lr =	simm.s32 $0x1  }
0x2: {  	[smem:$0x3F96] =	sst lr;
	_ =	strace $0xD0000000  }
0x3: {  	_ = 	snop  }
0x4: {  	_ = 	snop  }
0x5: {  	_ = 	snop  }
0x6: {  	_ = 	snop  }
0x7: {  	_ = 	snop  }
__scs_overlays_trampoline_lowered:
0x8: {  	[smem:$0x3FA5] =	sst s0  }
0x9: {  	[smem:$0x3FA6] =	sst s1  }
0xa: {  	[smem:$0x3FA7] =	sst s2  }
0xb: {  	[smem:$0x3FA8] =	sst s3  }
0xc: {  	[smem:$0x3FA9] =	sst s4  }
0xd: {  	[smem:$0x3FAA] =	sst s5  }
0xe: {  	[smem:$0x3FAB] =	sst s6  }
0xf: {  	[smem:$0x3FAC] =	sst s7  }
0x10: {  	[smem:$0x3FAD] =	sst s8  }
0x11: {  	[smem:$0x3FAE] =	sst s9;
	s0 =	simm.s32 @!p0 $0x0  }
0x12: {  	s1 =	sld [smem:$0x3F94];
	s0 =	simm.s32 @p0 $0x1  }
0x13: {  	[smem:$0x3FAF] =	sst s0;
	s0 =	simm.s32 @!p1 $0x0  }
0x14: {  	s2 =	sld [smem:$0x3F93];
	s0 =	simm.s32 @p1 $0x1  }
0x15: {  	[smem:$0x3FB0] =	sst s0;
	s0 =	simm.s32 @!p2 $0x0  }
0x16: {  	s3 =	sld [smem:$0x3FDB];
	s0 =	simm.s32 @p2 $0x1  }
0x17: {  	s4 =	simm.s32 $0x1BF5;
	[smem:$0x3FB2] =	sst s0  }
0x18: {  	s0 =	sld [smem:$0x3F95];
	_ =	swait.ge [sflag:s4], $0x0  }
0x19: {  	s7 =	sld [smem:$0x3F96]  }
0x1a: {  	s8 =	sadd.s32 $0xFFFFE003, lr  }
0x1b: {  	s9 =	sadd.s32 $0xFFFFFEF7, lr;
	s5 =	simm.s32 $0xFFFFFFFF;
	p2 =	slt.u32 s8, $0xFFFFF086  }
0x1c: {  	p1 =	slt.u32 s9, $0xF7A;
	s5 =	simm.s32 @!p2 $0x0  }
0x1d: {  	s5 =	simm.s32 @p1 $0x1;
	p0 =	seq.s32 s7, s2  }
0x1e: {  	s7 =	smul.u32 @!p0 $0xF7A, s2;
	p2 =	seq.s32 @!p0 s5, $0x0  }
0x1f: {  	s9 =	smul.u32 $0xF7A, s1;
	s8 =	simm.s32 @!p0 $0x1BF5;
	p2 =	por !p2, p0  }
0x20: {  	[sflag:s8] =	ssyncset.s32 @!p0 $0xFFFFF086;
	s6 =	sadd.s32 @!p0 s3, s7;
	s7 =	simm.s32 @!p0 $0x108  }
0x21: {  	s3 =	sadd.s32 s3, s9;
	s6 =	sadd.s32 @!p0 $0x88, s6;
	s7 =	simm.s32 @p2 $0x1082  }
0x22: {  	[simem:s7], [sflag:s8] =	dma.local @!p0 [hbm:s6], $0xF7A  }
0x23: {  	s9 =	sor.u32 $0xD0000000, s2;
	s6 =	simm.s32 $0x108;
	_ =	swait.ge @!p0 [sflag:s8], $0x0  }
0x24: {  	s3 =	sadd.s32 $0x88, s3;
	s6 =	simm.s32 @!p1 $0x1082;
	[sflag:s4] =	ssyncset.s32 $0xFFFFF086  }
0x25: {  	[simem:s6], [sflag:s4] =	dma.local [hbm:s3], $0xF7A  }
0x26: {  	[smem:$0x3F96] =	sst s1;
	(tag) =	ssettag s2;
	_ =	strace s9  }
0x27: {  	s1 =	sld [smem:$0x3FA6]  }
0x28: {  	s2 =	sld [smem:$0x3FA7]  }
0x29: {  	s4 =	sld [smem:$0x3FA9]  }
0x2a: {  	p0 =	seq.s32 s5, $0x0;
	s5 =	sld [smem:$0x3FAA]  }
0x2b: {  	s6 =	sld [smem:$0x3FAB]  }
0x2c: {  	s7 =	sld [smem:$0x3FAC]  }
0x2d: {  	s3 =	simm.s32 $0x108;
	s8 =	sld [smem:$0x3FAD]  }
0x2e: {  	s3 =	simm.s32 @!p0 $0x1082;
	s9 =	sld [smem:$0x3FAE]  }
0x2f: {  	lr =	sadd.s32 s0, s3;
	s0 =	sld [smem:$0x3FA5]  }
0x30: {  	s3 =	sld [smem:$0x3FA8]  }
0x31: {  	[smem:$0x3FB1] =	sst s10  }
0x32: {  	s10 =	sld [smem:$0x3FAF];
	_ =	sdelay $0x3  }
0x33: {  	p0 =	seq.s32 s10, $0x1;
	s10 =	sld [smem:$0x3FB1];
	_ =	sdelay $0x3  }
0x34: {  	[smem:$0x3FB1] =	sst s10  }
0x35: {  	s10 =	sld [smem:$0x3FB0];
	_ =	sdelay $0x3  }
0x36: {  	p1 =	seq.s32 s10, $0x1;
	s10 =	sld [smem:$0x3FB1];
	_ =	sdelay $0x3  }
0x37: {  	[smem:$0x3FB1] =	sst s10  }
0x38: {  	s10 =	sld [smem:$0x3FB2]  }
0x39: {  	_ = 	snop;
	(pc) =	sbr.ind lr, $3  }
0x3a: {  	_ = 	snop  }
0x3b: {  	_ = 	snop  }
0x3c: {  	p2 =	seq.s32 s10, $0x1;
	s10 =	sld [smem:$0x3FB1]  }
0x3d: {  	_ =	shalt  }
0x3e: {  	_ =	shalt  }
0x3f: {  	_ =	shalt  }
0x40: {  	_ =	shalt  }
0x41: {  	_ =	shalt  }
0x42: {  	_ =	shalt  }
0x43: {  	_ =	shalt  }
0x44: {  	_ =	shalt  }
0x45: {  	_ =	shalt  }
0x46: {  	_ =	shalt  }
0x47: {  	_ =	shalt  }
0x48: {  	_ =	shalt  }
0x49: {  	_ =	shalt  }
0x4a: {  	_ =	shalt  }
0x4b: {  	_ =	shalt  }
0x4c: {  	_ =	shalt  }
0x4d: {  	_ =	shalt  }
0x4e: {  	_ =	shalt  }
0x4f: {  	_ =	shalt  }
0x50: {  	_ =	shalt  }
0x51: {  	_ =	shalt  }
0x52: {  	_ =	shalt  }
0x53: {  	_ =	shalt  }
0x54: {  	_ =	shalt  }
0x55: {  	_ =	shalt  }
0x56: {  	_ =	shalt  }
0x57: {  	_ =	shalt  }
0x58: {  	_ =	shalt  }
0x59: {  	_ =	shalt  }
0x5a: {  	_ =	shalt  }
0x5b: {  	_ =	shalt  }
0x5c: {  	_ =	shalt  }
0x5d: {  	_ =	shalt  }
0x5e: {  	_ =	shalt  }
0x5f: {  	_ =	shalt  }
0x60: {  	_ =	shalt  }
0x61: {  	_ =	shalt  }
0x62: {  	_ =	shalt  }
0x63: {  	_ =	shalt  }
0x64: {  	_ =	shalt  }
0x65: {  	_ =	shalt  }
0x66: {  	_ =	shalt  }
0x67: {  	_ =	shalt  }
0x68: {  	_ =	shalt  }
0x69: {  	_ =	shalt  }
0x6a: {  	_ =	shalt  }
0x6b: {  	_ =	shalt  }
0x6c: {  	_ =	shalt  }
0x6d: {  	_ =	shalt  }
0x6e: {  	_ =	shalt  }
0x6f: {  	_ =	shalt  }
0x70: {  	_ =	shalt  }
0x71: {  	_ =	shalt  }
0x72: {  	_ =	shalt  }
0x73: {  	_ =	shalt  }
0x74: {  	_ =	shalt  }
0x75: {  	_ =	shalt  }
0x76: {  	_ =	shalt  }
0x77: {  	_ =	shalt  }
0x78: {  	_ =	shalt  }
0x79: {  	_ =	shalt  }
0x7a: {  	_ =	shalt  }
0x7b: {  	_ =	shalt  }
0x7c: {  	_ =	shalt  }
0x7d: {  	_ =	shalt  }
0x7e: {  	_ =	shalt  }
0x7f: {  	_ =	shalt  }
0x80: {  	_ =	shalt  }
0x81: {  	_ =	shalt  }
0x82: {  	_ =	shalt  }
0x83: {  	_ =	shalt  }
0x84: {  	_ =	shalt  }
0x85: {  	_ =	shalt  }
0x86: {  	_ =	shalt  }
0x87: {  	_ =	shalt  }
.Lfunc_end0:
.L_simem_size_0:
called_computation_lowered:
.L_overlay_start_0:
0x88: {  	s2 =	sld [smem:$0x3FD9]  }
0x89: {  	s3 =	sld [smem:$0x3FFE];
	_ =	sdelay $0x1  }
0x8a: {  	s1 =	srdreg.scid  }
0x8b: {  	s0 =	sand.u32 $0x1, s1  }
0x8c: {  	s14 =	sshll.u32 s0, $0xA;
	s2 =	sadd.s32 s3, s2  }
0x8d: {  	s2 =	sadd.s32 s2, s14  }
0x8e: {  	[smem:$0x3FBD] =	sst s2  }
0x8f: {  	_ = 	snop  }
0x90: {  	s2 =	sld [smem:$0x3FD0];
	_ =	sdelay $0x2  }
0x91: {  	s15 =	simm.s32 $0xA;
	s4 =	simm.s32 $0x10  }
0x92: {  	[smem:s4], [sflag:s15] =	dma.local [hbm:s2], $0x1  }
0x93: {  	_ =	swait.eq [sflag:s15], $0x1  }
0x94: {  	[sflag:s15] =	ssyncset.done $0x0  }
0x95: {  	s16 =	sld [smem:$0x10];
	[sflag:s15] =	ssyncadd.s32 $0xFFFFFFFF  }
0x96: {  	s17 =	sld [smem:$0x11];
	(tm) =	ssettm $0x1  }
0x97: {  	s18 =	sld [smem:$0x3FFB];
	_ =	sdelay $0x3  }
0x98: {  	_ =	strace s18  }
0x99: {  	s4 =	sld [smem:$0x3FFC];
	_ =	sdelay $0x3  }
0x9a: {  	_ =	strace s4  }
0x9b: {  	s4 =	sld [smem:$0x3FFD];
	_ =	sdelay $0x3  }
0x9c: {  	_ =	strace s4  }
0x9d: {  	_ =	strace $0x8FFFFFFF  }
0x9e: {  	s19 =	sld [smem:$0x3FDB];
	_ =	sdelay $0x1  }
0x9f: {  	s5 =	simm.s32 $_scs_section_size  }
0xa0: {  	s6 =	simm.s32 $_size__tile_overlayer_lowered;
	s7 =	simm.s32 $_tile_overlayer_lowered  }
0xa1: {  	s22 =	simm.s32 $0x1BFF;
	s21 =	sshll.u32 s7, $0x1;
	s4 =	sadd.s32 s5, s19  }
0xa2: {  	s8 =	simm.s32 $0x0;
	s20 =	sshll.u32 s6, $0x1;
	s6 =	sadd.s32 s21, s4  }
0xa3: {  	[timem:s8], [sflag:s22] =	dma.local [hbm:s6], s20  }
0xa4: {  	_ =	swait.ge [sflag:s22], s20  }
0xa5: {  	s5 =	ssub.s32 $0x0, s20;
	[sflag:s22] =	ssyncset.done $0x0  }
0xa6: {  	[sflag:s22] =	ssyncadd.s32 s5;
	_ =	sdelay $0x1  }
0xa7: {  	s23 =	simm.s32 $0x1B8B  }
0xa8: {  	_ =	swait.ge [sflag:s23], $0x1  }
0xa9: {  	[sflag:s23] =	ssyncset.done $0x0  }
0xaa: {  	s25 =	simm.s32 $0x1B8E;
	s24 =	sld [smem:$0x3FFE];
	[sflag:s23] =	ssyncadd.s32 $0xFFFFFFFF  }
0xab: {  	s26 =	simm.s32 $execute0_lowered;
	[smem:$0x3FD2] =	sst s25  }
0xac: {  	s6 =	sshll.u32 s26, $0x1;
	_ =	strace $0x80000046;
	[dreg:$0x1] =	wrdreg $0xFFFFFFFF  }
0xad: {  	s28 =	simm.s32 $_size_execute0_lowered;
	s4 =	sadd.s32 s4, s6;
	[dreg:$0x0] =	wrdreg $0x0  }
0xae: {  	s6 =	sshll.u32 s28, $0x1;
	[dreg:$0x2] =	wrdreg s4  }
0xaf: {  	[dreg:$0x3] =	wrdreg s6  }
0xb0: {  	[dreg:$0x4] =	wrdreg $0xC0  }
0xb1: {  	_ =	task [dreg:s8], $0x5FFFF  }
0xb2: {  	[dreg:$0x1] =	wrdreg $0xFFFFFFFF  }
0xb3: {  	[dreg:$0x0] =	wrdreg $0x60  }
0xb4: {  	[dreg:$0x2] =	wrdreg s24  }
0xb5: {  	[dreg:$0x3] =	wrdreg s16  }
0xb6: {  	[dreg:$0x4] =	wrdreg s17  }
0xb7: {  	[dreg:$0x5] =	wrdreg $0x0  }
0xb8: {  	[dreg:$0x6] =	wrdreg $0x9  }
0xb9: {  	_ =	task.clear_ibuf [dreg:s8], $0x7FFFF;
	_ =	strace $0x90000046  }
0xba: {  	s29 =	simm.s32 $0x9;
	_ =	strace $0x80000048  }
0xbb: {  	_ =	swait.ge [sflag:s29], $0x1  }
0xbc: {  	[sflag:s29] =	ssyncadd.s32 $0xFFFFFFFF  }
0xbd: {  	_ =	strace $0x90000048  }
0xbe: {  	_ =	sfence  }
0xbf: {  	s30 =	sld [smem:$0x0];
	_ =	sdelay $0x2  }
0xc0: {  	s31 =	sshll.u32 s1, $0xD;
	s1 =	sshrl.u32 s1, $0x2  }
0xc1: {  	s3 =	sand.u32 $0x4000, s31;
	s1 =	sadd.s32 s1, s30  }
0xc2: {  	s0 =	sor.u32 s3, s0;
	s1 =	sshll.u32 s1, $0x11  }
0xc3: {  	s0 =	sor.u32 s1, s0  }
0xc4: {  	s0 =	sadd.s32 $0x8F2B, s0  }
0xc5: {  	[sflag:s0] =	ssyncadd.remote.s32 $0x1  }
0xc6: {  	_ =	sfence.sel $0xFFFF  }
0xc7: {  	[dreg:$0x0] =	wrdreg $0xFFFFFFFF;
	(pc) =	sbr.abs _section_cstart, $3  }
0xc8: {  	[dreg:$0x1] =	wrdreg $0xFFFFFFFF  }
0xc9: {  	_ =	task.clear_ibuf [dreg:s8], $0x2FFFF;
	_ =	strace $0x9FFFFFFF  }
0xca: {  	(tm) =	ssettm $0x7FFFFFFF  }
0xcb: {  	_ =	shalt  }
tec
execute0_lowered:
.L_overlay_start_1:
0x0: {  	(tag) =	ssettag $0x1  }
0x1: {  	s1 =	rddreg [dreg:$0x0]  }
0x2: {  	s5 =	rddreg [dreg:$0x1]  }
0x3: {  	s6 =	rddreg [dreg:$0x2]  }
0x4: {  	s0 =	rddreg [dreg:$0x3];
	s2 =	simm.s32 $0x0  }
0x5: {  	s3 =	srdreg.scid;
	s13 =	stileid.u32;
	s31 =	simm.s32 $0x13880  }
0x6: {  	s28 =	simm.s32 $0x13900;
	s29 =	simm.s32 $0x13B00;
	[smem:$0x7FF] =	sst s2  }
0x7: {  	s3 =	sand.u32 $0x1, s3;
	s7 =	sadd.s32 $0xB600, s1;
	s8 =	sadd.s32 $0x1800, s1  }
0x8: {  	s10 =	sshll.u32 s13, $0x4;
	p1 =	sgt.u32 s13, $0x9;
	p2 =	slt.u32 s13, $0x4  }
0x9: {  	p3 =	slt.u32 s13, $0xA;
	s4 =	ssub.s32 $0x2, s3;
	s11 =	sor.u32 $0x100, s10  }
0xa: {  	p0 =	seq.s32 s3, $0x1;
	s3 =	sadd.s32 s7, s10;
	s12 =	sadd.s32 s7, s11  }
0xb: {  	s17 =	sor.u32 $0x200, s10;
	s11 =	sadd.s32 s8, s11;
	[dreg:$0x5] =	wrdreg s12  }
0xc: {  	s18 =	sor.u32 $0x300, s10;
	s14 =	sadd.s32 s7, s17;
	[dreg:$0x6] =	wrdreg s11  }
0xd: {  	s21 =	sor.u32 $0x400, s10;
	s19 =	sadd.s32 s7, s18;
	[dreg:$0x7] =	wrdreg s14  }
0xe: {  	s22 =	sor.u32 $0x500, s10;
	s20 =	sadd.s32 s8, s18;
	[dreg:$0x9] =	wrdreg s19  }
0xf: {  	s26 =	sor.u32 $0x9A00, s10;
	s23 =	sadd.s32 s7, s21;
	[dreg:$0xa] =	wrdreg s20  }
0x10: {  	s30 =	sor.u32 $0x9B00, s10;
	s24 =	sadd.s32 s7, s22;
	[dreg:$0xb] =	wrdreg s23  }
0x11: {  	s9 =	sshrl.u32 s4, $0x1;
	s25 =	sadd.s32 s8, s22;
	[dreg:$0xd] =	wrdreg s24  }
0x12: {  	s15 =	sadd.s32 s7, s26;
	s16 =	sadd.s32 s7, s30;
	[dreg:$0xe] =	wrdreg s25  }
0x13: {  	s18 =	smul.u32 $0x3E80, s13;
	s9 =	ssub.s32 s4, s9;
	[dreg:$0xf] =	wrdreg s15  }
0x14: {  	s4 =	sadd.s32 s8, s10;
	s11 =	sadd.s32 s8, s17;
	[dreg:$0x11] =	wrdreg s16  }
0x15: {  	s17 =	sadd.s32 s8, s30;
	s10 =	sor.u32 $0x9C00, s10;
	s19 =	smul.u32 $0x7D000, s13  }
0x16: {  	s24 =	sadd.s32 $0x15400, s1;
	s25 =	sadd.s32 $0x8AA00, s1;
	s16 =	simm.s32 $0x13A80  }
0x17: {  	s12 =	simm.s32 $0x13C00;
	s13 =	simm.s32 $0x7;
	s14 =	simm.s32 $0x2  }
0x18: {  	s15 =	simm.s32 $0x4;
	[dreg:$0x8] =	wrdreg s11;
	s11 =	sadd.s32 s8, s21  }
0x19: {  	[dreg:$0x12] =	wrdreg s17;
	s7 =	sadd.s32 s7, s10;
	s6 =	sadd.s32 s6, s18  }
0x1a: {  	s5 =	sadd.s32 s5, s18;
	s20 =	sadd.s32 s18, s1;
	[dreg:$0xc] =	wrdreg s11  }
0x1b: {  	s30 =	smax.u32 s9, $0x1;
	s11 =	sadd.s32 s8, s26;
	[dreg:$0x13] =	wrdreg s7  }
0x1c: {  	s1 =	simm.s32 $0x13C80;
	s8 =	sadd.s32 s8, s10;
	[dreg:$0x10] =	wrdreg s11  }
0x1d: {  	s9 =	simm.s32 $0x1;
	s17 =	simm.s32 $0x8;
	[dreg:$0x14] =	wrdreg s8  }
0x1e: {  	s21 =	sshrl.u32 s19, $0x2;
	_ =	strace $0x80000047;
	[dreg:$0x15] =	wrdreg s6  }
0x1f: {  	s23 =	sadd.s32 $0x63800, s20;
	s22 =	sadd.s32 s21, s0;
	[dreg:$0x16] =	wrdreg s5  }
.Ltmp0:
0x20: {  	s26 =	sadd.s32 $0x3C600, s20;
	[dreg:$0x17] =	wrdreg s22;
	(pc) =	sbr.rel .LBB2_1-.Ltmp0, $4  }
0x21: {  	s7 =	simm.s32 $0x6;
	s10 =	simm.s32 $0x3;
	[dreg:$0x18] =	wrdreg s23  }
0x22: {  	s19 =	simm.s32 $0x0;
	s8 =	simm.s32 $0x17C80;
	[dreg:$0x19] =	wrdreg s26  }
0x23: {  	s11 =	simm.s32 $0x13A00;
	[dreg:$0x1a] =	wrdreg s30;
	s22 =	simm.s32 $0x5  }
0x24: {  	s23 =	simm.s32 $0x80;
	s5 =	simm.s32 $0x13980;
	s6 =	simm.s32 $0x13B80  }
.LBB2_10:
0x25: {  	[tilespmem:s31], [sflag:$0x9] =	stream.linear.gather [hbm4b:s26+s2], $0x80, $0x38;
	[tilespmem:$0x1BC80] =	vst v63  }
0x26: {  	s18 =	simm.s32 $0x9  }
0x27: {  	_ =	swait.ge [sflag:s18], $0x80  }
0x28: {  	[sflag:s18] =	ssyncset.done $0x0  }
0x29: {  	[sflag:s18] =	ssyncadd.s32 $0xFFFFFF80  }
0x2a: {  	[tilespmem:s16], [sflag:$0x9] =	stream.linear.gather [hbm4b:s30+s2], $0x80, $0x38;
	[tilespmem:$0x1BC80] =	vst v63  }
0x2b: {  	_ =	swait.ge [sflag:s18], $0x80  }
0x2c: {  	[sflag:s18] =	ssyncset.done $0x0  }
0x2d: {  	[sflag:s18] =	ssyncadd.s32 $0xFFFFFF80  }
0x2e: {  	[tilespmem:s1], [sflag:$0x1] =	stream.indirect.gather [hbm4b:s21+s23], $0x80, s31, s23, $0xb8;
	[tilespmem:$0x1BC80] =	vst v63  }
0x2f: {  	_ =	swait.ge [sflag:s9], $0x4000  }
0x30: {  	[sflag:s9] =	ssyncset.done $0x0  }
0x31: {  	[sflag:s9] =	ssyncadd.s32 $0xFFFFC000  }
0x32: {  	[spmem:s0] =	stream.indirect.scatter.add.f32 [tilespmem:s1], [sflag:$0x9], $0x80, s16, s23, $0xb8;
	[tilespmem:$0x1BC80] =	vst v63  }
0x33: {  	_ =	swait.ge [sflag:s18], $0x4000  }
0x34: {  	[sflag:s18] =	ssyncset.done $0x0  }
0x35: {  	[sflag:s18] =	ssyncadd.s32 $0xFFFFC000  }
0x36: {  	[bflag:$0x0] =	sbarrier.arrive $0xFFFF  }
.LBB2_11:
0x37: {  	s18 =	stileid.u32  }
0x38: {  	s21 =	rddreg [dreg:$0x17];
	s18 =	sshll.u32 s18, $0x6  }
0x39: {  	s30 =	simm.s32 $0x9;
	s21 =	sshrl.u32 s21, $0x3;
	s18 =	sor.u32 $0x1C09, s18  }
0x3a: {  	[hbm:s20], [sflag:s18] =	dma.local [spmem:s21], $0x3E80  }
0x3b: {  	_ =	swait.ge [sflag:s30], $0x3E80  }
0x3c: {  	[sflag:s30] =	ssyncset.done $0x0  }
0x3d: {  	[sflag:s30] =	ssyncadd.s32 $0xFFFFC180  }
.LBB2_12:
0x3e: {  	s19 =	sadd.s32 $0x1, s19;
	s18 =	rddreg [dreg:$0x1a]  }
0x3f: {  	p4 =	sne.s32 s19, s18  }
.Ltmp1:
0x40: {  	_ = 	snop;
	(pc) =	sbr.rel @!p4 .LBB2_13-.Ltmp1, $1  }
0x41: {  	_ =	sdelay $0x3  }
.LBB2_1:
.Ltmp2:
0x42: {  	(pc) =	sbr.rel @!p0 .LBB2_2-.Ltmp2, $4  }
0x43: {  	_ = 	snop  }
0x44: {  	s18 =	stileid.u32  }
0x45: {  	s21 =	sshll.u32 @!p1 s18, $0x6;
	s18 =	rddreg [dreg:$0x17]  }
0x46: {  	s20 =	sshrl.u32 @!p1 s18, $0x3;
	s21 =	sor.u32 @!p1 $0x1C09, s21  }
0x47: {  	s18 =	rddreg [dreg:$0x19]  }
0x48: {  	[spmem:s20], [sflag:s21] =	dma.local @!p1 [hbm:s18], $0x3E80  }
0x49: {  	s18 =	simm.s32 @!p1 $0x9  }
0x4a: {  	_ =	swait.ge @!p1 [sflag:s18], $0x3E80  }
0x4b: {  	[sflag:s18] =	ssyncset.done @!p1 $0x0  }
0x4c: {  	[sflag:s18] =	ssyncadd.s32 @!p1 $0xFFFFC180  }
0x4d: {  	s18 =	simm.s32 $0x0;
	[bflag:$0x0] =	sbarrier.arrive $0xFFFF  }
0x4e: {  	[tilespmem:s31], [sflag:$0x5] =	stream.linear.gather [hbm4b:s4+s18], $0x80, $0x38;
	[tilespmem:$0x1BC80] =	vst v63  }
0x4f: {  	_ = 	snop  }
0x50: {  	[tilespmem:s16], [sflag:$0x5] =	stream.linear.gather [hbm4b:s3+s18], $0x80, $0x38;
	[tilespmem:$0x1BC80] =	vst v63  }
0x51: {  	s26 =	rddreg [dreg:$0x6]  }
0x52: {  	[tilespmem:s28], [sflag:$0x6] =	stream.linear.gather [hbm4b:s26+s18], $0x80, $0x38;
	[tilespmem:$0x1BC80] =	vst v63  }
0x53: {  	s30 =	rddreg [dreg:$0x5]  }
0x54: {  	[tilespmem:s29], [sflag:$0x6] =	stream.linear.gather [hbm4b:s30+s18], $0x80, $0x38;
	[tilespmem:$0x1BC80] =	vst v63  }
0x55: {  	_ =	swait.ge [sflag:s22], $0x80  }
0x56: {  	[sflag:s22] =	ssyncset.done $0x0  }
0x57: {  	[sflag:s22] =	ssyncadd.s32 $0xFFFFFF80  }
0x58: {  	_ =	swait.ge [sflag:s22], $0x80  }
0x59: {  	[sflag:s22] =	ssyncset.done $0x0  }
0x5a: {  	[sflag:s22] =	ssyncadd.s32 $0xFFFFFF80  }
0x5b: {  	[tilespmem:s1], [sflag:$0x1] =	stream.indirect.gather [hbm4b:s25+s23], $0x80, s31, s23, $0xb8;
	[tilespmem:$0x1BC80] =	vst v63  }
0x5c: {  	s21 =	rddreg [dreg:$0x8]  }
0x5d: {  	[tilespmem:s5], [sflag:$0x7] =	stream.linear.gather [hbm4b:s21+s18], $0x80, $0x38;
	[tilespmem:$0x1BC80] =	vst v63  }
0x5e: {  	s26 =	rddreg [dreg:$0x7]  }
0x5f: {  	[tilespmem:s6], [sflag:$0x7] =	stream.linear.gather [hbm4b:s26+s18], $0x80, $0x38;
	[tilespmem:$0x1BC80] =	vst v63  }
0x60: {  	_ =	swait.ge [sflag:s7], $0x80  }
0x61: {  	[sflag:s7] =	ssyncset.done $0x0  }
0x62: {  	[sflag:s7] =	ssyncadd.s32 $0xFFFFFF80  }
0x63: {  	_ =	swait.ge [sflag:s7], $0x80  }
0x64: {  	[sflag:s7] =	ssyncset.done $0x0  }
0x65: {  	[sflag:s7] =	ssyncadd.s32 $0xFFFFFF80  }
0x66: {  	[tilespmem:s8], [sflag:$0x2] =	stream.indirect.gather [hbm4b:s25+s23], $0x80, s28, s23, $0xb8;
	[tilespmem:$0x1BC80] =	vst v63  }
0x67: {  	_ =	swait.ge [sflag:s9], $0x4000  }
0x68: {  	[sflag:s9] =	ssyncset.done $0x0  }
0x69: {  	[sflag:s9] =	ssyncadd.s32 $0xFFFFC000  }
0x6a: {  	[spmem:s0] =	stream.indirect.scatter.add.f32 [tilespmem:s1], [sflag:$0x3], $0x80, s16, s23, $0xb8;
	[tilespmem:$0x1BC80] =	vst v63  }
0x6b: {  	_ =	swait.ge [sflag:s10], $0x4000  }
0x6c: {  	[sflag:s10] =	ssyncset.done $0x0  }
0x6d: {  	s30 =	rddreg [dreg:$0xa];
	[sflag:s10] =	ssyncadd.s32 $0xFFFFC000  }
0x6e: {  	[tilespmem:s11], [sflag:$0x8] =	stream.linear.gather [hbm4b:s30+s18], $0x80, $0x38;
	[tilespmem:$0x1BC80] =	vst v63  }
0x6f: {  	s21 =	rddreg [dreg:$0x9]  }
0x70: {  	[tilespmem:s12], [sflag:$0x8] =	stream.linear.gather [hbm4b:s21+s18], $0x80, $0x38;
	[tilespmem:$0x1BC80] =	vst v63  }
0x71: {  	_ =	swait.ge [sflag:s13], $0x80  }
0x72: {  	[sflag:s13] =	ssyncset.done $0x0  }
0x73: {  	[sflag:s13] =	ssyncadd.s32 $0xFFFFFF80  }
0x74: {  	_ =	swait.ge [sflag:s13], $0x80  }
0x75: {  	[sflag:s13] =	ssyncset.done $0x0  }
0x76: {  	[sflag:s13] =	ssyncadd.s32 $0xFFFFFF80  }
0x77: {  	[tilespmem:s1], [sflag:$0x1] =	stream.indirect.gather [hbm4b:s25+s23], $0x80, s5, s23, $0xb8;
	[tilespmem:$0x1BC80] =	vst v63  }
0x78: {  	_ =	swait.ge [sflag:s14], $0x4000  }
0x79: {  	[sflag:s14] =	ssyncset.done $0x0  }
0x7a: {  	[sflag:s14] =	ssyncadd.s32 $0xFFFFC000  }
0x7b: {  	[spmem:s0] =	stream.indirect.scatter.add.f32 [tilespmem:s8], [sflag:$0x4], $0x80, s29, s23, $0xb8;
	[tilespmem:$0x1BC80] =	vst v63  }
0x7c: {  	_ =	swait.ge [sflag:s15], $0x4000  }
0x7d: {  	[sflag:s15] =	ssyncset.done $0x0  }
0x7e: {  	s26 =	rddreg [dreg:$0xc];
	[sflag:s15] =	ssyncadd.s32 $0xFFFFC000  }
0x7f: {  	[tilespmem:s31], [sflag:$0x5] =	stream.linear.gather [hbm4b:s26+s18], $0x80, $0x38;
	[tilespmem:$0x1BC80] =	vst v63  }
0x80: {  	s30 =	rddreg [dreg:$0xb]  }
0x81: {  	[tilespmem:s16], [sflag:$0x5] =	stream.linear.gather [hbm4b:s30+s18], $0x80, $0x38;
	[tilespmem:$0x1BC80] =	vst v63  }
0x82: {  	_ =	swait.ge [sflag:s17], $0x80  }
0x83: {  	[sflag:s17] =	ssyncset.done $0x0  }
0x84: {  	[sflag:s17] =	ssyncadd.s32 $0xFFFFFF80  }
0x85: {  	_ =	swait.ge [sflag:s17], $0x80  }
0x86: {  	[sflag:s17] =	ssyncset.done $0x0  }
0x87: {  	[sflag:s17] =	ssyncadd.s32 $0xFFFFFF80  }
0x88: {  	[tilespmem:s8], [sflag:$0x2] =	stream.indirect.gather [hbm4b:s25+s23], $0x80, s11, s23, $0xb8;
	[tilespmem:$0x1BC80] =	vst v63  }
0x89: {  	_ =	swait.ge [sflag:s9], $0x4000  }
0x8a: {  	[sflag:s9] =	ssyncset.done $0x0  }
0x8b: {  	[sflag:s9] =	ssyncadd.s32 $0xFFFFC000  }
0x8c: {  	[spmem:s0] =	stream.indirect.scatter.add.f32 [tilespmem:s1], [sflag:$0x3], $0x80, s6, s23, $0xb8;
	[tilespmem:$0x1BC80] =	vst v63  }
0x8d: {  	_ =	swait.ge [sflag:s10], $0x4000  }
0x8e: {  	[sflag:s10] =	ssyncset.done $0x0  }
0x8f: {  	s21 =	rddreg [dreg:$0xe];
	[sflag:s10] =	ssyncadd.s32 $0xFFFFC000  }
0x90: {  	[tilespmem:s28], [sflag:$0x6] =	stream.linear.gather [hbm4b:s21+s18], $0x80, $0x38;
	[tilespmem:$0x1BC80] =	vst v63  }
0x91: {  	s26 =	rddreg [dreg:$0xd]  }
0x92: {  	[tilespmem:s29], [sflag:$0x6] =	stream.linear.gather [hbm4b:s26+s18], $0x80, $0x38;
	[tilespmem:$0x1BC80] =	vst v63  }
0x93: {  	_ =	swait.ge [sflag:s22], $0x80  }
0x94: {  	[sflag:s22] =	ssyncset.done $0x0  }
0x95: {  	[sflag:s22] =	ssyncadd.s32 $0xFFFFFF80  }
0x96: {  	_ =	swait.ge [sflag:s22], $0x80  }
0x97: {  	[sflag:s22] =	ssyncset.done $0x0  }
0x98: {  	[sflag:s22] =	ssyncadd.s32 $0xFFFFFF80  }
0x99: {  	[tilespmem:s1], [sflag:$0x1] =	stream.indirect.gather [hbm4b:s25+s23], $0x80, s31, s23, $0xb8;
	[tilespmem:$0x1BC80] =	vst v63  }
0x9a: {  	_ =	swait.ge [sflag:s14], $0x4000  }
0x9b: {  	[sflag:s14] =	ssyncset.done $0x0  }
0x9c: {  	[sflag:s14] =	ssyncadd.s32 $0xFFFFC000  }
0x9d: {  	[spmem:s0] =	stream.indirect.scatter.add.f32 [tilespmem:s8], [sflag:$0x4], $0x80, s12, s23, $0xb8;
	[tilespmem:$0x1BC80] =	vst v63  }
0x9e: {  	_ =	swait.ge [sflag:s15], $0x4000  }
0x9f: {  	s18 =	sadd.s32 $0x0, s4;
	[sflag:s15] =	ssyncset.done $0x0  }
0xa0: {  	s21 =	sadd.s32 $0x0, s3;
	s30 =	sadd.s32 $0x600, s18;
	[sflag:s15] =	ssyncadd.s32 $0xFFFFC000  }
0xa1: {  	[tilespmem:s5], [sflag:$0x7] =	stream.linear.gather [hbm4b:s30+s2], $0x80, $0x38;
	[tilespmem:$0x1BC80] =	vst v63  }
0xa2: {  	s26 =	sadd.s32 $0x600, s21  }
0xa3: {  	[tilespmem:s6], [sflag:$0x7] =	stream.linear.gather [hbm4b:s26+s2], $0x80, $0x38;
	[tilespmem:$0x1BC80] =	vst v63  }
0xa4: {  	_ =	swait.ge [sflag:s7], $0x80  }
0xa5: {  	[sflag:s7] =	ssyncset.done $0x0  }
0xa6: {  	[sflag:s7] =	ssyncadd.s32 $0xFFFFFF80  }
0xa7: {  	_ =	swait.ge [sflag:s7], $0x80  }
0xa8: {  	[sflag:s7] =	ssyncset.done $0x0  }
0xa9: {  	[sflag:s7] =	ssyncadd.s32 $0xFFFFFF80  }
0xaa: {  	[tilespmem:s8], [sflag:$0x2] =	stream.indirect.gather [hbm4b:s25+s23], $0x80, s28, s23, $0xb8;
	[tilespmem:$0x1BC80] =	vst v63  }
0xab: {  	_ =	swait.ge [sflag:s9], $0x4000  }
0xac: {  	[sflag:s9] =	ssyncset.done $0x0  }
0xad: {  	[sflag:s9] =	ssyncadd.s32 $0xFFFFC000  }
0xae: {  	[spmem:s0] =	stream.indirect.scatter.add.f32 [tilespmem:s1], [sflag:$0x3], $0x80, s16, s23, $0xb8;
	[tilespmem:$0x1BC80] =	vst v63  }
0xaf: {  	_ =	swait.ge [sflag:s10], $0x4000  }
0xb0: {  	[sflag:s10] =	ssyncset.done $0x0  }
0xb1: {  	s30 =	sadd.s32 $0x700, s18;
	[sflag:s10] =	ssyncadd.s32 $0xFFFFC000  }
0xb2: {  	[tilespmem:s11], [sflag:$0x8] =	stream.linear.gather [hbm4b:s30+s2], $0x80, $0x38;
	[tilespmem:$0x1BC80] =	vst v63  }
0xb3: {  	s26 =	sadd.s32 $0x700, s21  }
0xb4: {  	[tilespmem:s12], [sflag:$0x8] =	stream.linear.gather [hbm4b:s26+s2], $0x80, $0x38;
	[tilespmem:$0x1BC80] =	vst v63  }
0xb5: {  	_ =	swait.ge [sflag:s13], $0x80  }
0xb6: {  	[sflag:s13] =	ssyncset.done $0x0  }
0xb7: {  	[sflag:s13] =	ssyncadd.s32 $0xFFFFFF80  }
0xb8: {  	_ =	swait.ge [sflag:s13], $0x80  }
0xb9: {  	[sflag:s13] =	ssyncset.done $0x0  }
0xba: {  	[sflag:s13] =	ssyncadd.s32 $0xFFFFFF80  }
0xbb: {  	[tilespmem:s1], [sflag:$0x1] =	stream.indirect.gather [hbm4b:s25+s23], $0x80, s5, s23, $0xb8;
	[tilespmem:$0x1BC80] =	vst v63  }
0xbc: {  	_ =	swait.ge [sflag:s14], $0x4000  }
0xbd: {  	[sflag:s14] =	ssyncset.done $0x0  }
0xbe: {  	[sflag:s14] =	ssyncadd.s32 $0xFFFFC000  }
0xbf: {  	[spmem:s0] =	stream.indirect.scatter.add.f32 [tilespmem:s8], [sflag:$0x4], $0x80, s29, s23, $0xb8;
	[tilespmem:$0x1BC80] =	vst v63  }
0xc0: {  	_ =	swait.ge [sflag:s15], $0x4000  }
0xc1: {  	[sflag:s15] =	ssyncset.done $0x0  }
0xc2: {  	s30 =	sadd.s32 $0x800, s18;
	[sflag:s15] =	ssyncadd.s32 $0xFFFFC000  }
0xc3: {  	[tilespmem:s31], [sflag:$0x5] =	stream.linear.gather [hbm4b:s30+s2], $0x80, $0x38;
	[tilespmem:$0x1BC80] =	vst v63  }
0xc4: {  	s26 =	sadd.s32 $0x800, s21  }
0xc5: {  	[tilespmem:s16], [sflag:$0x5] =	stream.linear.gather [hbm4b:s26+s2], $0x80, $0x38;
	[tilespmem:$0x1BC80] =	vst v63  }
0xc6: {  	_ =	swait.ge [sflag:s17], $0x80  }
0xc7: {  	[sflag:s17] =	ssyncset.done $0x0  }
0xc8: {  	[sflag:s17] =	ssyncadd.s32 $0xFFFFFF80  }
0xc9: {  	_ =	swait.ge [sflag:s17], $0x80  }
0xca: {  	[sflag:s17] =	ssyncset.done $0x0  }
0xcb: {  	[sflag:s17] =	ssyncadd.s32 $0xFFFFFF80  }
0xcc: {  	[tilespmem:s8], [sflag:$0x2] =	stream.indirect.gather [hbm4b:s25+s23], $0x80, s11, s23, $0xb8;
	[tilespmem:$0x1BC80] =	vst v63  }
0xcd: {  	_ =	swait.ge [sflag:s9], $0x4000  }
0xce: {  	[sflag:s9] =	ssyncset.done $0x0  }
0xcf: {  	[sflag:s9] =	ssyncadd.s32 $0xFFFFC000  }
0xd0: {  	[spmem:s0] =	stream.indirect.scatter.add.f32 [tilespmem:s1], [sflag:$0x3], $0x80, s6, s23, $0xb8;
	[tilespmem:$0x1BC80] =	vst v63  }
0xd1: {  	_ =	swait.ge [sflag:s10], $0x4000  }
0xd2: {  	[sflag:s10] =	ssyncset.done $0x0  }
0xd3: {  	s18 =	sadd.s32 $0x900, s18;
	[sflag:s10] =	ssyncadd.s32 $0xFFFFC000  }
0xd4: {  	[tilespmem:s28], [sflag:$0x6] =	stream.linear.gather [hbm4b:s18+s2], $0x80, $0x38;
	[tilespmem:$0x1BC80] =	vst v63  }
0xd5: {  	s30 =	sadd.s32 $0x900, s21  }
0xd6: {  	[tilespmem:s29], [sflag:$0x6] =	stream.linear.gather [hbm4b:s30+s2], $0x80, $0x38;
	[tilespmem:$0x1BC80] =	vst v63  }
0xd7: {  	_ =	swait.ge [sflag:s22], $0x80  }
0xd8: {  	[sflag:s22] =	ssyncset.done $0x0  }
0xd9: {  	[sflag:s22] =	ssyncadd.s32 $0xFFFFFF80  }
0xda: {  	_ =	swait.ge [sflag:s22], $0x80  }
0xdb: {  	[sflag:s22] =	ssyncset.done $0x0  }
0xdc: {  	[sflag:s22] =	ssyncadd.s32 $0xFFFFFF80  }
0xdd: {  	[tilespmem:s1], [sflag:$0x1] =	stream.indirect.gather [hbm4b:s25+s23], $0x80, s31, s23, $0xb8;
	[tilespmem:$0x1BC80] =	vst v63  }
0xde: {  	_ =	swait.ge [sflag:s14], $0x4000  }
0xdf: {  	[sflag:s14] =	ssyncset.done $0x0  }
0xe0: {  	s20 =	simm.s32 $0x400;
	[sflag:s14] =	ssyncadd.s32 $0xFFFFC000  }
.LBB2_7:
0xe1: {  	[spmem:s0] =	stream.indirect.scatter.add.f32 [tilespmem:s8], [sflag:$0x4], $0x80, s12, s23, $0xb8;
	[tilespmem:$0x1BC80] =	vst v63  }
0xe2: {  	s18 =	smov.u32 s20  }
0xe3: {  	p4 =	sne.s32 s20, $0x9000;
	s20 =	sadd.s32 $0x400, s20;
	_ =	swait.ge [sflag:s15], $0x4000  }
0xe4: {  	s21 =	sadd.s32 s18, s4;
	[sflag:s15] =	ssyncset.done $0x0  }
0xe5: {  	s30 =	sadd.s32 s18, s3;
	s26 =	sadd.s32 $0x600, s21;
	[sflag:s15] =	ssyncadd.s32 $0xFFFFC000  }
0xe6: {  	[tilespmem:s5], [sflag:$0x7] =	stream.linear.gather [hbm4b:s26+s2], $0x80, $0x38;
	[tilespmem:$0x1BC80] =	vst v63  }
0xe7: {  	s18 =	sadd.s32 $0x600, s30  }
0xe8: {  	[tilespmem:s6], [sflag:$0x7] =	stream.linear.gather [hbm4b:s18+s2], $0x80, $0x38;
	[tilespmem:$0x1BC80] =	vst v63  }
0xe9: {  	_ =	swait.ge [sflag:s7], $0x80  }
0xea: {  	[sflag:s7] =	ssyncset.done $0x0  }
0xeb: {  	[sflag:s7] =	ssyncadd.s32 $0xFFFFFF80  }
0xec: {  	_ =	swait.ge [sflag:s7], $0x80  }
0xed: {  	[sflag:s7] =	ssyncset.done $0x0  }
0xee: {  	[sflag:s7] =	ssyncadd.s32 $0xFFFFFF80  }
0xef: {  	[tilespmem:s8], [sflag:$0x2] =	stream.indirect.gather [hbm4b:s25+s23], $0x80, s28, s23, $0xb8;
	[tilespmem:$0x1BC80] =	vst v63  }
0xf0: {  	_ =	swait.ge [sflag:s9], $0x4000  }
0xf1: {  	[sflag:s9] =	ssyncset.done $0x0  }
0xf2: {  	[sflag:s9] =	ssyncadd.s32 $0xFFFFC000  }
0xf3: {  	[spmem:s0] =	stream.indirect.scatter.add.f32 [tilespmem:s1], [sflag:$0x3], $0x80, s16, s23, $0xb8;
	[tilespmem:$0x1BC80] =	vst v63  }
0xf4: {  	_ =	swait.ge [sflag:s10], $0x4000  }
0xf5: {  	[sflag:s10] =	ssyncset.done $0x0  }
0xf6: {  	s18 =	sadd.s32 $0x700, s21;
	[sflag:s10] =	ssyncadd.s32 $0xFFFFC000  }
0xf7: {  	[tilespmem:s11], [sflag:$0x8] =	stream.linear.gather [hbm4b:s18+s2], $0x80, $0x38;
	[tilespmem:$0x1BC80] =	vst v63  }
0xf8: {  	s18 =	sadd.s32 $0x700, s30  }
0xf9: {  	[tilespmem:s12], [sflag:$0x8] =	stream.linear.gather [hbm4b:s18+s2], $0x80, $0x38;
	[tilespmem:$0x1BC80] =	vst v63  }
0xfa: {  	_ =	swait.ge [sflag:s13], $0x80  }
0xfb: {  	[sflag:s13] =	ssyncset.done $0x0  }
0xfc: {  	[sflag:s13] =	ssyncadd.s32 $0xFFFFFF80  }
0xfd: {  	_ =	swait.ge [sflag:s13], $0x80  }
0xfe: {  	[sflag:s13] =	ssyncset.done $0x0  }
0xff: {  	[sflag:s13] =	ssyncadd.s32 $0xFFFFFF80  }
0x100: {  	[tilespmem:s1], [sflag:$0x1] =	stream.indirect.gather [hbm4b:s25+s23], $0x80, s5, s23, $0xb8;
	[tilespmem:$0x1BC80] =	vst v63  }
0x101: {  	_ =	swait.ge [sflag:s14], $0x4000  }
0x102: {  	[sflag:s14] =	ssyncset.done $0x0  }
0x103: {  	[sflag:s14] =	ssyncadd.s32 $0xFFFFC000  }
0x104: {  	[spmem:s0] =	stream.indirect.scatter.add.f32 [tilespmem:s8], [sflag:$0x4], $0x80, s29, s23, $0xb8;
	[tilespmem:$0x1BC80] =	vst v63  }
0x105: {  	_ =	swait.ge [sflag:s15], $0x4000  }
0x106: {  	[sflag:s15] =	ssyncset.done $0x0  }
0x107: {  	s18 =	sadd.s32 $0x800, s21;
	[sflag:s15] =	ssyncadd.s32 $0xFFFFC000  }
0x108: {  	[tilespmem:s31], [sflag:$0x5] =	stream.linear.gather [hbm4b:s18+s2], $0x80, $0x38;
	[tilespmem:$0x1BC80] =	vst v63  }
0x109: {  	s18 =	sadd.s32 $0x800, s30  }
0x10a: {  	[tilespmem:s16], [sflag:$0x5] =	stream.linear.gather [hbm4b:s18+s2], $0x80, $0x38;
	[tilespmem:$0x1BC80] =	vst v63  }
0x10b: {  	_ =	swait.ge [sflag:s17], $0x80  }
0x10c: {  	[sflag:s17] =	ssyncset.done $0x0  }
0x10d: {  	[sflag:s17] =	ssyncadd.s32 $0xFFFFFF80  }
0x10e: {  	_ =	swait.ge [sflag:s17], $0x80  }
0x10f: {  	[sflag:s17] =	ssyncset.done $0x0  }
0x110: {  	[sflag:s17] =	ssyncadd.s32 $0xFFFFFF80  }
0x111: {  	[tilespmem:s8], [sflag:$0x2] =	stream.indirect.gather [hbm4b:s25+s23], $0x80, s11, s23, $0xb8;
	[tilespmem:$0x1BC80] =	vst v63  }
0x112: {  	_ =	swait.ge [sflag:s9], $0x4000  }
0x113: {  	[sflag:s9] =	ssyncset.done $0x0  }
0x114: {  	[sflag:s9] =	ssyncadd.s32 $0xFFFFC000  }
0x115: {  	[spmem:s0] =	stream.indirect.scatter.add.f32 [tilespmem:s1], [sflag:$0x3], $0x80, s6, s23, $0xb8;
	[tilespmem:$0x1BC80] =	vst v63  }
0x116: {  	_ =	swait.ge [sflag:s10], $0x4000  }
0x117: {  	[sflag:s10] =	ssyncset.done $0x0  }
0x118: {  	s18 =	sadd.s32 $0x900, s21;
	[sflag:s10] =	ssyncadd.s32 $0xFFFFC000  }
0x119: {  	[tilespmem:s28], [sflag:$0x6] =	stream.linear.gather [hbm4b:s18+s2], $0x80, $0x38;
	[tilespmem:$0x1BC80] =	vst v63  }
0x11a: {  	s18 =	sadd.s32 $0x900, s30  }
0x11b: {  	[tilespmem:s29], [sflag:$0x6] =	stream.linear.gather [hbm4b:s18+s2], $0x80, $0x38;
	[tilespmem:$0x1BC80] =	vst v63  }
0x11c: {  	_ =	swait.ge [sflag:s22], $0x80  }
0x11d: {  	[sflag:s22] =	ssyncset.done $0x0  }
0x11e: {  	[sflag:s22] =	ssyncadd.s32 $0xFFFFFF80  }
0x11f: {  	_ =	swait.ge [sflag:s22], $0x80  }
0x120: {  	[sflag:s22] =	ssyncset.done $0x0  }
.Ltmp3:
0x121: {  	[sflag:s22] =	ssyncadd.s32 $0xFFFFFF80;
	(pc) =	sbr.rel @p4 .LBB2_7-.Ltmp3, $4  }
0x122: {  	[tilespmem:s1], [sflag:$0x1] =	stream.indirect.gather [hbm4b:s25+s23], $0x80, s31, s23, $0xb8;
	[tilespmem:$0x1BC80] =	vst v63  }
0x123: {  	_ =	swait.ge [sflag:s14], $0x4000  }
0x124: {  	[sflag:s14] =	ssyncset.done $0x0  }
0x125: {  	[sflag:s14] =	ssyncadd.s32 $0xFFFFC000  }
0x126: {  	[spmem:s0] =	stream.indirect.scatter.add.f32 [tilespmem:s8], [sflag:$0x4], $0x80, s12, s23, $0xb8;
	[tilespmem:$0x1BC80] =	vst v63  }
0x127: {  	_ =	swait.ge [sflag:s15], $0x4000  }
0x128: {  	[sflag:s15] =	ssyncset.done $0x0  }
0x129: {  	s18 =	rddreg [dreg:$0x10];
	[sflag:s15] =	ssyncadd.s32 $0xFFFFC000  }
0x12a: {  	[tilespmem:s5], [sflag:$0x7] =	stream.linear.gather [hbm4b:s18+s2], $0x80, $0x38;
	[tilespmem:$0x1BC80] =	vst v63  }
0x12b: {  	s20 =	rddreg [dreg:$0xf]  }
0x12c: {  	[tilespmem:s6], [sflag:$0x7] =	stream.linear.gather [hbm4b:s20+s2], $0x80, $0x38;
	[tilespmem:$0x1BC80] =	vst v63  }
0x12d: {  	_ =	swait.ge [sflag:s7], $0x80  }
0x12e: {  	[sflag:s7] =	ssyncset.done $0x0  }
0x12f: {  	[sflag:s7] =	ssyncadd.s32 $0xFFFFFF80  }
0x130: {  	_ =	swait.ge [sflag:s7], $0x80  }
0x131: {  	[sflag:s7] =	ssyncset.done $0x0  }
0x132: {  	[sflag:s7] =	ssyncadd.s32 $0xFFFFFF80  }
0x133: {  	[tilespmem:s8], [sflag:$0x2] =	stream.indirect.gather [hbm4b:s25+s23], $0x80, s28, s23, $0xb8;
	[tilespmem:$0x1BC80] =	vst v63  }
0x134: {  	_ =	swait.ge [sflag:s9], $0x4000  }
0x135: {  	[sflag:s9] =	ssyncset.done $0x0  }
0x136: {  	[sflag:s9] =	ssyncadd.s32 $0xFFFFC000  }
0x137: {  	[spmem:s0] =	stream.indirect.scatter.add.f32 [tilespmem:s1], [sflag:$0x3], $0x80, s16, s23, $0xb8;
	[tilespmem:$0x1BC80] =	vst v63  }
0x138: {  	_ =	swait.ge [sflag:s10], $0x4000  }
0x139: {  	[sflag:s10] =	ssyncset.done $0x0  }
0x13a: {  	s21 =	rddreg [dreg:$0x12];
	[sflag:s10] =	ssyncadd.s32 $0xFFFFC000  }
0x13b: {  	[tilespmem:s11], [sflag:$0x8] =	stream.linear.gather [hbm4b:s21+s2], $0x80, $0x38;
	[tilespmem:$0x1BC80] =	vst v63  }
0x13c: {  	s26 =	rddreg [dreg:$0x11]  }
0x13d: {  	[tilespmem:s12], [sflag:$0x8] =	stream.linear.gather [hbm4b:s26+s2], $0x80, $0x38;
	[tilespmem:$0x1BC80] =	vst v63  }
0x13e: {  	_ =	swait.ge [sflag:s13], $0x80  }
0x13f: {  	[sflag:s13] =	ssyncset.done $0x0  }
0x140: {  	[sflag:s13] =	ssyncadd.s32 $0xFFFFFF80  }
0x141: {  	_ =	swait.ge [sflag:s13], $0x80  }
0x142: {  	[sflag:s13] =	ssyncset.done $0x0  }
0x143: {  	[sflag:s13] =	ssyncadd.s32 $0xFFFFFF80  }
0x144: {  	[tilespmem:s1], [sflag:$0x1] =	stream.indirect.gather [hbm4b:s25+s23], $0x80, s5, s23, $0xb8;
	[tilespmem:$0x1BC80] =	vst v63  }
0x145: {  	_ =	swait.ge [sflag:s14], $0x4000  }
0x146: {  	[sflag:s14] =	ssyncset.done $0x0  }
0x147: {  	[sflag:s14] =	ssyncadd.s32 $0xFFFFC000  }
0x148: {  	[spmem:s0] =	stream.indirect.scatter.add.f32 [tilespmem:s8], [sflag:$0x4], $0x80, s29, s23, $0xb8;
	[tilespmem:$0x1BC80] =	vst v63  }
0x149: {  	_ =	swait.ge [sflag:s15], $0x4000  }
0x14a: {  	[sflag:s15] =	ssyncset.done $0x0  }
0x14b: {  	[sflag:s15] =	ssyncadd.s32 $0xFFFFC000  }
0x14c: {  	_ =	swait.ge [sflag:s17], $0x80  }
0x14d: {  	[sflag:s17] =	ssyncset.done $0x0  }
0x14e: {  	[sflag:s17] =	ssyncadd.s32 $0xFFFFFF80  }
0x14f: {  	_ =	swait.ge [sflag:s17], $0x80  }
0x150: {  	[sflag:s17] =	ssyncset.done $0x0  }
0x151: {  	[sflag:s17] =	ssyncadd.s32 $0xFFFFFF80  }
0x152: {  	[tilespmem:s8], [sflag:$0x2] =	stream.indirect.gather [hbm4b:s25+s23], $0x80, s11, s23, $0xb8;
	[tilespmem:$0x1BC80] =	vst v63  }
0x153: {  	_ =	swait.ge [sflag:s9], $0x4000  }
0x154: {  	[sflag:s9] =	ssyncset.done $0x0  }
0x155: {  	[sflag:s9] =	ssyncadd.s32 $0xFFFFC000  }
0x156: {  	[spmem:s0] =	stream.indirect.scatter.add.f32 [tilespmem:s1], [sflag:$0x3], $0x80, s6, s23, $0xb8;
	[tilespmem:$0x1BC80] =	vst v63  }
0x157: {  	_ =	swait.ge [sflag:s10], $0x4000  }
0x158: {  	[sflag:s10] =	ssyncset.done $0x0  }
0x159: {  	[sflag:s10] =	ssyncadd.s32 $0xFFFFC000  }
0x15a: {  	_ =	swait.ge [sflag:s14], $0x4000  }
0x15b: {  	[sflag:s14] =	ssyncset.done $0x0  }
0x15c: {  	[sflag:s14] =	ssyncadd.s32 $0xFFFFC000  }
0x15d: {  	[spmem:s0] =	stream.indirect.scatter.add.f32 [tilespmem:s8], [sflag:$0x4], $0x80, s12, s23, $0xb8;
	[tilespmem:$0x1BC80] =	vst v63  }
.Ltmp4:
0x15e: {  	_ = 	snop;
	(pc) =	sbr.rel @p2 .LBB2_10-.Ltmp4, $4  }
0x15f: {  	_ =	swait.ge [sflag:s15], $0x4000  }
0x160: {  	s26 =	rddreg [dreg:$0x14]  }
0x161: {  	[sflag:s15] =	ssyncset.done $0x0;
	s30 =	rddreg [dreg:$0x13]  }
0x162: {  	s21 =	smov.u32 s25;
	s20 =	rddreg [dreg:$0x16];
	[sflag:s15] =	ssyncadd.s32 $0xFFFFC000  }
.Ltmp5:
0x163: {  	(pc) =	sbr.rel @p3 .LBB2_11-.Ltmp5, $4  }
.Ltmp6:
0x164: {  	(pc) =	sbr.rel @!p3 .LBB2_12-.Ltmp6, $4  }
0x165: {  	_ = 	snop  }
0x166: {  	[bflag:$0x0] =	sbarrier.arrive $0xFFFF  }
0x167: {  	s20 =	rddreg [dreg:$0x16]  }
0x168: {  	_ = 	snop  }
.LBB2_2:
0x169: {  	s18 =	rddreg [dreg:$0x18]  }
0x16a: {  	[spmem:s20], [sflag:s21] =	dma.local @!p1 [hbm:s18], $0x3E80  }
0x16b: {  	s20 =	simm.s32 @!p1 $0x9  }
0x16c: {  	_ =	swait.ge @!p1 [sflag:s20], $0x3E80  }
0x16d: {  	[sflag:s20] =	ssyncset.done @!p1 $0x0  }
0x16e: {  	[sflag:s20] =	ssyncadd.s32 @!p1 $0xFFFFC180  }
0x16f: {  	s20 =	simm.s32 $0x0;
	[bflag:$0x0] =	sbarrier.arrive $0xFFFF  }
0x170: {  	[tilespmem:s31], [sflag:$0x5] =	stream.linear.gather [hbm4b:s3+s20], $0x80, $0x38;
	[tilespmem:$0x1BC80] =	vst v63  }
0x171: {  	_ = 	snop  }
0x172: {  	[tilespmem:s16], [sflag:$0x5] =	stream.linear.gather [hbm4b:s4+s20], $0x80, $0x38;
	[tilespmem:$0x1BC80] =	vst v63  }
0x173: {  	s26 =	rddreg [dreg:$0x5]  }
0x174: {  	[tilespmem:s28], [sflag:$0x6] =	stream.linear.gather [hbm4b:s26+s20], $0x80, $0x38;
	[tilespmem:$0x1BC80] =	vst v63  }
0x175: {  	s30 =	rddreg [dreg:$0x6]  }
0x176: {  	[tilespmem:s29], [sflag:$0x6] =	stream.linear.gather [hbm4b:s30+s20], $0x80, $0x38;
	[tilespmem:$0x1BC80] =	vst v63  }
0x177: {  	_ =	swait.ge [sflag:s22], $0x80  }
0x178: {  	[sflag:s22] =	ssyncset.done $0x0  }
0x179: {  	[sflag:s22] =	ssyncadd.s32 $0xFFFFFF80  }
0x17a: {  	_ =	swait.ge [sflag:s22], $0x80  }
0x17b: {  	[sflag:s22] =	ssyncset.done $0x0  }
0x17c: {  	[sflag:s22] =	ssyncadd.s32 $0xFFFFFF80  }
0x17d: {  	[tilespmem:s1], [sflag:$0x1] =	stream.indirect.gather [hbm4b:s24+s23], $0x80, s31, s23, $0xb8;
	[tilespmem:$0x1BC80] =	vst v63  }
0x17e: {  	s21 =	rddreg [dreg:$0x7]  }
0x17f: {  	[tilespmem:s5], [sflag:$0x7] =	stream.linear.gather [hbm4b:s21+s20], $0x80, $0x38;
	[tilespmem:$0x1BC80] =	vst v63  }
0x180: {  	s26 =	rddreg [dreg:$0x8]  }
0x181: {  	[tilespmem:s6], [sflag:$0x7] =	stream.linear.gather [hbm4b:s26+s20], $0x80, $0x38;
	[tilespmem:$0x1BC80] =	vst v63  }
0x182: {  	_ =	swait.ge [sflag:s7], $0x80  }
0x183: {  	[sflag:s7] =	ssyncset.done $0x0  }
0x184: {  	[sflag:s7] =	ssyncadd.s32 $0xFFFFFF80  }
0x185: {  	_ =	swait.ge [sflag:s7], $0x80  }
0x186: {  	[sflag:s7] =	ssyncset.done $0x0  }
0x187: {  	[sflag:s7] =	ssyncadd.s32 $0xFFFFFF80  }
0x188: {  	[tilespmem:s8], [sflag:$0x2] =	stream.indirect.gather [hbm4b:s24+s23], $0x80, s28, s23, $0xb8;
	[tilespmem:$0x1BC80] =	vst v63  }
0x189: {  	_ =	swait.ge [sflag:s9], $0x4000  }
0x18a: {  	[sflag:s9] =	ssyncset.done $0x0  }
0x18b: {  	[sflag:s9] =	ssyncadd.s32 $0xFFFFC000  }
0x18c: {  	[spmem:s0] =	stream.indirect.scatter.add.f32 [tilespmem:s1], [sflag:$0x3], $0x80, s16, s23, $0xb8;
	[tilespmem:$0x1BC80] =	vst v63  }
0x18d: {  	_ =	swait.ge [sflag:s10], $0x4000  }
0x18e: {  	[sflag:s10] =	ssyncset.done $0x0  }
0x18f: {  	s30 =	rddreg [dreg:$0x9];
	[sflag:s10] =	ssyncadd.s32 $0xFFFFC000  }
0x190: {  	[tilespmem:s11], [sflag:$0x8] =	stream.linear.gather [hbm4b:s30+s20], $0x80, $0x38;
	[tilespmem:$0x1BC80] =	vst v63  }
0x191: {  	s21 =	rddreg [dreg:$0xa]  }
0x192: {  	[tilespmem:s12], [sflag:$0x8] =	stream.linear.gather [hbm4b:s21+s20], $0x80, $0x38;
	[tilespmem:$0x1BC80] =	vst v63  }
0x193: {  	_ =	swait.ge [sflag:s13], $0x80  }
0x194: {  	[sflag:s13] =	ssyncset.done $0x0  }
0x195: {  	[sflag:s13] =	ssyncadd.s32 $0xFFFFFF80  }
0x196: {  	_ =	swait.ge [sflag:s13], $0x80  }
0x197: {  	[sflag:s13] =	ssyncset.done $0x0  }
0x198: {  	[sflag:s13] =	ssyncadd.s32 $0xFFFFFF80  }
0x199: {  	[tilespmem:s1], [sflag:$0x1] =	stream.indirect.gather [hbm4b:s24+s23], $0x80, s5, s23, $0xb8;
	[tilespmem:$0x1BC80] =	vst v63  }
0x19a: {  	_ =	swait.ge [sflag:s14], $0x4000  }
0x19b: {  	[sflag:s14] =	ssyncset.done $0x0  }
0x19c: {  	[sflag:s14] =	ssyncadd.s32 $0xFFFFC000  }
0x19d: {  	[spmem:s0] =	stream.indirect.scatter.add.f32 [tilespmem:s8], [sflag:$0x4], $0x80, s29, s23, $0xb8;
	[tilespmem:$0x1BC80] =	vst v63  }
0x19e: {  	_ =	swait.ge [sflag:s15], $0x4000  }
0x19f: {  	[sflag:s15] =	ssyncset.done $0x0  }
0x1a0: {  	s26 =	rddreg [dreg:$0xb];
	[sflag:s15] =	ssyncadd.s32 $0xFFFFC000  }
0x1a1: {  	[tilespmem:s31], [sflag:$0x5] =	stream.linear.gather [hbm4b:s26+s20], $0x80, $0x38;
	[tilespmem:$0x1BC80] =	vst v63  }
0x1a2: {  	s30 =	rddreg [dreg:$0xc]  }
0x1a3: {  	[tilespmem:s16], [sflag:$0x5] =	stream.linear.gather [hbm4b:s30+s20], $0x80, $0x38;
	[tilespmem:$0x1BC80] =	vst v63  }
0x1a4: {  	_ =	swait.ge [sflag:s17], $0x80  }
0x1a5: {  	[sflag:s17] =	ssyncset.done $0x0  }
0x1a6: {  	[sflag:s17] =	ssyncadd.s32 $0xFFFFFF80  }
0x1a7: {  	_ =	swait.ge [sflag:s17], $0x80  }
0x1a8: {  	[sflag:s17] =	ssyncset.done $0x0  }
0x1a9: {  	[sflag:s17] =	ssyncadd.s32 $0xFFFFFF80  }
0x1aa: {  	[tilespmem:s8], [sflag:$0x2] =	stream.indirect.gather [hbm4b:s24+s23], $0x80, s11, s23, $0xb8;
	[tilespmem:$0x1BC80] =	vst v63  }
0x1ab: {  	_ =	swait.ge [sflag:s9], $0x4000  }
0x1ac: {  	[sflag:s9] =	ssyncset.done $0x0  }
0x1ad: {  	[sflag:s9] =	ssyncadd.s32 $0xFFFFC000  }
0x1ae: {  	[spmem:s0] =	stream.indirect.scatter.add.f32 [tilespmem:s1], [sflag:$0x3], $0x80, s6, s23, $0xb8;
	[tilespmem:$0x1BC80] =	vst v63  }
0x1af: {  	_ =	swait.ge [sflag:s10], $0x4000  }
0x1b0: {  	[sflag:s10] =	ssyncset.done $0x0  }
0x1b1: {  	s21 =	rddreg [dreg:$0xd];
	[sflag:s10] =	ssyncadd.s32 $0xFFFFC000  }
0x1b2: {  	[tilespmem:s28], [sflag:$0x6] =	stream.linear.gather [hbm4b:s21+s20], $0x80, $0x38;
	[tilespmem:$0x1BC80] =	vst v63  }
0x1b3: {  	s26 =	rddreg [dreg:$0xe]  }
0x1b4: {  	[tilespmem:s29], [sflag:$0x6] =	stream.linear.gather [hbm4b:s26+s20], $0x80, $0x38;
	[tilespmem:$0x1BC80] =	vst v63  }
0x1b5: {  	_ =	swait.ge [sflag:s22], $0x80  }
0x1b6: {  	[sflag:s22] =	ssyncset.done $0x0  }
0x1b7: {  	[sflag:s22] =	ssyncadd.s32 $0xFFFFFF80  }
0x1b8: {  	_ =	swait.ge [sflag:s22], $0x80  }
0x1b9: {  	[sflag:s22] =	ssyncset.done $0x0  }
0x1ba: {  	[sflag:s22] =	ssyncadd.s32 $0xFFFFFF80  }
0x1bb: {  	[tilespmem:s1], [sflag:$0x1] =	stream.indirect.gather [hbm4b:s24+s23], $0x80, s31, s23, $0xb8;
	[tilespmem:$0x1BC80] =	vst v63  }
0x1bc: {  	_ =	swait.ge [sflag:s14], $0x4000  }
0x1bd: {  	[sflag:s14] =	ssyncset.done $0x0  }
0x1be: {  	[sflag:s14] =	ssyncadd.s32 $0xFFFFC000  }
0x1bf: {  	[spmem:s0] =	stream.indirect.scatter.add.f32 [tilespmem:s8], [sflag:$0x4], $0x80, s12, s23, $0xb8;
	[tilespmem:$0x1BC80] =	vst v63  }
0x1c0: {  	_ =	swait.ge [sflag:s15], $0x4000  }
0x1c1: {  	s20 =	sadd.s32 $0x0, s3;
	[sflag:s15] =	ssyncset.done $0x0  }
0x1c2: {  	s26 =	sadd.s32 $0x0, s4;
	s30 =	sadd.s32 $0x600, s20;
	[sflag:s15] =	ssyncadd.s32 $0xFFFFC000  }
0x1c3: {  	[tilespmem:s5], [sflag:$0x7] =	stream.linear.gather [hbm4b:s30+s2], $0x80, $0x38;
	[tilespmem:$0x1BC80] =	vst v63  }
0x1c4: {  	s18 =	sadd.s32 $0x600, s26  }
0x1c5: {  	[tilespmem:s6], [sflag:$0x7] =	stream.linear.gather [hbm4b:s18+s2], $0x80, $0x38;
	[tilespmem:$0x1BC80] =	vst v63  }
0x1c6: {  	_ =	swait.ge [sflag:s7], $0x80  }
0x1c7: {  	[sflag:s7] =	ssyncset.done $0x0  }
0x1c8: {  	[sflag:s7] =	ssyncadd.s32 $0xFFFFFF80  }
0x1c9: {  	_ =	swait.ge [sflag:s7], $0x80  }
0x1ca: {  	[sflag:s7] =	ssyncset.done $0x0  }
0x1cb: {  	[sflag:s7] =	ssyncadd.s32 $0xFFFFFF80  }
0x1cc: {  	[tilespmem:s8], [sflag:$0x2] =	stream.indirect.gather [hbm4b:s24+s23], $0x80, s28, s23, $0xb8;
	[tilespmem:$0x1BC80] =	vst v63  }
0x1cd: {  	_ =	swait.ge [sflag:s9], $0x4000  }
0x1ce: {  	[sflag:s9] =	ssyncset.done $0x0  }
0x1cf: {  	[sflag:s9] =	ssyncadd.s32 $0xFFFFC000  }
0x1d0: {  	[spmem:s0] =	stream.indirect.scatter.add.f32 [tilespmem:s1], [sflag:$0x3], $0x80, s16, s23, $0xb8;
	[tilespmem:$0x1BC80] =	vst v63  }
0x1d1: {  	_ =	swait.ge [sflag:s10], $0x4000  }
0x1d2: {  	[sflag:s10] =	ssyncset.done $0x0  }
0x1d3: {  	s30 =	sadd.s32 $0x700, s20;
	[sflag:s10] =	ssyncadd.s32 $0xFFFFC000  }
0x1d4: {  	[tilespmem:s11], [sflag:$0x8] =	stream.linear.gather [hbm4b:s30+s2], $0x80, $0x38;
	[tilespmem:$0x1BC80] =	vst v63  }
0x1d5: {  	s18 =	sadd.s32 $0x700, s26  }
0x1d6: {  	[tilespmem:s12], [sflag:$0x8] =	stream.linear.gather [hbm4b:s18+s2], $0x80, $0x38;
	[tilespmem:$0x1BC80] =	vst v63  }
0x1d7: {  	_ =	swait.ge [sflag:s13], $0x80  }
0x1d8: {  	[sflag:s13] =	ssyncset.done $0x0  }
0x1d9: {  	[sflag:s13] =	ssyncadd.s32 $0xFFFFFF80  }
0x1da: {  	_ =	swait.ge [sflag:s13], $0x80  }
0x1db: {  	[sflag:s13] =	ssyncset.done $0x0  }
0x1dc: {  	[sflag:s13] =	ssyncadd.s32 $0xFFFFFF80  }
0x1dd: {  	[tilespmem:s1], [sflag:$0x1] =	stream.indirect.gather [hbm4b:s24+s23], $0x80, s5, s23, $0xb8;
	[tilespmem:$0x1BC80] =	vst v63  }
0x1de: {  	_ =	swait.ge [sflag:s14], $0x4000  }
0x1df: {  	[sflag:s14] =	ssyncset.done $0x0  }
0x1e0: {  	[sflag:s14] =	ssyncadd.s32 $0xFFFFC000  }
0x1e1: {  	[spmem:s0] =	stream.indirect.scatter.add.f32 [tilespmem:s8], [sflag:$0x4], $0x80, s29, s23, $0xb8;
	[tilespmem:$0x1BC80] =	vst v63  }
0x1e2: {  	_ =	swait.ge [sflag:s15], $0x4000  }
0x1e3: {  	[sflag:s15] =	ssyncset.done $0x0  }
0x1e4: {  	s30 =	sadd.s32 $0x800, s20;
	[sflag:s15] =	ssyncadd.s32 $0xFFFFC000  }
0x1e5: {  	[tilespmem:s31], [sflag:$0x5] =	stream.linear.gather [hbm4b:s30+s2], $0x80, $0x38;
	[tilespmem:$0x1BC80] =	vst v63  }
0x1e6: {  	s18 =	sadd.s32 $0x800, s26  }
0x1e7: {  	[tilespmem:s16], [sflag:$0x5] =	stream.linear.gather [hbm4b:s18+s2], $0x80, $0x38;
	[tilespmem:$0x1BC80] =	vst v63  }
0x1e8: {  	_ =	swait.ge [sflag:s17], $0x80  }
0x1e9: {  	[sflag:s17] =	ssyncset.done $0x0  }
0x1ea: {  	[sflag:s17] =	ssyncadd.s32 $0xFFFFFF80  }
0x1eb: {  	_ =	swait.ge [sflag:s17], $0x80  }
0x1ec: {  	[sflag:s17] =	ssyncset.done $0x0  }
0x1ed: {  	[sflag:s17] =	ssyncadd.s32 $0xFFFFFF80  }
0x1ee: {  	[tilespmem:s8], [sflag:$0x2] =	stream.indirect.gather [hbm4b:s24+s23], $0x80, s11, s23, $0xb8;
	[tilespmem:$0x1BC80] =	vst v63  }
0x1ef: {  	_ =	swait.ge [sflag:s9], $0x4000  }
0x1f0: {  	[sflag:s9] =	ssyncset.done $0x0  }
0x1f1: {  	[sflag:s9] =	ssyncadd.s32 $0xFFFFC000  }
0x1f2: {  	[spmem:s0] =	stream.indirect.scatter.add.f32 [tilespmem:s1], [sflag:$0x3], $0x80, s6, s23, $0xb8;
	[tilespmem:$0x1BC80] =	vst v63  }
0x1f3: {  	_ =	swait.ge [sflag:s10], $0x4000  }
0x1f4: {  	[sflag:s10] =	ssyncset.done $0x0  }
0x1f5: {  	s20 =	sadd.s32 $0x900, s20;
	[sflag:s10] =	ssyncadd.s32 $0xFFFFC000  }
0x1f6: {  	[tilespmem:s28], [sflag:$0x6] =	stream.linear.gather [hbm4b:s20+s2], $0x80, $0x38;
	[tilespmem:$0x1BC80] =	vst v63  }
0x1f7: {  	s30 =	sadd.s32 $0x900, s26  }
0x1f8: {  	[tilespmem:s29], [sflag:$0x6] =	stream.linear.gather [hbm4b:s30+s2], $0x80, $0x38;
	[tilespmem:$0x1BC80] =	vst v63  }
0x1f9: {  	_ =	swait.ge [sflag:s22], $0x80  }
0x1fa: {  	[sflag:s22] =	ssyncset.done $0x0  }
0x1fb: {  	[sflag:s22] =	ssyncadd.s32 $0xFFFFFF80  }
0x1fc: {  	_ =	swait.ge [sflag:s22], $0x80  }
0x1fd: {  	[sflag:s22] =	ssyncset.done $0x0  }
0x1fe: {  	[sflag:s22] =	ssyncadd.s32 $0xFFFFFF80  }
0x1ff: {  	[tilespmem:s1], [sflag:$0x1] =	stream.indirect.gather [hbm4b:s24+s23], $0x80, s31, s23, $0xb8;
	[tilespmem:$0x1BC80] =	vst v63  }
0x200: {  	_ =	swait.ge [sflag:s14], $0x4000  }
0x201: {  	[sflag:s14] =	ssyncset.done $0x0  }
0x202: {  	s20 =	simm.s32 $0x400;
	[sflag:s14] =	ssyncadd.s32 $0xFFFFC000  }
.LBB2_3:
0x203: {  	[spmem:s0] =	stream.indirect.scatter.add.f32 [tilespmem:s8], [sflag:$0x4], $0x80, s12, s23, $0xb8;
	[tilespmem:$0x1BC80] =	vst v63  }
0x204: {  	s26 =	smov.u32 s20  }
0x205: {  	p4 =	sne.s32 s20, $0x9000;
	s20 =	sadd.s32 $0x400, s20;
	_ =	swait.ge [sflag:s15], $0x4000  }
0x206: {  	s21 =	sadd.s32 s26, s3;
	[sflag:s15] =	ssyncset.done $0x0  }
0x207: {  	s30 =	sadd.s32 s26, s4;
	s18 =	sadd.s32 $0x600, s21;
	[sflag:s15] =	ssyncadd.s32 $0xFFFFC000  }
0x208: {  	[tilespmem:s5], [sflag:$0x7] =	stream.linear.gather [hbm4b:s18+s2], $0x80, $0x38;
	[tilespmem:$0x1BC80] =	vst v63  }
0x209: {  	s18 =	sadd.s32 $0x600, s30  }
0x20a: {  	[tilespmem:s6], [sflag:$0x7] =	stream.linear.gather [hbm4b:s18+s2], $0x80, $0x38;
	[tilespmem:$0x1BC80] =	vst v63  }
0x20b: {  	_ =	swait.ge [sflag:s7], $0x80  }
0x20c: {  	[sflag:s7] =	ssyncset.done $0x0  }
0x20d: {  	[sflag:s7] =	ssyncadd.s32 $0xFFFFFF80  }
0x20e: {  	_ =	swait.ge [sflag:s7], $0x80  }
0x20f: {  	[sflag:s7] =	ssyncset.done $0x0  }
0x210: {  	[sflag:s7] =	ssyncadd.s32 $0xFFFFFF80  }
0x211: {  	[tilespmem:s8], [sflag:$0x2] =	stream.indirect.gather [hbm4b:s24+s23], $0x80, s28, s23, $0xb8;
	[tilespmem:$0x1BC80] =	vst v63  }
0x212: {  	_ =	swait.ge [sflag:s9], $0x4000  }
0x213: {  	[sflag:s9] =	ssyncset.done $0x0  }
0x214: {  	[sflag:s9] =	ssyncadd.s32 $0xFFFFC000  }
0x215: {  	[spmem:s0] =	stream.indirect.scatter.add.f32 [tilespmem:s1], [sflag:$0x3], $0x80, s16, s23, $0xb8;
	[tilespmem:$0x1BC80] =	vst v63  }
0x216: {  	_ =	swait.ge [sflag:s10], $0x4000  }
0x217: {  	[sflag:s10] =	ssyncset.done $0x0  }
0x218: {  	s18 =	sadd.s32 $0x700, s21;
	[sflag:s10] =	ssyncadd.s32 $0xFFFFC000  }
0x219: {  	[tilespmem:s11], [sflag:$0x8] =	stream.linear.gather [hbm4b:s18+s2], $0x80, $0x38;
	[tilespmem:$0x1BC80] =	vst v63  }
0x21a: {  	s18 =	sadd.s32 $0x700, s30  }
0x21b: {  	[tilespmem:s12], [sflag:$0x8] =	stream.linear.gather [hbm4b:s18+s2], $0x80, $0x38;
	[tilespmem:$0x1BC80] =	vst v63  }
0x21c: {  	_ =	swait.ge [sflag:s13], $0x80  }
0x21d: {  	[sflag:s13] =	ssyncset.done $0x0  }
0x21e: {  	[sflag:s13] =	ssyncadd.s32 $0xFFFFFF80  }
0x21f: {  	_ =	swait.ge [sflag:s13], $0x80  }
0x220: {  	[sflag:s13] =	ssyncset.done $0x0  }
0x221: {  	[sflag:s13] =	ssyncadd.s32 $0xFFFFFF80  }
0x222: {  	[tilespmem:s1], [sflag:$0x1] =	stream.indirect.gather [hbm4b:s24+s23], $0x80, s5, s23, $0xb8;
	[tilespmem:$0x1BC80] =	vst v63  }
0x223: {  	_ =	swait.ge [sflag:s14], $0x4000  }
0x224: {  	[sflag:s14] =	ssyncset.done $0x0  }
0x225: {  	[sflag:s14] =	ssyncadd.s32 $0xFFFFC000  }
0x226: {  	[spmem:s0] =	stream.indirect.scatter.add.f32 [tilespmem:s8], [sflag:$0x4], $0x80, s29, s23, $0xb8;
	[tilespmem:$0x1BC80] =	vst v63  }
0x227: {  	_ =	swait.ge [sflag:s15], $0x4000  }
0x228: {  	[sflag:s15] =	ssyncset.done $0x0  }
0x229: {  	s18 =	sadd.s32 $0x800, s21;
	[sflag:s15] =	ssyncadd.s32 $0xFFFFC000  }
0x22a: {  	[tilespmem:s31], [sflag:$0x5] =	stream.linear.gather [hbm4b:s18+s2], $0x80, $0x38;
	[tilespmem:$0x1BC80] =	vst v63  }
0x22b: {  	s18 =	sadd.s32 $0x800, s30  }
0x22c: {  	[tilespmem:s16], [sflag:$0x5] =	stream.linear.gather [hbm4b:s18+s2], $0x80, $0x38;
	[tilespmem:$0x1BC80] =	vst v63  }
0x22d: {  	_ =	swait.ge [sflag:s17], $0x80  }
0x22e: {  	[sflag:s17] =	ssyncset.done $0x0  }
0x22f: {  	[sflag:s17] =	ssyncadd.s32 $0xFFFFFF80  }
0x230: {  	_ =	swait.ge [sflag:s17], $0x80  }
0x231: {  	[sflag:s17] =	ssyncset.done $0x0  }
0x232: {  	[sflag:s17] =	ssyncadd.s32 $0xFFFFFF80  }
0x233: {  	[tilespmem:s8], [sflag:$0x2] =	stream.indirect.gather [hbm4b:s24+s23], $0x80, s11, s23, $0xb8;
	[tilespmem:$0x1BC80] =	vst v63  }
0x234: {  	_ =	swait.ge [sflag:s9], $0x4000  }
0x235: {  	[sflag:s9] =	ssyncset.done $0x0  }
0x236: {  	[sflag:s9] =	ssyncadd.s32 $0xFFFFC000  }
0x237: {  	[spmem:s0] =	stream.indirect.scatter.add.f32 [tilespmem:s1], [sflag:$0x3], $0x80, s6, s23, $0xb8;
	[tilespmem:$0x1BC80] =	vst v63  }
0x238: {  	_ =	swait.ge [sflag:s10], $0x4000  }
0x239: {  	[sflag:s10] =	ssyncset.done $0x0  }
0x23a: {  	s18 =	sadd.s32 $0x900, s21;
	[sflag:s10] =	ssyncadd.s32 $0xFFFFC000  }
0x23b: {  	[tilespmem:s28], [sflag:$0x6] =	stream.linear.gather [hbm4b:s18+s2], $0x80, $0x38;
	[tilespmem:$0x1BC80] =	vst v63  }
0x23c: {  	s18 =	sadd.s32 $0x900, s30  }
0x23d: {  	[tilespmem:s29], [sflag:$0x6] =	stream.linear.gather [hbm4b:s18+s2], $0x80, $0x38;
	[tilespmem:$0x1BC80] =	vst v63  }
0x23e: {  	_ =	swait.ge [sflag:s22], $0x80  }
0x23f: {  	[sflag:s22] =	ssyncset.done $0x0  }
0x240: {  	[sflag:s22] =	ssyncadd.s32 $0xFFFFFF80  }
0x241: {  	_ =	swait.ge [sflag:s22], $0x80  }
0x242: {  	[sflag:s22] =	ssyncset.done $0x0  }
.Ltmp7:
0x243: {  	[sflag:s22] =	ssyncadd.s32 $0xFFFFFF80;
	(pc) =	sbr.rel @p4 .LBB2_3-.Ltmp7, $4  }
0x244: {  	[tilespmem:s1], [sflag:$0x1] =	stream.indirect.gather [hbm4b:s24+s23], $0x80, s31, s23, $0xb8;
	[tilespmem:$0x1BC80] =	vst v63  }
0x245: {  	_ =	swait.ge [sflag:s14], $0x4000  }
0x246: {  	[sflag:s14] =	ssyncset.done $0x0  }
0x247: {  	[sflag:s14] =	ssyncadd.s32 $0xFFFFC000  }
0x248: {  	[spmem:s0] =	stream.indirect.scatter.add.f32 [tilespmem:s8], [sflag:$0x4], $0x80, s12, s23, $0xb8;
	[tilespmem:$0x1BC80] =	vst v63  }
0x249: {  	_ =	swait.ge [sflag:s15], $0x4000  }
0x24a: {  	[sflag:s15] =	ssyncset.done $0x0  }
0x24b: {  	s18 =	rddreg [dreg:$0xf];
	[sflag:s15] =	ssyncadd.s32 $0xFFFFC000  }
0x24c: {  	[tilespmem:s5], [sflag:$0x7] =	stream.linear.gather [hbm4b:s18+s2], $0x80, $0x38;
	[tilespmem:$0x1BC80] =	vst v63  }
0x24d: {  	s20 =	rddreg [dreg:$0x10]  }
0x24e: {  	[tilespmem:s6], [sflag:$0x7] =	stream.linear.gather [hbm4b:s20+s2], $0x80, $0x38;
	[tilespmem:$0x1BC80] =	vst v63  }
0x24f: {  	_ =	swait.ge [sflag:s7], $0x80  }
0x250: {  	[sflag:s7] =	ssyncset.done $0x0  }
0x251: {  	[sflag:s7] =	ssyncadd.s32 $0xFFFFFF80  }
0x252: {  	_ =	swait.ge [sflag:s7], $0x80  }
0x253: {  	[sflag:s7] =	ssyncset.done $0x0  }
0x254: {  	[sflag:s7] =	ssyncadd.s32 $0xFFFFFF80  }
0x255: {  	[tilespmem:s8], [sflag:$0x2] =	stream.indirect.gather [hbm4b:s24+s23], $0x80, s28, s23, $0xb8;
	[tilespmem:$0x1BC80] =	vst v63  }
0x256: {  	_ =	swait.ge [sflag:s9], $0x4000  }
0x257: {  	[sflag:s9] =	ssyncset.done $0x0  }
0x258: {  	[sflag:s9] =	ssyncadd.s32 $0xFFFFC000  }
0x259: {  	[spmem:s0] =	stream.indirect.scatter.add.f32 [tilespmem:s1], [sflag:$0x3], $0x80, s16, s23, $0xb8;
	[tilespmem:$0x1BC80] =	vst v63  }
0x25a: {  	_ =	swait.ge [sflag:s10], $0x4000  }
0x25b: {  	[sflag:s10] =	ssyncset.done $0x0  }
0x25c: {  	s21 =	rddreg [dreg:$0x11];
	[sflag:s10] =	ssyncadd.s32 $0xFFFFC000  }
0x25d: {  	[tilespmem:s11], [sflag:$0x8] =	stream.linear.gather [hbm4b:s21+s2], $0x80, $0x38;
	[tilespmem:$0x1BC80] =	vst v63  }
0x25e: {  	s26 =	rddreg [dreg:$0x12]  }
0x25f: {  	[tilespmem:s12], [sflag:$0x8] =	stream.linear.gather [hbm4b:s26+s2], $0x80, $0x38;
	[tilespmem:$0x1BC80] =	vst v63  }
0x260: {  	_ =	swait.ge [sflag:s13], $0x80  }
0x261: {  	[sflag:s13] =	ssyncset.done $0x0  }
0x262: {  	[sflag:s13] =	ssyncadd.s32 $0xFFFFFF80  }
0x263: {  	_ =	swait.ge [sflag:s13], $0x80  }
0x264: {  	[sflag:s13] =	ssyncset.done $0x0  }
0x265: {  	[sflag:s13] =	ssyncadd.s32 $0xFFFFFF80  }
0x266: {  	[tilespmem:s1], [sflag:$0x1] =	stream.indirect.gather [hbm4b:s24+s23], $0x80, s5, s23, $0xb8;
	[tilespmem:$0x1BC80] =	vst v63  }
0x267: {  	_ =	swait.ge [sflag:s14], $0x4000  }
0x268: {  	[sflag:s14] =	ssyncset.done $0x0  }
0x269: {  	[sflag:s14] =	ssyncadd.s32 $0xFFFFC000  }
0x26a: {  	[spmem:s0] =	stream.indirect.scatter.add.f32 [tilespmem:s8], [sflag:$0x4], $0x80, s29, s23, $0xb8;
	[tilespmem:$0x1BC80] =	vst v63  }
0x26b: {  	_ =	swait.ge [sflag:s15], $0x4000  }
0x26c: {  	[sflag:s15] =	ssyncset.done $0x0  }
0x26d: {  	[sflag:s15] =	ssyncadd.s32 $0xFFFFC000  }
0x26e: {  	_ =	swait.ge [sflag:s17], $0x80  }
0x26f: {  	[sflag:s17] =	ssyncset.done $0x0  }
0x270: {  	[sflag:s17] =	ssyncadd.s32 $0xFFFFFF80  }
0x271: {  	_ =	swait.ge [sflag:s17], $0x80  }
0x272: {  	[sflag:s17] =	ssyncset.done $0x0  }
0x273: {  	[sflag:s17] =	ssyncadd.s32 $0xFFFFFF80  }
0x274: {  	[tilespmem:s8], [sflag:$0x2] =	stream.indirect.gather [hbm4b:s24+s23], $0x80, s11, s23, $0xb8;
	[tilespmem:$0x1BC80] =	vst v63  }
0x275: {  	_ =	swait.ge [sflag:s9], $0x4000  }
0x276: {  	[sflag:s9] =	ssyncset.done $0x0  }
0x277: {  	[sflag:s9] =	ssyncadd.s32 $0xFFFFC000  }
0x278: {  	[spmem:s0] =	stream.indirect.scatter.add.f32 [tilespmem:s1], [sflag:$0x3], $0x80, s6, s23, $0xb8;
	[tilespmem:$0x1BC80] =	vst v63  }
0x279: {  	_ =	swait.ge [sflag:s10], $0x4000  }
0x27a: {  	[sflag:s10] =	ssyncset.done $0x0  }
0x27b: {  	[sflag:s10] =	ssyncadd.s32 $0xFFFFC000  }
0x27c: {  	_ =	swait.ge [sflag:s14], $0x4000  }
0x27d: {  	[sflag:s14] =	ssyncset.done $0x0  }
0x27e: {  	[sflag:s14] =	ssyncadd.s32 $0xFFFFC000  }
0x27f: {  	[spmem:s0] =	stream.indirect.scatter.add.f32 [tilespmem:s8], [sflag:$0x4], $0x80, s12, s23, $0xb8;
	[tilespmem:$0x1BC80] =	vst v63  }
.Ltmp8:
0x280: {  	_ = 	snop;
	(pc) =	sbr.rel @p2 .LBB2_10-.Ltmp8, $4  }
0x281: {  	_ =	swait.ge [sflag:s15], $0x4000  }
0x282: {  	s26 =	rddreg [dreg:$0x13]  }
0x283: {  	[sflag:s15] =	ssyncset.done $0x0;
	s30 =	rddreg [dreg:$0x14]  }
0x284: {  	s21 =	smov.u32 s24;
	s20 =	rddreg [dreg:$0x15];
	[sflag:s15] =	ssyncadd.s32 $0xFFFFC000  }
.Ltmp9:
0x285: {  	(pc) =	sbr.rel @p3 .LBB2_11-.Ltmp9, $4  }
.Ltmp10:
0x286: {  	(pc) =	sbr.rel @!p3 .LBB2_12-.Ltmp10, $4  }
0x287: {  	_ = 	snop  }
0x288: {  	[bflag:$0x0] =	sbarrier.arrive $0xFFFF  }
0x289: {  	s20 =	rddreg [dreg:$0x15]  }
0x28a: {  	_ = 	snop  }
.LBB2_13:
0x28b: {  	_ =	sfence.sel $0x180000  }
0x28c: {  	[bflag:$0x0] =	sbarrier.arrive $0xFFFF  }
0x28d: {  	_ =	strace $0x90000047  }
0x28e: {  	s0 =	stileid.u32;
	[bflag:$0x2] =	sbarrier.arrive $0xFFFF  }
0x28f: {  	p0 =	sne.s32 s0, $0x0;
	s0 =	rddreg [dreg:$0x4]  }
0x290: {  	s0 =	sadd.s32 @!p0 $0x100000, s0  }
0x291: {  	[sflag:s0] =	ssyncadd.tile.s32 @!p0 $0x1;
	_ =	shalt  }
.Lfunc_end2:
_tile_overlayer_lowered:
.L_overlay_start_2:
0x292: {  	(tag) =	ssettag $0x2  }
0x293: {  	s0 =	rddreg [dreg:$0x0];
	s2 =	stileid.u32  }
0x294: {  	s1 =	rddreg [dreg:$0x1];
	p0 =	sne.s32 s2, $0x0  }
0x295: {  	s3 =	rddreg [dreg:$0x2];
	[bflag:$0x3] =	sbarrier.arrive $0xFFFF;
	s2 =	simm.s32 @!p0 $0x1C09  }
0x296: {  	[timem:s3], [sflag:s2] =	dma.local @!p0 [hbm:s0], s1  }
0x297: {  	s0 =	simm.s32 @!p0 $0x9  }
0x298: {  	_ =	swait.ge @!p0 [sflag:s0], s1  }
0x299: {  	s1 =	ssub.s32 @!p0 $0x0, s1;
	[sflag:s0] =	ssyncset.done @!p0 $0x0  }
0x29a: {  	[sflag:s0] =	ssyncadd.s32 @!p0 s1  }
0x29b: {  	[bflag:$0x3] =	sbarrier.arrive $0xFFFF  }
0x29c: {  	_ =	shalt  }

</sc_bundles>
